<compile_context>
chip_gen: v7x
topology: tpu7x:2x2x1
jax: 0.10.2.dev20260603
libtpu: 0.0.44.dev20260713+nightly
codegen_flags: <defaults>
</compile_context>

<pallas_src>
import functools

import jax
import jax.numpy as jnp
from jax import lax
from jax.experimental import pallas as pl
from jax.experimental.pallas import tpu as pltpu
from jax.experimental.pallas import tpu_sc as plsc

BH, BW = 32, 32
NBUF = 4

_GATHER_DNUMS = lax.GatherDimensionNumbers(
    offset_dims=(), collapsed_slice_dims=(0,), start_index_map=(0,))


def _dyn_gather(vec, idx):
    return lax.gather(vec, idx[:, None], _GATHER_DNUMS, slice_sizes=(1,),
                      mode=lax.GatherScatterMode.PROMISE_IN_BOUNDS)


def _perm_wtab(B, C, H, W):
    hb, wb = H // BH, W // BW
    n = hb * wb
    keys = jax.random.split(jax.random.key(42), B)
    perms = jnp.stack([jax.random.permutation(keys[i], n) for i in range(B)])
    si = perms // wb
    sj = perms % wb
    wtab = (si * (BH * wb) + sj).astype(jnp.int32).reshape(-1)
    pad = (B * n + 16 + 15) // 16 * 16 - B * n
    return jnp.concatenate([wtab, jnp.zeros((pad,), jnp.int32)])


def _make_sc_call(B, C, H, W, wtab_len):
    hb, wb = H // BH, W // BW
    n = hb * wb
    rows_total = B * C * H * W // BW
    strip = BH * wb
    region = hb * strip
    n_strips = B * C * hb
    NW = 32
    per_w = n_strips // NW
    n_grp = strip // 16
    n_tri = per_w // NBUF
    assert per_w % NBUF == 0
    mesh = plsc.VectorSubcoreMesh(core_axis_name="c", subcore_axis_name="s")

    @functools.partial(
        pl.kernel,
        out_type=jax.ShapeDtypeStruct((rows_total, BW), jnp.float32),
        mesh=mesh,
        scratch_types=[
            pltpu.VMEM((wtab_len,), jnp.int32),
            pltpu.VMEM((NBUF, 3, 128), jnp.int32),
            pltpu.VMEM((NBUF, strip, BW), jnp.float32),
            [pltpu.SemaphoreType.DMA] * NBUF,
            [pltpu.SemaphoreType.DMA] * NBUF,
        ],
        compiler_params=pltpu.CompilerParams(use_tc_tiling_on_sc=False),
    )
    def sc_call(wtab_hbm, x_hbm, out_hbm, wtab_v, idx_v, rows_v, gsems, ssems):
        cid = lax.axis_index("c")
        sid = lax.axis_index("s")
        wid = sid * 2 + cid
        g0 = wid * per_w
        pltpu.sync_copy(wtab_hbm, wtab_v)
        lanes = lax.iota(jnp.int32, 16)

        def fire_gather(t, bi):
            g = g0 + t
            b = g // (C * hb)
            i = lax.rem(g, hb)
            pb = b * n + i * wb
            base = (g // hb) * region
            wvec = wtab_v[pl.ds(pb, 16)]
            for gg in range(n_grp):
                fv = lanes + (gg * 16)
                jvv = lax.rem(fv, wb)
                w_g = _dyn_gather(wvec, jvv)
                idx_v[bi, gg // 8, pl.ds((gg % 8) * 16, 16)] = (
                    w_g + (fv - jvv) + base)
            return [
                pltpu.async_copy(x_hbm.at[idx_v.at[bi, k]],
                                 rows_v.at[bi, pl.ds(k * 128, 128)], gsems[bi])
                for k in range(3)
            ]

        def fire_scatter(t, bi):
            pltpu.async_copy(rows_v.at[bi],
                             out_hbm.at[pl.ds((g0 + t) * strip, strip)],
                             ssems[bi])

        def wait_scatter(t, bi):
            pltpu.make_async_copy(rows_v.at[bi],
                                  out_hbm.at[pl.ds((g0 + t) * strip, strip)],
                                  ssems[bi]).wait()

        def group(u, carry):
            ts = [u * NBUF + bi for bi in range(NBUF)]
            hs = [None] * NBUF

            def prefetch(bi):
                pl.when(u > 0)(lambda: wait_scatter(ts[bi] - NBUF, bi))
                hs[bi] = fire_gather(ts[bi], bi)

            prefetch(0)
            prefetch(1)
            for bi in range(NBUF):
                if bi + 2 < NBUF:
                    prefetch(bi + 2)
                for cp in hs[bi]:
                    cp.wait()
                fire_scatter(ts[bi], bi)
            return carry

        lax.fori_loop(0, n_tri, group, 0)
        for bi in range(NBUF):
            wait_scatter(per_w - NBUF + bi, bi)

    return sc_call


def kernel(x):
    B, C, H, W = x.shape
    wtab = _perm_wtab(B, C, H, W)
    xf = x.reshape(-1, BW)
    outf = _make_sc_call(B, C, H, W, wtab.shape[0])(wtab, xf)
    return outf.reshape(B, C, H, W)

# --- scband reference (transcript-rebuilt; emitter-appended) ---
"""Pipeline reference for scband-block-shuffle-47536698032527 (READ-ONLY COPY).

The authoritative reference and input builder live on the scoring server;
editing this copy changes nothing except your own understanding.
"""

import jax, jax.numpy as jnp
import numpy as np

BH, BW = 32, 32

def setup_inputs(seed: int = 0) -> dict:
    key = jax.random.key(seed)
    x = jax.random.normal(key, (4, 96, 384, 384), dtype=jnp.float32)
    return {"x": x}

def reference(x):
    B, C, H, W = x.shape
    assert H % BH == 0 and W % BW == 0
    h_blocks, w_blocks = H // BH, W // BW
    n_blocks = h_blocks * w_blocks
    # reshape into blocks: (B, C, hb, BH, wb, BW) -> (B, n_blocks, C, BH, BW)
    xb = x.reshape(B, C, h_blocks, BH, w_blocks, BW)
    xb = jnp.transpose(xb, (0, 2, 4, 1, 3, 5))
    xb = xb.reshape(B, n_blocks, C, BH, BW)
    # per-image random permutation of blocks (deterministic keys)
    keys = jax.random.split(jax.random.key(42), B)
    perms = jnp.stack([jax.random.permutation(keys[i], n_blocks) for i in range(B)])  # (B, n_blocks) int32
    out = jnp.take_along_axis(xb, perms[:, :, None, None, None], axis=1)
    out = out.reshape(B, h_blocks, w_blocks, C, BH, BW)
    out = jnp.transpose(out, (0, 3, 1, 4, 2, 5))
    return out.reshape(B, C, H, W)

if __name__ == "__main__":
    import jax
    _d = setup_inputs()
    print(jax.jit(kernel)(*tuple(_d.values())))

</pallas_src>

<mosaic_0001>
#map = affine_map<(d0, d1) -> (0)>
#map1 = affine_map<(d0, d1) -> (0, 0)>
module attributes {stable_mosaic.version = 14 : i64} {
  func.func @sc_call(%arg0: i32, %arg1: i32, %arg2: memref<592xi32, #tpu.memory_space<hbm>>, %arg3: memref<1769472x32xf32, #tpu.memory_space<hbm>>, %arg4: memref<1769472x32xf32, #tpu.memory_space<hbm>>, %arg5: memref<592xi32, #tpu.memory_space<vmem>>, %arg6: memref<4x3x128xi32, #tpu.memory_space<vmem>>, %arg7: memref<4x384x32xf32, #tpu.memory_space<vmem>>, %arg8: memref<!tpu.dma_semaphore, #tpu.memory_space<semaphore_mem>>, %arg9: memref<!tpu.dma_semaphore, #tpu.memory_space<semaphore_mem>>, %arg10: memref<!tpu.dma_semaphore, #tpu.memory_space<semaphore_mem>>, %arg11: memref<!tpu.dma_semaphore, #tpu.memory_space<semaphore_mem>>, %arg12: memref<!tpu.dma_semaphore, #tpu.memory_space<semaphore_mem>>, %arg13: memref<!tpu.dma_semaphore, #tpu.memory_space<semaphore_mem>>, %arg14: memref<!tpu.dma_semaphore, #tpu.memory_space<semaphore_mem>>, %arg15: memref<!tpu.dma_semaphore, #tpu.memory_space<semaphore_mem>>) attributes {dimension_semantics = [#tpu.dimension_semantics<core_parallel>, #tpu.dimension_semantics<subcore_parallel>], iteration_bounds = array<i64: 2, 16>, scalar_prefetch = 0 : i64, scratch_operands = 11 : i64, tpu.core_type = #tpu.core_type<sc_vector_subcore>, window_params = [{transform_indices = #map}, {transform_indices = #map1}, {transform_indices = #map1}]} {
    %mul3A = arith.constant 2 : i32
    %mul3A_0 = arith.muli %arg1, %mul3A : i32
    %add3A = arith.addi %mul3A_0, %arg0 : i32
    %mul3A_1 = arith.constant 144 : i32
    %mul3A_2 = arith.muli %add3A, %mul3A_1 : i32
    "tpu.region"() ({
      %run_scoped3A = tpu.sem_alloc : memref<!tpu.dma_semaphore, #tpu.memory_space<semaphore_mem>>
      tpu.enqueue_dma source(%arg2 : memref<592xi32, #tpu.memory_space<hbm>>) target(%arg5 : memref<592xi32, #tpu.memory_space<vmem>>) target_semaphore(%run_scoped3A : memref<!tpu.dma_semaphore, #tpu.memory_space<semaphore_mem>>)
      tpu.wait_dma2 semaphore(%run_scoped3A : memref<!tpu.dma_semaphore, #tpu.memory_space<semaphore_mem>>) src(%arg2 : memref<592xi32, #tpu.memory_space<hbm>>) dst(%arg5 : memref<592xi32, #tpu.memory_space<vmem>>)
      tpu.yield
    }) : () -> ()
    %iota3A = tpu.iota {dimensions = array<i32: 0>} : vector<16xi32>
    %scan3A = arith.constant 0 : i32
    %scan3A_3 = arith.constant 0 : i32
    %scan3A_4 = arith.constant 36 : i32
    %scan3A_5 = arith.addi %scan3A_3, %scan3A_4 : i32
    %scan3A_6 = arith.constant 1 : i32
    scf.for %scan3A_75 = %scan3A_3 to %scan3A_5 step %scan3A_6  : i32 {
      %mul3A_76 = arith.constant 4 : i32
      %mul3A_77 = arith.muli %scan3A_75, %mul3A_76 : i32
      %add3A_78 = arith.constant 0 : i32
      %add3A_79 = arith.addi %mul3A_77, %add3A_78 : i32
      %mul3A_80 = arith.constant 4 : i32
      %mul3A_81 = arith.muli %scan3A_75, %mul3A_80 : i32
      %add3A_82 = arith.constant 1 : i32
      %add3A_83 = arith.addi %mul3A_81, %add3A_82 : i32
      %mul3A_84 = arith.constant 4 : i32
      %mul3A_85 = arith.muli %scan3A_75, %mul3A_84 : i32
      %add3A_86 = arith.constant 2 : i32
      %add3A_87 = arith.addi %mul3A_85, %add3A_86 : i32
      %mul3A_88 = arith.constant 4 : i32
      %mul3A_89 = arith.muli %scan3A_75, %mul3A_88 : i32
      %add3A_90 = arith.constant 3 : i32
      %add3A_91 = arith.addi %mul3A_89, %add3A_90 : i32
      %gt3A = arith.constant 0 : i32
      %gt3A_92 = arith.cmpi sgt, %scan3A_75, %gt3A : i32
      %convert_element_type3A = arith.extui %gt3A_92 : i1 to i32
      %cond3A = arith.constant 0 : i32
      %cond3A_93 = arith.cmpi ne, %convert_element_type3A, %cond3A : i32
      scf.if %cond3A_93 {
        %sub3A_2732 = arith.constant 4 : i32
        %sub3A_2733 = arith.subi %add3A_79, %sub3A_2732 : i32
        %add3A_2734 = arith.addi %mul3A_2, %sub3A_2733 : i32
        %mul3A_2735 = arith.constant 384 : i32
        %mul3A_2736 = arith.muli %add3A_2734, %mul3A_2735 : i32
        %dma_wait3A_2737 = arith.constant 0 : i32
        %dma_wait3A_2738 = arith.constant 0 : i32
        %dma_wait3A_2739 = arith.constant 0 : i32
        %dma_wait3A_2740 = tpu.memref_slice %arg7[%dma_wait3A_2737, %dma_wait3A_2738, %dma_wait3A_2739] : memref<4x384x32xf32, #tpu.memory_space<vmem>> -> memref<1x384x32xf32, #tpu.memory_space<vmem>>
        %dma_wait3A_2741 = tpu.memref_squeeze %dma_wait3A_2740 : memref<1x384x32xf32, #tpu.memory_space<vmem>> -> memref<384x32xf32, #tpu.memory_space<vmem>>
        %dma_wait3A_2742 = arith.constant 0 : i32
        %dma_wait3A_2743 = tpu.memref_slice %arg4[%mul3A_2736, %dma_wait3A_2742] : memref<1769472x32xf32, #tpu.memory_space<hbm>> -> memref<384x32xf32, #tpu.memory_space<hbm>>
        %dma_wait3A_2744 = arith.constant 0 : i32
        %dma_wait3A_2745 = tpu.memref_slice %arg4[%mul3A_2736, %dma_wait3A_2744] : memref<1769472x32xf32, #tpu.memory_space<hbm>> -> memref<384x32xf32, #tpu.memory_space<hbm>>
        %dma_wait3A_2746 = arith.constant 0 : i32
        %dma_wait3A_2747 = arith.constant 0 : i32
        %dma_wait3A_2748 = tpu.memref_slice %arg7[%dma_wait3A_2737, %dma_wait3A_2746, %dma_wait3A_2747] : memref<4x384x32xf32, #tpu.memory_space<vmem>> -> memref<1x384x32xf32, #tpu.memory_space<vmem>>
        %dma_wait3A_2749 = tpu.memref_squeeze %dma_wait3A_2748 : memref<1x384x32xf32, #tpu.memory_space<vmem>> -> memref<384x32xf32, #tpu.memory_space<vmem>>
        tpu.wait_dma2 semaphore(%arg12 : memref<!tpu.dma_semaphore, #tpu.memory_space<semaphore_mem>>) src(%dma_wait3A_2749 : memref<384x32xf32, #tpu.memory_space<vmem>>) dst(%dma_wait3A_2745 : memref<384x32xf32, #tpu.memory_space<hbm>>)
      } else {
      }
      %add3A_94 = arith.addi %mul3A_2, %add3A_79 : i32
      %jit3A = arith.constant 1152 : i32
      %div3A = arith.divsi %add3A_94, %jit3A : i32
      %sign3A = arith.constant 0 : i32
      %sign3A_95 = arith.cmpi sgt, %add3A_94, %sign3A : i32
      %sign3A_96 = arith.extui %sign3A_95 : i1 to i32
      %sign3A_97 = arith.constant 0 : i32
      %sign3A_98 = arith.cmpi slt, %add3A_94, %sign3A_97 : i32
      %sign3A_99 = arith.extui %sign3A_98 : i1 to i32
      %sign3A_100 = arith.subi %sign3A_96, %sign3A_99 : i32
      %sign3A_101 = arith.constant 0 : i32
      %sign3A_102 = arith.cmpi sgt, %jit3A, %sign3A_101 : i32
      %sign3A_103 = arith.extui %sign3A_102 : i1 to i32
      %sign3A_104 = arith.constant 0 : i32
      %sign3A_105 = arith.cmpi slt, %jit3A, %sign3A_104 : i32
      %sign3A_106 = arith.extui %sign3A_105 : i1 to i32
      %sign3A_107 = arith.subi %sign3A_103, %sign3A_106 : i32
      %ne3A = arith.cmpi ne, %sign3A_100, %sign3A_107 : i32
      %rem3A = arith.remsi %add3A_94, %jit3A : i32
      %ne3A_108 = arith.constant 0 : i32
      %ne3A_109 = arith.cmpi ne, %rem3A, %ne3A_108 : i32
      %and3A = arith.andi %ne3A, %ne3A_109 : i1
      %sub3A = arith.constant 1 : i32
      %sub3A_110 = arith.subi %div3A, %sub3A : i32
      %select_n3A = arith.select %and3A, %sub3A_110, %div3A : i32
      %rem3A_111 = arith.constant 12 : i32
      %rem3A_112 = arith.remsi %add3A_94, %rem3A_111 : i32
      %mul3A_113 = arith.constant 144 : i32
      %mul3A_114 = arith.muli %select_n3A, %mul3A_113 : i32
      %mul3A_115 = arith.constant 12 : i32
      %mul3A_116 = arith.muli %rem3A_112, %mul3A_115 : i32
      %add3A_117 = arith.addi %mul3A_114, %mul3A_116 : i32
      %jit3A_118 = arith.constant 12 : i32
      %div3A_119 = arith.divsi %add3A_94, %jit3A_118 : i32
      %sign3A_120 = arith.constant 0 : i32
      %sign3A_121 = arith.cmpi sgt, %add3A_94, %sign3A_120 : i32
      %sign3A_122 = arith.extui %sign3A_121 : i1 to i32
      %sign3A_123 = arith.constant 0 : i32
      %sign3A_124 = arith.cmpi slt, %add3A_94, %sign3A_123 : i32
      %sign3A_125 = arith.extui %sign3A_124 : i1 to i32
      %sign3A_126 = arith.subi %sign3A_122, %sign3A_125 : i32
      %sign3A_127 = arith.constant 0 : i32
      %sign3A_128 = arith.cmpi sgt, %jit3A_118, %sign3A_127 : i32
      %sign3A_129 = arith.extui %sign3A_128 : i1 to i32
      %sign3A_130 = arith.constant 0 : i32
      %sign3A_131 = arith.cmpi slt, %jit3A_118, %sign3A_130 : i32
      %sign3A_132 = arith.extui %sign3A_131 : i1 to i32
      %sign3A_133 = arith.subi %sign3A_129, %sign3A_132 : i32
      %ne3A_134 = arith.cmpi ne, %sign3A_126, %sign3A_133 : i32
      %rem3A_135 = arith.remsi %add3A_94, %jit3A_118 : i32
      %ne3A_136 = arith.constant 0 : i32
      %ne3A_137 = arith.cmpi ne, %rem3A_135, %ne3A_136 : i32
      %and3A_138 = arith.andi %ne3A_134, %ne3A_137 : i1
      %sub3A_139 = arith.constant 1 : i32
      %sub3A_140 = arith.subi %div3A_119, %sub3A_139 : i32
      %select_n3A_141 = arith.select %and3A_138, %sub3A_140, %div3A_119 : i32
      %mul3A_142 = arith.constant 4608 : i32
      %mul3A_143 = arith.muli %select_n3A_141, %mul3A_142 : i32
      %get3A = arith.index_cast %add3A_117 : i32 to index
      %get3A_144 = tpu.vector_load %arg5[%get3A] {strides = array<i32>} : memref<592xi32, #tpu.memory_space<vmem>>, vector<16xi32>,
      %get3A_145 = vector.shape_cast %get3A_144 : vector<16xi32> to vector<16xi32>
      %add3A_146 = arith.constant 0 : i32
      %add3A_147 = vector.broadcast %add3A_146 : i32 to vector<16xi32>
      %add3A_148 = arith.addi %iota3A, %add3A_147 : vector<16xi32>
      %rem3A_149 = arith.constant 12 : i32
      %rem3A_150 = vector.broadcast %rem3A_149 : i32 to vector<16xi32>
      %rem3A_151 = arith.remsi %add3A_148, %rem3A_150 : vector<16xi32>
      %broadcast_in_dim3A = vector.shape_cast %rem3A_151 : vector<16xi32> to vector<16x1xi32>
      %gather3A = vector.shape_cast %broadcast_in_dim3A : vector<16x1xi32> to vector<16xi32>
      %gather3A_152 = tpu.dynamic_gather %get3A_145[%gather3A] in [0] : vector<16xi32>, vector<16xi32> -> vector<16xi32>
      %sub3A_153 = arith.subi %add3A_148, %rem3A_151 : vector<16xi32>
      %add3A_154 = arith.addi %gather3A_152, %sub3A_153 : vector<16xi32>
      %add3A_155 = vector.broadcast %mul3A_143 : i32 to vector<16xi32>
      %add3A_156 = arith.addi %add3A_154, %add3A_155 : vector<16xi32>
      %swap3A = arith.constant 0 : i32
      %swap3A_157 = arith.constant 0 : i32
      %swap3A_158 = arith.index_cast %swap3A : i32 to index
      %swap3A_159 = arith.index_cast %swap3A_157 : i32 to index
      %swap3A_160 = arith.constant 0 : index
      %swap3A_161 = tpu.vector_load %arg6[%swap3A_158, %swap3A_159, %swap3A_160] {strides = array<i32>} : memref<4x3x128xi32, #tpu.memory_space<vmem>>, vector<1x1x16xi32>,
      %swap3A_162 = vector.shape_cast %swap3A_161 : vector<1x1x16xi32> to vector<16xi32>
      %swap3A_163 = vector.shape_cast %add3A_156 : vector<16xi32> to vector<1x1x16xi32>
      tpu.vector_store %arg6[%swap3A_158, %swap3A_159, %swap3A_160], %swap3A_163 {strides = array<i32>} : memref<4x3x128xi32, #tpu.memory_space<vmem>>, vector<1x1x16xi32>,
      %add3A_164 = arith.constant 16 : i32
      %add3A_165 = vector.broadcast %add3A_164 : i32 to vector<16xi32>
      %add3A_166 = arith.addi %iota3A, %add3A_165 : vector<16xi32>
      %rem3A_167 = arith.constant 12 : i32
      %rem3A_168 = vector.broadcast %rem3A_167 : i32 to vector<16xi32>
      %rem3A_169 = arith.remsi %add3A_166, %rem3A_168 : vector<16xi32>
      %broadcast_in_dim3A_170 = vector.shape_cast %rem3A_169 : vector<16xi32> to vector<16x1xi32>
      %gather3A_171 = vector.shape_cast %broadcast_in_dim3A_170 : vector<16x1xi32> to vector<16xi32>
      %gather3A_172 = tpu.dynamic_gather %get3A_145[%gather3A_171] in [0] : vector<16xi32>, vector<16xi32> -> vector<16xi32>
      %sub3A_173 = arith.subi %add3A_166, %rem3A_169 : vector<16xi32>
      %add3A_174 = arith.addi %gather3A_172, %sub3A_173 : vector<16xi32>
      %add3A_175 = vector.broadcast %mul3A_143 : i32 to vector<16xi32>
      %add3A_176 = arith.addi %add3A_174, %add3A_175 : vector<16xi32>
      %swap3A_177 = arith.constant 0 : i32
      %swap3A_178 = arith.constant 0 : i32
      %swap3A_179 = arith.index_cast %swap3A_177 : i32 to index
      %swap3A_180 = arith.index_cast %swap3A_178 : i32 to index
      %swap3A_181 = arith.constant 16 : index
      %swap3A_182 = tpu.vector_load %arg6[%swap3A_179, %swap3A_180, %swap3A_181] {strides = array<i32>} : memref<4x3x128xi32, #tpu.memory_space<vmem>>, vector<1x1x16xi32>,
      %swap3A_183 = vector.shape_cast %swap3A_182 : vector<1x1x16xi32> to vector<16xi32>
      %swap3A_184 = vector.shape_cast %add3A_176 : vector<16xi32> to vector<1x1x16xi32>
      tpu.vector_store %arg6[%swap3A_179, %swap3A_180, %swap3A_181], %swap3A_184 {strides = array<i32>} : memref<4x3x128xi32, #tpu.memory_space<vmem>>, vector<1x1x16xi32>,
      %add3A_185 = arith.constant 32 : i32
      %add3A_186 = vector.broadcast %add3A_185 : i32 to vector<16xi32>
      %add3A_187 = arith.addi %iota3A, %add3A_186 : vector<16xi32>
      %rem3A_188 = arith.constant 12 : i32
      %rem3A_189 = vector.broadcast %rem3A_188 : i32 to vector<16xi32>
      %rem3A_190 = arith.remsi %add3A_187, %rem3A_189 : vector<16xi32>
      %broadcast_in_dim3A_191 = vector.shape_cast %rem3A_190 : vector<16xi32> to vector<16x1xi32>
      %gather3A_192 = vector.shape_cast %broadcast_in_dim3A_191 : vector<16x1xi32> to vector<16xi32>
      %gather3A_193 = tpu.dynamic_gather %get3A_145[%gather3A_192] in [0] : vector<16xi32>, vector<16xi32> -> vector<16xi32>
      %sub3A_194 = arith.subi %add3A_187, %rem3A_190 : vector<16xi32>
      %add3A_195 = arith.addi %gather3A_193, %sub3A_194 : vector<16xi32>
      %add3A_196 = vector.broadcast %mul3A_143 : i32 to vector<16xi32>
      %add3A_197 = arith.addi %add3A_195, %add3A_196 : vector<16xi32>
      %swap3A_198 = arith.constant 0 : i32
      %swap3A_199 = arith.constant 0 : i32
      %swap3A_200 = arith.index_cast %swap3A_198 : i32 to index
      %swap3A_201 = arith.index_cast %swap3A_199 : i32 to index
      %swap3A_202 = arith.constant 32 : index
      %swap3A_203 = tpu.vector_load %arg6[%swap3A_200, %swap3A_201, %swap3A_202] {strides = array<i32>} : memref<4x3x128xi32, #tpu.memory_space<vmem>>, vector<1x1x16xi32>,
      %swap3A_204 = vector.shape_cast %swap3A_203 : vector<1x1x16xi32> to vector<16xi32>
      %swap3A_205 = vector.shape_cast %add3A_197 : vector<16xi32> to vector<1x1x16xi32>
      tpu.vector_store %arg6[%swap3A_200, %swap3A_201, %swap3A_202], %swap3A_205 {strides = array<i32>} : memref<4x3x128xi32, #tpu.memory_space<vmem>>, vector<1x1x16xi32>,
      %add3A_206 = arith.constant 48 : i32
      %add3A_207 = vector.broadcast %add3A_206 : i32 to vector<16xi32>
      %add3A_208 = arith.addi %iota3A, %add3A_207 : vector<16xi32>
      %rem3A_209 = arith.constant 12 : i32
      %rem3A_210 = vector.broadcast %rem3A_209 : i32 to vector<16xi32>
      %rem3A_211 = arith.remsi %add3A_208, %rem3A_210 : vector<16xi32>
      %broadcast_in_dim3A_212 = vector.shape_cast %rem3A_211 : vector<16xi32> to vector<16x1xi32>
      %gather3A_213 = vector.shape_cast %broadcast_in_dim3A_212 : vector<16x1xi32> to vector<16xi32>
      %gather3A_214 = tpu.dynamic_gather %get3A_145[%gather3A_213] in [0] : vector<16xi32>, vector<16xi32> -> vector<16xi32>
      %sub3A_215 = arith.subi %add3A_208, %rem3A_211 : vector<16xi32>
      %add3A_216 = arith.addi %gather3A_214, %sub3A_215 : vector<16xi32>
      %add3A_217 = vector.broadcast %mul3A_143 : i32 to vector<16xi32>
      %add3A_218 = arith.addi %add3A_216, %add3A_217 : vector<16xi32>
      %swap3A_219 = arith.constant 0 : i32
      %swap3A_220 = arith.constant 0 : i32
      %swap3A_221 = arith.index_cast %swap3A_219 : i32 to index
      %swap3A_222 = arith.index_cast %swap3A_220 : i32 to index
      %swap3A_223 = arith.constant 48 : index
      %swap3A_224 = tpu.vector_load %arg6[%swap3A_221, %swap3A_222, %swap3A_223] {strides = array<i32>} : memref<4x3x128xi32, #tpu.memory_space<vmem>>, vector<1x1x16xi32>,
      %swap3A_225 = vector.shape_cast %swap3A_224 : vector<1x1x16xi32> to vector<16xi32>
      %swap3A_226 = vector.shape_cast %add3A_218 : vector<16xi32> to vector<1x1x16xi32>
      tpu.vector_store %arg6[%swap3A_221, %swap3A_222, %swap3A_223], %swap3A_226 {strides = array<i32>} : memref<4x3x128xi32, #tpu.memory_space<vmem>>, vector<1x1x16xi32>,
      %add3A_227 = arith.constant 64 : i32
      %add3A_228 = vector.broadcast %add3A_227 : i32 to vector<16xi32>
      %add3A_229 = arith.addi %iota3A, %add3A_228 : vector<16xi32>
      %rem3A_230 = arith.constant 12 : i32
      %rem3A_231 = vector.broadcast %rem3A_230 : i32 to vector<16xi32>
      %rem3A_232 = arith.remsi %add3A_229, %rem3A_231 : vector<16xi32>
      %broadcast_in_dim3A_233 = vector.shape_cast %rem3A_232 : vector<16xi32> to vector<16x1xi32>
      %gather3A_234 = vector.shape_cast %broadcast_in_dim3A_233 : vector<16x1xi32> to vector<16xi32>
      %gather3A_235 = tpu.dynamic_gather %get3A_145[%gather3A_234] in [0] : vector<16xi32>, vector<16xi32> -> vector<16xi32>
      %sub3A_236 = arith.subi %add3A_229, %rem3A_232 : vector<16xi32>
      %add3A_237 = arith.addi %gather3A_235, %sub3A_236 : vector<16xi32>
      %add3A_238 = vector.broadcast %mul3A_143 : i32 to vector<16xi32>
      %add3A_239 = arith.addi %add3A_237, %add3A_238 : vector<16xi32>
      %swap3A_240 = arith.constant 0 : i32
      %swap3A_241 = arith.constant 0 : i32
      %swap3A_242 = arith.index_cast %swap3A_240 : i32 to index
      %swap3A_243 = arith.index_cast %swap3A_241 : i32 to index
      %swap3A_244 = arith.constant 64 : index
      %swap3A_245 = tpu.vector_load %arg6[%swap3A_242, %swap3A_243, %swap3A_244] {strides = array<i32>} : memref<4x3x128xi32, #tpu.memory_space<vmem>>, vector<1x1x16xi32>,
      %swap3A_246 = vector.shape_cast %swap3A_245 : vector<1x1x16xi32> to vector<16xi32>
      %swap3A_247 = vector.shape_cast %add3A_239 : vector<16xi32> to vector<1x1x16xi32>
      tpu.vector_store %arg6[%swap3A_242, %swap3A_243, %swap3A_244], %swap3A_247 {strides = array<i32>} : memref<4x3x128xi32, #tpu.memory_space<vmem>>, vector<1x1x16xi32>,
      %add3A_248 = arith.constant 80 : i32
      %add3A_249 = vector.broadcast %add3A_248 : i32 to vector<16xi32>
      %add3A_250 = arith.addi %iota3A, %add3A_249 : vector<16xi32>
      %rem3A_251 = arith.constant 12 : i32
      %rem3A_252 = vector.broadcast %rem3A_251 : i32 to vector<16xi32>
      %rem3A_253 = arith.remsi %add3A_250, %rem3A_252 : vector<16xi32>
      %broadcast_in_dim3A_254 = vector.shape_cast %rem3A_253 : vector<16xi32> to vector<16x1xi32>
      %gather3A_255 = vector.shape_cast %broadcast_in_dim3A_254 : vector<16x1xi32> to vector<16xi32>
      %gather3A_256 = tpu.dynamic_gather %get3A_145[%gather3A_255] in [0] : vector<16xi32>, vector<16xi32> -> vector<16xi32>
      %sub3A_257 = arith.subi %add3A_250, %rem3A_253 : vector<16xi32>
      %add3A_258 = arith.addi %gather3A_256, %sub3A_257 : vector<16xi32>
      %add3A_259 = vector.broadcast %mul3A_143 : i32 to vector<16xi32>
      %add3A_260 = arith.addi %add3A_258, %add3A_259 : vector<16xi32>
      %swap3A_261 = arith.constant 0 : i32
      %swap3A_262 = arith.constant 0 : i32
      %swap3A_263 = arith.index_cast %swap3A_261 : i32 to index
      %swap3A_264 = arith.index_cast %swap3A_262 : i32 to index
      %swap3A_265 = arith.constant 80 : index
      %swap3A_266 = tpu.vector_load %arg6[%swap3A_263, %swap3A_264, %swap3A_265] {strides = array<i32>} : memref<4x3x128xi32, #tpu.memory_space<vmem>>, vector<1x1x16xi32>,
      %swap3A_267 = vector.shape_cast %swap3A_266 : vector<1x1x16xi32> to vector<16xi32>
      %swap3A_268 = vector.shape_cast %add3A_260 : vector<16xi32> to vector<1x1x16xi32>
      tpu.vector_store %arg6[%swap3A_263, %swap3A_264, %swap3A_265], %swap3A_268 {strides = array<i32>} : memref<4x3x128xi32, #tpu.memory_space<vmem>>, vector<1x1x16xi32>,
      %add3A_269 = arith.constant 96 : i32
      %add3A_270 = vector.broadcast %add3A_269 : i32 to vector<16xi32>
      %add3A_271 = arith.addi %iota3A, %add3A_270 : vector<16xi32>
      %rem3A_272 = arith.constant 12 : i32
      %rem3A_273 = vector.broadcast %rem3A_272 : i32 to vector<16xi32>
      %rem3A_274 = arith.remsi %add3A_271, %rem3A_273 : vector<16xi32>
      %broadcast_in_dim3A_275 = vector.shape_cast %rem3A_274 : vector<16xi32> to vector<16x1xi32>
      %gather3A_276 = vector.shape_cast %broadcast_in_dim3A_275 : vector<16x1xi32> to vector<16xi32>
      %gather3A_277 = tpu.dynamic_gather %get3A_145[%gather3A_276] in [0] : vector<16xi32>, vector<16xi32> -> vector<16xi32>
      %sub3A_278 = arith.subi %add3A_271, %rem3A_274 : vector<16xi32>
      %add3A_279 = arith.addi %gather3A_277, %sub3A_278 : vector<16xi32>
      %add3A_280 = vector.broadcast %mul3A_143 : i32 to vector<16xi32>
      %add3A_281 = arith.addi %add3A_279, %add3A_280 : vector<16xi32>
      %swap3A_282 = arith.constant 0 : i32
      %swap3A_283 = arith.constant 0 : i32
      %swap3A_284 = arith.index_cast %swap3A_282 : i32 to index
      %swap3A_285 = arith.index_cast %swap3A_283 : i32 to index
      %swap3A_286 = arith.constant 96 : index
      %swap3A_287 = tpu.vector_load %arg6[%swap3A_284, %swap3A_285, %swap3A_286] {strides = array<i32>} : memref<4x3x128xi32, #tpu.memory_space<vmem>>, vector<1x1x16xi32>,
      %swap3A_288 = vector.shape_cast %swap3A_287 : vector<1x1x16xi32> to vector<16xi32>
      %swap3A_289 = vector.shape_cast %add3A_281 : vector<16xi32> to vector<1x1x16xi32>
      tpu.vector_store %arg6[%swap3A_284, %swap3A_285, %swap3A_286], %swap3A_289 {strides = array<i32>} : memref<4x3x128xi32, #tpu.memory_space<vmem>>, vector<1x1x16xi32>,
      %add3A_290 = arith.constant 112 : i32
      %add3A_291 = vector.broadcast %add3A_290 : i32 to vector<16xi32>
      %add3A_292 = arith.addi %iota3A, %add3A_291 : vector<16xi32>
      %rem3A_293 = arith.constant 12 : i32
      %rem3A_294 = vector.broadcast %rem3A_293 : i32 to vector<16xi32>
      %rem3A_295 = arith.remsi %add3A_292, %rem3A_294 : vector<16xi32>
      %broadcast_in_dim3A_296 = vector.shape_cast %rem3A_295 : vector<16xi32> to vector<16x1xi32>
      %gather3A_297 = vector.shape_cast %broadcast_in_dim3A_296 : vector<16x1xi32> to vector<16xi32>
      %gather3A_298 = tpu.dynamic_gather %get3A_145[%gather3A_297] in [0] : vector<16xi32>, vector<16xi32> -> vector<16xi32>
      %sub3A_299 = arith.subi %add3A_292, %rem3A_295 : vector<16xi32>
      %add3A_300 = arith.addi %gather3A_298, %sub3A_299 : vector<16xi32>
      %add3A_301 = vector.broadcast %mul3A_143 : i32 to vector<16xi32>
      %add3A_302 = arith.addi %add3A_300, %add3A_301 : vector<16xi32>
      %swap3A_303 = arith.constant 0 : i32
      %swap3A_304 = arith.constant 0 : i32
      %swap3A_305 = arith.index_cast %swap3A_303 : i32 to index
      %swap3A_306 = arith.index_cast %swap3A_304 : i32 to index
      %swap3A_307 = arith.constant 112 : index
      %swap3A_308 = tpu.vector_load %arg6[%swap3A_305, %swap3A_306, %swap3A_307] {strides = array<i32>} : memref<4x3x128xi32, #tpu.memory_space<vmem>>, vector<1x1x16xi32>,
      %swap3A_309 = vector.shape_cast %swap3A_308 : vector<1x1x16xi32> to vector<16xi32>
      %swap3A_310 = vector.shape_cast %add3A_302 : vector<16xi32> to vector<1x1x16xi32>
      tpu.vector_store %arg6[%swap3A_305, %swap3A_306, %swap3A_307], %swap3A_310 {strides = array<i32>} : memref<4x3x128xi32, #tpu.memory_space<vmem>>, vector<1x1x16xi32>,
      %add3A_311 = arith.constant 128 : i32
      %add3A_312 = vector.broadcast %add3A_311 : i32 to vector<16xi32>
      %add3A_313 = arith.addi %iota3A, %add3A_312 : vector<16xi32>
      %rem3A_314 = arith.constant 12 : i32
      %rem3A_315 = vector.broadcast %rem3A_314 : i32 to vector<16xi32>
      %rem3A_316 = arith.remsi %add3A_313, %rem3A_315 : vector<16xi32>
      %broadcast_in_dim3A_317 = vector.shape_cast %rem3A_316 : vector<16xi32> to vector<16x1xi32>
      %gather3A_318 = vector.shape_cast %broadcast_in_dim3A_317 : vector<16x1xi32> to vector<16xi32>
      %gather3A_319 = tpu.dynamic_gather %get3A_145[%gather3A_318] in [0] : vector<16xi32>, vector<16xi32> -> vector<16xi32>
      %sub3A_320 = arith.subi %add3A_313, %rem3A_316 : vector<16xi32>
      %add3A_321 = arith.addi %gather3A_319, %sub3A_320 : vector<16xi32>
      %add3A_322 = vector.broadcast %mul3A_143 : i32 to vector<16xi32>
      %add3A_323 = arith.addi %add3A_321, %add3A_322 : vector<16xi32>
      %swap3A_324 = arith.constant 0 : i32
      %swap3A_325 = arith.constant 1 : i32
      %swap3A_326 = arith.index_cast %swap3A_324 : i32 to index
      %swap3A_327 = arith.index_cast %swap3A_325 : i32 to index
      %swap3A_328 = arith.constant 0 : index
      %swap3A_329 = tpu.vector_load %arg6[%swap3A_326, %swap3A_327, %swap3A_328] {strides = array<i32>} : memref<4x3x128xi32, #tpu.memory_space<vmem>>, vector<1x1x16xi32>,
      %swap3A_330 = vector.shape_cast %swap3A_329 : vector<1x1x16xi32> to vector<16xi32>
      %swap3A_331 = vector.shape_cast %add3A_323 : vector<16xi32> to vector<1x1x16xi32>
      tpu.vector_store %arg6[%swap3A_326, %swap3A_327, %swap3A_328], %swap3A_331 {strides = array<i32>} : memref<4x3x128xi32, #tpu.memory_space<vmem>>, vector<1x1x16xi32>,
      %add3A_332 = arith.constant 144 : i32
      %add3A_333 = vector.broadcast %add3A_332 : i32 to vector<16xi32>
      %add3A_334 = arith.addi %iota3A, %add3A_333 : vector<16xi32>
      %rem3A_335 = arith.constant 12 : i32
      %rem3A_336 = vector.broadcast %rem3A_335 : i32 to vector<16xi32>
      %rem3A_337 = arith.remsi %add3A_334, %rem3A_336 : vector<16xi32>
      %broadcast_in_dim3A_338 = vector.shape_cast %rem3A_337 : vector<16xi32> to vector<16x1xi32>
      %gather3A_339 = vector.shape_cast %broadcast_in_dim3A_338 : vector<16x1xi32> to vector<16xi32>
      %gather3A_340 = tpu.dynamic_gather %get3A_145[%gather3A_339] in [0] : vector<16xi32>, vector<16xi32> -> vector<16xi32>
      %sub3A_341 = arith.subi %add3A_334, %rem3A_337 : vector<16xi32>
      %add3A_342 = arith.addi %gather3A_340, %sub3A_341 : vector<16xi32>
      %add3A_343 = vector.broadcast %mul3A_143 : i32 to vector<16xi32>
      %add3A_344 = arith.addi %add3A_342, %add3A_343 : vector<16xi32>
      %swap3A_345 = arith.constant 0 : i32
      %swap3A_346 = arith.constant 1 : i32
      %swap3A_347 = arith.index_cast %swap3A_345 : i32 to index
      %swap3A_348 = arith.index_cast %swap3A_346 : i32 to index
      %swap3A_349 = arith.constant 16 : index
      %swap3A_350 = tpu.vector_load %arg6[%swap3A_347, %swap3A_348, %swap3A_349] {strides = array<i32>} : memref<4x3x128xi32, #tpu.memory_space<vmem>>, vector<1x1x16xi32>,
      %swap3A_351 = vector.shape_cast %swap3A_350 : vector<1x1x16xi32> to vector<16xi32>
      %swap3A_352 = vector.shape_cast %add3A_344 : vector<16xi32> to vector<1x1x16xi32>
      tpu.vector_store %arg6[%swap3A_347, %swap3A_348, %swap3A_349], %swap3A_352 {strides = array<i32>} : memref<4x3x128xi32, #tpu.memory_space<vmem>>, vector<1x1x16xi32>,
      %add3A_353 = arith.constant 160 : i32
      %add3A_354 = vector.broadcast %add3A_353 : i32 to vector<16xi32>
      %add3A_355 = arith.addi %iota3A, %add3A_354 : vector<16xi32>
      %rem3A_356 = arith.constant 12 : i32
      %rem3A_357 = vector.broadcast %rem3A_356 : i32 to vector<16xi32>
      %rem3A_358 = arith.remsi %add3A_355, %rem3A_357 : vector<16xi32>
      %broadcast_in_dim3A_359 = vector.shape_cast %rem3A_358 : vector<16xi32> to vector<16x1xi32>
      %gather3A_360 = vector.shape_cast %broadcast_in_dim3A_359 : vector<16x1xi32> to vector<16xi32>
      %gather3A_361 = tpu.dynamic_gather %get3A_145[%gather3A_360] in [0] : vector<16xi32>, vector<16xi32> -> vector<16xi32>
      %sub3A_362 = arith.subi %add3A_355, %rem3A_358 : vector<16xi32>
      %add3A_363 = arith.addi %gather3A_361, %sub3A_362 : vector<16xi32>
      %add3A_364 = vector.broadcast %mul3A_143 : i32 to vector<16xi32>
      %add3A_365 = arith.addi %add3A_363, %add3A_364 : vector<16xi32>
      %swap3A_366 = arith.constant 0 : i32
      %swap3A_367 = arith.constant 1 : i32
      %swap3A_368 = arith.index_cast %swap3A_366 : i32 to index
      %swap3A_369 = arith.index_cast %swap3A_367 : i32 to index
      %swap3A_370 = arith.constant 32 : index
      %swap3A_371 = tpu.vector_load %arg6[%swap3A_368, %swap3A_369, %swap3A_370] {strides = array<i32>} : memref<4x3x128xi32, #tpu.memory_space<vmem>>, vector<1x1x16xi32>,
      %swap3A_372 = vector.shape_cast %swap3A_371 : vector<1x1x16xi32> to vector<16xi32>
      %swap3A_373 = vector.shape_cast %add3A_365 : vector<16xi32> to vector<1x1x16xi32>
      tpu.vector_store %arg6[%swap3A_368, %swap3A_369, %swap3A_370], %swap3A_373 {strides = array<i32>} : memref<4x3x128xi32, #tpu.memory_space<vmem>>, vector<1x1x16xi32>,
      %add3A_374 = arith.constant 176 : i32
      %add3A_375 = vector.broadcast %add3A_374 : i32 to vector<16xi32>
      %add3A_376 = arith.addi %iota3A, %add3A_375 : vector<16xi32>
      %rem3A_377 = arith.constant 12 : i32
      %rem3A_378 = vector.broadcast %rem3A_377 : i32 to vector<16xi32>
      %rem3A_379 = arith.remsi %add3A_376, %rem3A_378 : vector<16xi32>
      %broadcast_in_dim3A_380 = vector.shape_cast %rem3A_379 : vector<16xi32> to vector<16x1xi32>
      %gather3A_381 = vector.shape_cast %broadcast_in_dim3A_380 : vector<16x1xi32> to vector<16xi32>
      %gather3A_382 = tpu.dynamic_gather %get3A_145[%gather3A_381] in [0] : vector<16xi32>, vector<16xi32> -> vector<16xi32>
      %sub3A_383 = arith.subi %add3A_376, %rem3A_379 : vector<16xi32>
      %add3A_384 = arith.addi %gather3A_382, %sub3A_383 : vector<16xi32>
      %add3A_385 = vector.broadcast %mul3A_143 : i32 to vector<16xi32>
      %add3A_386 = arith.addi %add3A_384, %add3A_385 : vector<16xi32>
      %swap3A_387 = arith.constant 0 : i32
      %swap3A_388 = arith.constant 1 : i32
      %swap3A_389 = arith.index_cast %swap3A_387 : i32 to index
      %swap3A_390 = arith.index_cast %swap3A_388 : i32 to index
      %swap3A_391 = arith.constant 48 : index
      %swap3A_392 = tpu.vector_load %arg6[%swap3A_389, %swap3A_390, %swap3A_391] {strides = array<i32>} : memref<4x3x128xi32, #tpu.memory_space<vmem>>, vector<1x1x16xi32>,
      %swap3A_393 = vector.shape_cast %swap3A_392 : vector<1x1x16xi32> to vector<16xi32>
      %swap3A_394 = vector.shape_cast %add3A_386 : vector<16xi32> to vector<1x1x16xi32>
      tpu.vector_store %arg6[%swap3A_389, %swap3A_390, %swap3A_391], %swap3A_394 {strides = array<i32>} : memref<4x3x128xi32, #tpu.memory_space<vmem>>, vector<1x1x16xi32>,
      %add3A_395 = arith.constant 192 : i32
      %add3A_396 = vector.broadcast %add3A_395 : i32 to vector<16xi32>
      %add3A_397 = arith.addi %iota3A, %add3A_396 : vector<16xi32>
      %rem3A_398 = arith.constant 12 : i32
      %rem3A_399 = vector.broadcast %rem3A_398 : i32 to vector<16xi32>
      %rem3A_400 = arith.remsi %add3A_397, %rem3A_399 : vector<16xi32>
      %broadcast_in_dim3A_401 = vector.shape_cast %rem3A_400 : vector<16xi32> to vector<16x1xi32>
      %gather3A_402 = vector.shape_cast %broadcast_in_dim3A_401 : vector<16x1xi32> to vector<16xi32>
      %gather3A_403 = tpu.dynamic_gather %get3A_145[%gather3A_402] in [0] : vector<16xi32>, vector<16xi32> -> vector<16xi32>
      %sub3A_404 = arith.subi %add3A_397, %rem3A_400 : vector<16xi32>
      %add3A_405 = arith.addi %gather3A_403, %sub3A_404 : vector<16xi32>
      %add3A_406 = vector.broadcast %mul3A_143 : i32 to vector<16xi32>
      %add3A_407 = arith.addi %add3A_405, %add3A_406 : vector<16xi32>
      %swap3A_408 = arith.constant 0 : i32
      %swap3A_409 = arith.constant 1 : i32
      %swap3A_410 = arith.index_cast %swap3A_408 : i32 to index
      %swap3A_411 = arith.index_cast %swap3A_409 : i32 to index
      %swap3A_412 = arith.constant 64 : index
      %swap3A_413 = tpu.vector_load %arg6[%swap3A_410, %swap3A_411, %swap3A_412] {strides = array<i32>} : memref<4x3x128xi32, #tpu.memory_space<vmem>>, vector<1x1x16xi32>,
      %swap3A_414 = vector.shape_cast %swap3A_413 : vector<1x1x16xi32> to vector<16xi32>
      %swap3A_415 = vector.shape_cast %add3A_407 : vector<16xi32> to vector<1x1x16xi32>
      tpu.vector_store %arg6[%swap3A_410, %swap3A_411, %swap3A_412], %swap3A_415 {strides = array<i32>} : memref<4x3x128xi32, #tpu.memory_space<vmem>>, vector<1x1x16xi32>,
      %add3A_416 = arith.constant 208 : i32
      %add3A_417 = vector.broadcast %add3A_416 : i32 to vector<16xi32>
      %add3A_418 = arith.addi %iota3A, %add3A_417 : vector<16xi32>
      %rem3A_419 = arith.constant 12 : i32
      %rem3A_420 = vector.broadcast %rem3A_419 : i32 to vector<16xi32>
      %rem3A_421 = arith.remsi %add3A_418, %rem3A_420 : vector<16xi32>
      %broadcast_in_dim3A_422 = vector.shape_cast %rem3A_421 : vector<16xi32> to vector<16x1xi32>
      %gather3A_423 = vector.shape_cast %broadcast_in_dim3A_422 : vector<16x1xi32> to vector<16xi32>
      %gather3A_424 = tpu.dynamic_gather %get3A_145[%gather3A_423] in [0] : vector<16xi32>, vector<16xi32> -> vector<16xi32>
      %sub3A_425 = arith.subi %add3A_418, %rem3A_421 : vector<16xi32>
      %add3A_426 = arith.addi %gather3A_424, %sub3A_425 : vector<16xi32>
      %add3A_427 = vector.broadcast %mul3A_143 : i32 to vector<16xi32>
      %add3A_428 = arith.addi %add3A_426, %add3A_427 : vector<16xi32>
      %swap3A_429 = arith.constant 0 : i32
      %swap3A_430 = arith.constant 1 : i32
      %swap3A_431 = arith.index_cast %swap3A_429 : i32 to index
      %swap3A_432 = arith.index_cast %swap3A_430 : i32 to index
      %swap3A_433 = arith.constant 80 : index
      %swap3A_434 = tpu.vector_load %arg6[%swap3A_431, %swap3A_432, %swap3A_433] {strides = array<i32>} : memref<4x3x128xi32, #tpu.memory_space<vmem>>, vector<1x1x16xi32>,
      %swap3A_435 = vector.shape_cast %swap3A_434 : vector<1x1x16xi32> to vector<16xi32>
      %swap3A_436 = vector.shape_cast %add3A_428 : vector<16xi32> to vector<1x1x16xi32>
      tpu.vector_store %arg6[%swap3A_431, %swap3A_432, %swap3A_433], %swap3A_436 {strides = array<i32>} : memref<4x3x128xi32, #tpu.memory_space<vmem>>, vector<1x1x16xi32>,
      %add3A_437 = arith.constant 224 : i32
      %add3A_438 = vector.broadcast %add3A_437 : i32 to vector<16xi32>
      %add3A_439 = arith.addi %iota3A, %add3A_438 : vector<16xi32>
      %rem3A_440 = arith.constant 12 : i32
      %rem3A_441 = vector.broadcast %rem3A_440 : i32 to vector<16xi32>
      %rem3A_442 = arith.remsi %add3A_439, %rem3A_441 : vector<16xi32>
      %broadcast_in_dim3A_443 = vector.shape_cast %rem3A_442 : vector<16xi32> to vector<16x1xi32>
      %gather3A_444 = vector.shape_cast %broadcast_in_dim3A_443 : vector<16x1xi32> to vector<16xi32>
      %gather3A_445 = tpu.dynamic_gather %get3A_145[%gather3A_444] in [0] : vector<16xi32>, vector<16xi32> -> vector<16xi32>
      %sub3A_446 = arith.subi %add3A_439, %rem3A_442 : vector<16xi32>
      %add3A_447 = arith.addi %gather3A_445, %sub3A_446 : vector<16xi32>
      %add3A_448 = vector.broadcast %mul3A_143 : i32 to vector<16xi32>
      %add3A_449 = arith.addi %add3A_447, %add3A_448 : vector<16xi32>
      %swap3A_450 = arith.constant 0 : i32
      %swap3A_451 = arith.constant 1 : i32
      %swap3A_452 = arith.index_cast %swap3A_450 : i32 to index
      %swap3A_453 = arith.index_cast %swap3A_451 : i32 to index
      %swap3A_454 = arith.constant 96 : index
      %swap3A_455 = tpu.vector_load %arg6[%swap3A_452, %swap3A_453, %swap3A_454] {strides = array<i32>} : memref<4x3x128xi32, #tpu.memory_space<vmem>>, vector<1x1x16xi32>,
      %swap3A_456 = vector.shape_cast %swap3A_455 : vector<1x1x16xi32> to vector<16xi32>
      %swap3A_457 = vector.shape_cast %add3A_449 : vector<16xi32> to vector<1x1x16xi32>
      tpu.vector_store %arg6[%swap3A_452, %swap3A_453, %swap3A_454], %swap3A_457 {strides = array<i32>} : memref<4x3x128xi32, #tpu.memory_space<vmem>>, vector<1x1x16xi32>,
      %add3A_458 = arith.constant 240 : i32
      %add3A_459 = vector.broadcast %add3A_458 : i32 to vector<16xi32>
      %add3A_460 = arith.addi %iota3A, %add3A_459 : vector<16xi32>
      %rem3A_461 = arith.constant 12 : i32
      %rem3A_462 = vector.broadcast %rem3A_461 : i32 to vector<16xi32>
      %rem3A_463 = arith.remsi %add3A_460, %rem3A_462 : vector<16xi32>
      %broadcast_in_dim3A_464 = vector.shape_cast %rem3A_463 : vector<16xi32> to vector<16x1xi32>
      %gather3A_465 = vector.shape_cast %broadcast_in_dim3A_464 : vector<16x1xi32> to vector<16xi32>
      %gather3A_466 = tpu.dynamic_gather %get3A_145[%gather3A_465] in [0] : vector<16xi32>, vector<16xi32> -> vector<16xi32>
      %sub3A_467 = arith.subi %add3A_460, %rem3A_463 : vector<16xi32>
      %add3A_468 = arith.addi %gather3A_466, %sub3A_467 : vector<16xi32>
      %add3A_469 = vector.broadcast %mul3A_143 : i32 to vector<16xi32>
      %add3A_470 = arith.addi %add3A_468, %add3A_469 : vector<16xi32>
      %swap3A_471 = arith.constant 0 : i32
      %swap3A_472 = arith.constant 1 : i32
      %swap3A_473 = arith.index_cast %swap3A_471 : i32 to index
      %swap3A_474 = arith.index_cast %swap3A_472 : i32 to index
      %swap3A_475 = arith.constant 112 : index
      %swap3A_476 = tpu.vector_load %arg6[%swap3A_473, %swap3A_474, %swap3A_475] {strides = array<i32>} : memref<4x3x128xi32, #tpu.memory_space<vmem>>, vector<1x1x16xi32>,
      %swap3A_477 = vector.shape_cast %swap3A_476 : vector<1x1x16xi32> to vector<16xi32>
      %swap3A_478 = vector.shape_cast %add3A_470 : vector<16xi32> to vector<1x1x16xi32>
      tpu.vector_store %arg6[%swap3A_473, %swap3A_474, %swap3A_475], %swap3A_478 {strides = array<i32>} : memref<4x3x128xi32, #tpu.memory_space<vmem>>, vector<1x1x16xi32>,
      %add3A_479 = arith.constant 256 : i32
      %add3A_480 = vector.broadcast %add3A_479 : i32 to vector<16xi32>
      %add3A_481 = arith.addi %iota3A, %add3A_480 : vector<16xi32>
      %rem3A_482 = arith.constant 12 : i32
      %rem3A_483 = vector.broadcast %rem3A_482 : i32 to vector<16xi32>
      %rem3A_484 = arith.remsi %add3A_481, %rem3A_483 : vector<16xi32>
      %broadcast_in_dim3A_485 = vector.shape_cast %rem3A_484 : vector<16xi32> to vector<16x1xi32>
      %gather3A_486 = vector.shape_cast %broadcast_in_dim3A_485 : vector<16x1xi32> to vector<16xi32>
      %gather3A_487 = tpu.dynamic_gather %get3A_145[%gather3A_486] in [0] : vector<16xi32>, vector<16xi32> -> vector<16xi32>
      %sub3A_488 = arith.subi %add3A_481, %rem3A_484 : vector<16xi32>
      %add3A_489 = arith.addi %gather3A_487, %sub3A_488 : vector<16xi32>
      %add3A_490 = vector.broadcast %mul3A_143 : i32 to vector<16xi32>
      %add3A_491 = arith.addi %add3A_489, %add3A_490 : vector<16xi32>
      %swap3A_492 = arith.constant 0 : i32
      %swap3A_493 = arith.constant 2 : i32
      %swap3A_494 = arith.index_cast %swap3A_492 : i32 to index
      %swap3A_495 = arith.index_cast %swap3A_493 : i32 to index
      %swap3A_496 = arith.constant 0 : index
      %swap3A_497 = tpu.vector_load %arg6[%swap3A_494, %swap3A_495, %swap3A_496] {strides = array<i32>} : memref<4x3x128xi32, #tpu.memory_space<vmem>>, vector<1x1x16xi32>,
      %swap3A_498 = vector.shape_cast %swap3A_497 : vector<1x1x16xi32> to vector<16xi32>
      %swap3A_499 = vector.shape_cast %add3A_491 : vector<16xi32> to vector<1x1x16xi32>
      tpu.vector_store %arg6[%swap3A_494, %swap3A_495, %swap3A_496], %swap3A_499 {strides = array<i32>} : memref<4x3x128xi32, #tpu.memory_space<vmem>>, vector<1x1x16xi32>,
      %add3A_500 = arith.constant 272 : i32
      %add3A_501 = vector.broadcast %add3A_500 : i32 to vector<16xi32>
      %add3A_502 = arith.addi %iota3A, %add3A_501 : vector<16xi32>
      %rem3A_503 = arith.constant 12 : i32
      %rem3A_504 = vector.broadcast %rem3A_503 : i32 to vector<16xi32>
      %rem3A_505 = arith.remsi %add3A_502, %rem3A_504 : vector<16xi32>
      %broadcast_in_dim3A_506 = vector.shape_cast %rem3A_505 : vector<16xi32> to vector<16x1xi32>
      %gather3A_507 = vector.shape_cast %broadcast_in_dim3A_506 : vector<16x1xi32> to vector<16xi32>
      %gather3A_508 = tpu.dynamic_gather %get3A_145[%gather3A_507] in [0] : vector<16xi32>, vector<16xi32> -> vector<16xi32>
      %sub3A_509 = arith.subi %add3A_502, %rem3A_505 : vector<16xi32>
      %add3A_510 = arith.addi %gather3A_508, %sub3A_509 : vector<16xi32>
      %add3A_511 = vector.broadcast %mul3A_143 : i32 to vector<16xi32>
      %add3A_512 = arith.addi %add3A_510, %add3A_511 : vector<16xi32>
      %swap3A_513 = arith.constant 0 : i32
      %swap3A_514 = arith.constant 2 : i32
      %swap3A_515 = arith.index_cast %swap3A_513 : i32 to index
      %swap3A_516 = arith.index_cast %swap3A_514 : i32 to index
      %swap3A_517 = arith.constant 16 : index
      %swap3A_518 = tpu.vector_load %arg6[%swap3A_515, %swap3A_516, %swap3A_517] {strides = array<i32>} : memref<4x3x128xi32, #tpu.memory_space<vmem>>, vector<1x1x16xi32>,
      %swap3A_519 = vector.shape_cast %swap3A_518 : vector<1x1x16xi32> to vector<16xi32>
      %swap3A_520 = vector.shape_cast %add3A_512 : vector<16xi32> to vector<1x1x16xi32>
      tpu.vector_store %arg6[%swap3A_515, %swap3A_516, %swap3A_517], %swap3A_520 {strides = array<i32>} : memref<4x3x128xi32, #tpu.memory_space<vmem>>, vector<1x1x16xi32>,
      %add3A_521 = arith.constant 288 : i32
      %add3A_522 = vector.broadcast %add3A_521 : i32 to vector<16xi32>
      %add3A_523 = arith.addi %iota3A, %add3A_522 : vector<16xi32>
      %rem3A_524 = arith.constant 12 : i32
      %rem3A_525 = vector.broadcast %rem3A_524 : i32 to vector<16xi32>
      %rem3A_526 = arith.remsi %add3A_523, %rem3A_525 : vector<16xi32>
      %broadcast_in_dim3A_527 = vector.shape_cast %rem3A_526 : vector<16xi32> to vector<16x1xi32>
      %gather3A_528 = vector.shape_cast %broadcast_in_dim3A_527 : vector<16x1xi32> to vector<16xi32>
      %gather3A_529 = tpu.dynamic_gather %get3A_145[%gather3A_528] in [0] : vector<16xi32>, vector<16xi32> -> vector<16xi32>
      %sub3A_530 = arith.subi %add3A_523, %rem3A_526 : vector<16xi32>
      %add3A_531 = arith.addi %gather3A_529, %sub3A_530 : vector<16xi32>
      %add3A_532 = vector.broadcast %mul3A_143 : i32 to vector<16xi32>
      %add3A_533 = arith.addi %add3A_531, %add3A_532 : vector<16xi32>
      %swap3A_534 = arith.constant 0 : i32
      %swap3A_535 = arith.constant 2 : i32
      %swap3A_536 = arith.index_cast %swap3A_534 : i32 to index
      %swap3A_537 = arith.index_cast %swap3A_535 : i32 to index
      %swap3A_538 = arith.constant 32 : index
      %swap3A_539 = tpu.vector_load %arg6[%swap3A_536, %swap3A_537, %swap3A_538] {strides = array<i32>} : memref<4x3x128xi32, #tpu.memory_space<vmem>>, vector<1x1x16xi32>,
      %swap3A_540 = vector.shape_cast %swap3A_539 : vector<1x1x16xi32> to vector<16xi32>
      %swap3A_541 = vector.shape_cast %add3A_533 : vector<16xi32> to vector<1x1x16xi32>
      tpu.vector_store %arg6[%swap3A_536, %swap3A_537, %swap3A_538], %swap3A_541 {strides = array<i32>} : memref<4x3x128xi32, #tpu.memory_space<vmem>>, vector<1x1x16xi32>,
      %add3A_542 = arith.constant 304 : i32
      %add3A_543 = vector.broadcast %add3A_542 : i32 to vector<16xi32>
      %add3A_544 = arith.addi %iota3A, %add3A_543 : vector<16xi32>
      %rem3A_545 = arith.constant 12 : i32
      %rem3A_546 = vector.broadcast %rem3A_545 : i32 to vector<16xi32>
      %rem3A_547 = arith.remsi %add3A_544, %rem3A_546 : vector<16xi32>
      %broadcast_in_dim3A_548 = vector.shape_cast %rem3A_547 : vector<16xi32> to vector<16x1xi32>
      %gather3A_549 = vector.shape_cast %broadcast_in_dim3A_548 : vector<16x1xi32> to vector<16xi32>
      %gather3A_550 = tpu.dynamic_gather %get3A_145[%gather3A_549] in [0] : vector<16xi32>, vector<16xi32> -> vector<16xi32>
      %sub3A_551 = arith.subi %add3A_544, %rem3A_547 : vector<16xi32>
      %add3A_552 = arith.addi %gather3A_550, %sub3A_551 : vector<16xi32>
      %add3A_553 = vector.broadcast %mul3A_143 : i32 to vector<16xi32>
      %add3A_554 = arith.addi %add3A_552, %add3A_553 : vector<16xi32>
      %swap3A_555 = arith.constant 0 : i32
      %swap3A_556 = arith.constant 2 : i32
      %swap3A_557 = arith.index_cast %swap3A_555 : i32 to index
      %swap3A_558 = arith.index_cast %swap3A_556 : i32 to index
      %swap3A_559 = arith.constant 48 : index
      %swap3A_560 = tpu.vector_load %arg6[%swap3A_557, %swap3A_558, %swap3A_559] {strides = array<i32>} : memref<4x3x128xi32, #tpu.memory_space<vmem>>, vector<1x1x16xi32>,
      %swap3A_561 = vector.shape_cast %swap3A_560 : vector<1x1x16xi32> to vector<16xi32>
      %swap3A_562 = vector.shape_cast %add3A_554 : vector<16xi32> to vector<1x1x16xi32>
      tpu.vector_store %arg6[%swap3A_557, %swap3A_558, %swap3A_559], %swap3A_562 {strides = array<i32>} : memref<4x3x128xi32, #tpu.memory_space<vmem>>, vector<1x1x16xi32>,
      %add3A_563 = arith.constant 320 : i32
      %add3A_564 = vector.broadcast %add3A_563 : i32 to vector<16xi32>
      %add3A_565 = arith.addi %iota3A, %add3A_564 : vector<16xi32>
      %rem3A_566 = arith.constant 12 : i32
      %rem3A_567 = vector.broadcast %rem3A_566 : i32 to vector<16xi32>
      %rem3A_568 = arith.remsi %add3A_565, %rem3A_567 : vector<16xi32>
      %broadcast_in_dim3A_569 = vector.shape_cast %rem3A_568 : vector<16xi32> to vector<16x1xi32>
      %gather3A_570 = vector.shape_cast %broadcast_in_dim3A_569 : vector<16x1xi32> to vector<16xi32>
      %gather3A_571 = tpu.dynamic_gather %get3A_145[%gather3A_570] in [0] : vector<16xi32>, vector<16xi32> -> vector<16xi32>
      %sub3A_572 = arith.subi %add3A_565, %rem3A_568 : vector<16xi32>
      %add3A_573 = arith.addi %gather3A_571, %sub3A_572 : vector<16xi32>
      %add3A_574 = vector.broadcast %mul3A_143 : i32 to vector<16xi32>
      %add3A_575 = arith.addi %add3A_573, %add3A_574 : vector<16xi32>
      %swap3A_576 = arith.constant 0 : i32
      %swap3A_577 = arith.constant 2 : i32
      %swap3A_578 = arith.index_cast %swap3A_576 : i32 to index
      %swap3A_579 = arith.index_cast %swap3A_577 : i32 to index
      %swap3A_580 = arith.constant 64 : index
      %swap3A_581 = tpu.vector_load %arg6[%swap3A_578, %swap3A_579, %swap3A_580] {strides = array<i32>} : memref<4x3x128xi32, #tpu.memory_space<vmem>>, vector<1x1x16xi32>,
      %swap3A_582 = vector.shape_cast %swap3A_581 : vector<1x1x16xi32> to vector<16xi32>
      %swap3A_583 = vector.shape_cast %add3A_575 : vector<16xi32> to vector<1x1x16xi32>
      tpu.vector_store %arg6[%swap3A_578, %swap3A_579, %swap3A_580], %swap3A_583 {strides = array<i32>} : memref<4x3x128xi32, #tpu.memory_space<vmem>>, vector<1x1x16xi32>,
      %add3A_584 = arith.constant 336 : i32
      %add3A_585 = vector.broadcast %add3A_584 : i32 to vector<16xi32>
      %add3A_586 = arith.addi %iota3A, %add3A_585 : vector<16xi32>
      %rem3A_587 = arith.constant 12 : i32
      %rem3A_588 = vector.broadcast %rem3A_587 : i32 to vector<16xi32>
      %rem3A_589 = arith.remsi %add3A_586, %rem3A_588 : vector<16xi32>
      %broadcast_in_dim3A_590 = vector.shape_cast %rem3A_589 : vector<16xi32> to vector<16x1xi32>
      %gather3A_591 = vector.shape_cast %broadcast_in_dim3A_590 : vector<16x1xi32> to vector<16xi32>
      %gather3A_592 = tpu.dynamic_gather %get3A_145[%gather3A_591] in [0] : vector<16xi32>, vector<16xi32> -> vector<16xi32>
      %sub3A_593 = arith.subi %add3A_586, %rem3A_589 : vector<16xi32>
      %add3A_594 = arith.addi %gather3A_592, %sub3A_593 : vector<16xi32>
      %add3A_595 = vector.broadcast %mul3A_143 : i32 to vector<16xi32>
      %add3A_596 = arith.addi %add3A_594, %add3A_595 : vector<16xi32>
      %swap3A_597 = arith.constant 0 : i32
      %swap3A_598 = arith.constant 2 : i32
      %swap3A_599 = arith.index_cast %swap3A_597 : i32 to index
      %swap3A_600 = arith.index_cast %swap3A_598 : i32 to index
      %swap3A_601 = arith.constant 80 : index
      %swap3A_602 = tpu.vector_load %arg6[%swap3A_599, %swap3A_600, %swap3A_601] {strides = array<i32>} : memref<4x3x128xi32, #tpu.memory_space<vmem>>, vector<1x1x16xi32>,
      %swap3A_603 = vector.shape_cast %swap3A_602 : vector<1x1x16xi32> to vector<16xi32>
      %swap3A_604 = vector.shape_cast %add3A_596 : vector<16xi32> to vector<1x1x16xi32>
      tpu.vector_store %arg6[%swap3A_599, %swap3A_600, %swap3A_601], %swap3A_604 {strides = array<i32>} : memref<4x3x128xi32, #tpu.memory_space<vmem>>, vector<1x1x16xi32>,
      %add3A_605 = arith.constant 352 : i32
      %add3A_606 = vector.broadcast %add3A_605 : i32 to vector<16xi32>
      %add3A_607 = arith.addi %iota3A, %add3A_606 : vector<16xi32>
      %rem3A_608 = arith.constant 12 : i32
      %rem3A_609 = vector.broadcast %rem3A_608 : i32 to vector<16xi32>
      %rem3A_610 = arith.remsi %add3A_607, %rem3A_609 : vector<16xi32>
      %broadcast_in_dim3A_611 = vector.shape_cast %rem3A_610 : vector<16xi32> to vector<16x1xi32>
      %gather3A_612 = vector.shape_cast %broadcast_in_dim3A_611 : vector<16x1xi32> to vector<16xi32>
      %gather3A_613 = tpu.dynamic_gather %get3A_145[%gather3A_612] in [0] : vector<16xi32>, vector<16xi32> -> vector<16xi32>
      %sub3A_614 = arith.subi %add3A_607, %rem3A_610 : vector<16xi32>
      %add3A_615 = arith.addi %gather3A_613, %sub3A_614 : vector<16xi32>
      %add3A_616 = vector.broadcast %mul3A_143 : i32 to vector<16xi32>
      %add3A_617 = arith.addi %add3A_615, %add3A_616 : vector<16xi32>
      %swap3A_618 = arith.constant 0 : i32
      %swap3A_619 = arith.constant 2 : i32
      %swap3A_620 = arith.index_cast %swap3A_618 : i32 to index
      %swap3A_621 = arith.index_cast %swap3A_619 : i32 to index
      %swap3A_622 = arith.constant 96 : index
      %swap3A_623 = tpu.vector_load %arg6[%swap3A_620, %swap3A_621, %swap3A_622] {strides = array<i32>} : memref<4x3x128xi32, #tpu.memory_space<vmem>>, vector<1x1x16xi32>,
      %swap3A_624 = vector.shape_cast %swap3A_623 : vector<1x1x16xi32> to vector<16xi32>
      %swap3A_625 = vector.shape_cast %add3A_617 : vector<16xi32> to vector<1x1x16xi32>
      tpu.vector_store %arg6[%swap3A_620, %swap3A_621, %swap3A_622], %swap3A_625 {strides = array<i32>} : memref<4x3x128xi32, #tpu.memory_space<vmem>>, vector<1x1x16xi32>,
      %add3A_626 = arith.constant 368 : i32
      %add3A_627 = vector.broadcast %add3A_626 : i32 to vector<16xi32>
      %add3A_628 = arith.addi %iota3A, %add3A_627 : vector<16xi32>
      %rem3A_629 = arith.constant 12 : i32
      %rem3A_630 = vector.broadcast %rem3A_629 : i32 to vector<16xi32>
      %rem3A_631 = arith.remsi %add3A_628, %rem3A_630 : vector<16xi32>
      %broadcast_in_dim3A_632 = vector.shape_cast %rem3A_631 : vector<16xi32> to vector<16x1xi32>
      %gather3A_633 = vector.shape_cast %broadcast_in_dim3A_632 : vector<16x1xi32> to vector<16xi32>
      %gather3A_634 = tpu.dynamic_gather %get3A_145[%gather3A_633] in [0] : vector<16xi32>, vector<16xi32> -> vector<16xi32>
      %sub3A_635 = arith.subi %add3A_628, %rem3A_631 : vector<16xi32>
      %add3A_636 = arith.addi %gather3A_634, %sub3A_635 : vector<16xi32>
      %add3A_637 = vector.broadcast %mul3A_143 : i32 to vector<16xi32>
      %add3A_638 = arith.addi %add3A_636, %add3A_637 : vector<16xi32>
      %swap3A_639 = arith.constant 0 : i32
      %swap3A_640 = arith.constant 2 : i32
      %swap3A_641 = arith.index_cast %swap3A_639 : i32 to index
      %swap3A_642 = arith.index_cast %swap3A_640 : i32 to index
      %swap3A_643 = arith.constant 112 : index
      %swap3A_644 = tpu.vector_load %arg6[%swap3A_641, %swap3A_642, %swap3A_643] {strides = array<i32>} : memref<4x3x128xi32, #tpu.memory_space<vmem>>, vector<1x1x16xi32>,
      %swap3A_645 = vector.shape_cast %swap3A_644 : vector<1x1x16xi32> to vector<16xi32>
      %swap3A_646 = vector.shape_cast %add3A_638 : vector<16xi32> to vector<1x1x16xi32>
      tpu.vector_store %arg6[%swap3A_641, %swap3A_642, %swap3A_643], %swap3A_646 {strides = array<i32>} : memref<4x3x128xi32, #tpu.memory_space<vmem>>, vector<1x1x16xi32>,
      %dma_start3A = arith.constant 0 : i32
      %dma_start3A_647 = arith.constant 0 : i32
      %dma_start3A_648 = arith.constant 0 : i32
      %dma_start3A_649 = arith.constant 0 : i32
      %dma_start3A_650 = arith.constant 0 : i32
      %dma_start3A_651 = tpu.memref_slice %arg7[%dma_start3A_648, %dma_start3A_649, %dma_start3A_650] : memref<4x384x32xf32, #tpu.memory_space<vmem>> -> memref<1x128x32xf32, #tpu.memory_space<vmem>>
      %dma_start3A_652 = tpu.memref_squeeze %dma_start3A_651 : memref<1x128x32xf32, #tpu.memory_space<vmem>> -> memref<128x32xf32, #tpu.memory_space<vmem>>
      %dma_start3A_653 = arith.constant 0 : i32
      %dma_start3A_654 = tpu.memref_slice %arg6[%dma_start3A, %dma_start3A_647, %dma_start3A_653] : memref<4x3x128xi32, #tpu.memory_space<vmem>> -> memref<1x1x128xi32, #tpu.memory_space<vmem>>
      %dma_start3A_655 = tpu.memref_squeeze %dma_start3A_654 : memref<1x1x128xi32, #tpu.memory_space<vmem>> -> memref<128xi32, #tpu.memory_space<vmem>>
      %dma_start3A_656 = arith.constant 0 : i32
      %dma_start3A_657 = arith.constant 0 : i32
      %dma_start3A_658 = tpu.memref_slice %arg3[%dma_start3A_656, %dma_start3A_657] : memref<1769472x32xf32, #tpu.memory_space<hbm>> -> memref<1769472x32xf32, #tpu.memory_space<hbm>>
      tpu.enqueue_indirect_dma source(%dma_start3A_658 : memref<1769472x32xf32, #tpu.memory_space<hbm>>) target(%dma_start3A_652 : memref<128x32xf32, #tpu.memory_space<vmem>>) offsets(%dma_start3A_655 : memref<128xi32, #tpu.memory_space<vmem>>) semaphore(%arg8 : memref<!tpu.dma_semaphore, #tpu.memory_space<semaphore_mem>>)
      %dma_start3A_659 = arith.constant 0 : i32
      %dma_start3A_660 = arith.constant 1 : i32
      %dma_start3A_661 = arith.constant 0 : i32
      %dma_start3A_662 = arith.constant 128 : i32
      %dma_start3A_663 = arith.constant 0 : i32
      %dma_start3A_664 = tpu.memref_slice %arg7[%dma_start3A_661, %dma_start3A_662, %dma_start3A_663] : memref<4x384x32xf32, #tpu.memory_space<vmem>> -> memref<1x128x32xf32, #tpu.memory_space<vmem>>
      %dma_start3A_665 = tpu.memref_squeeze %dma_start3A_664 : memref<1x128x32xf32, #tpu.memory_space<vmem>> -> memref<128x32xf32, #tpu.memory_space<vmem>>
      %dma_start3A_666 = arith.constant 0 : i32
      %dma_start3A_667 = tpu.memref_slice %arg6[%dma_start3A_659, %dma_start3A_660, %dma_start3A_666] : memref<4x3x128xi32, #tpu.memory_space<vmem>> -> memref<1x1x128xi32, #tpu.memory_space<vmem>>
      %dma_start3A_668 = tpu.memref_squeeze %dma_start3A_667 : memref<1x1x128xi32, #tpu.memory_space<vmem>> -> memref<128xi32, #tpu.memory_space<vmem>>
      %dma_start3A_669 = arith.constant 0 : i32
      %dma_start3A_670 = arith.constant 0 : i32
      %dma_start3A_671 = tpu.memref_slice %arg3[%dma_start3A_669, %dma_start3A_670] : memref<1769472x32xf32, #tpu.memory_space<hbm>> -> memref<1769472x32xf32, #tpu.memory_space<hbm>>
      tpu.enqueue_indirect_dma source(%dma_start3A_671 : memref<1769472x32xf32, #tpu.memory_space<hbm>>) target(%dma_start3A_665 : memref<128x32xf32, #tpu.memory_space<vmem>>) offsets(%dma_start3A_668 : memref<128xi32, #tpu.memory_space<vmem>>) semaphore(%arg8 : memref<!tpu.dma_semaphore, #tpu.memory_space<semaphore_mem>>)
      %dma_start3A_672 = arith.constant 0 : i32
      %dma_start3A_673 = arith.constant 2 : i32
      %dma_start3A_674 = arith.constant 0 : i32
      %dma_start3A_675 = arith.constant 256 : i32
      %dma_start3A_676 = arith.constant 0 : i32
      %dma_start3A_677 = tpu.memref_slice %arg7[%dma_start3A_674, %dma_start3A_675, %dma_start3A_676] : memref<4x384x32xf32, #tpu.memory_space<vmem>> -> memref<1x128x32xf32, #tpu.memory_space<vmem>>
      %dma_start3A_678 = tpu.memref_squeeze %dma_start3A_677 : memref<1x128x32xf32, #tpu.memory_space<vmem>> -> memref<128x32xf32, #tpu.memory_space<vmem>>
      %dma_start3A_679 = arith.constant 0 : i32
      %dma_start3A_680 = tpu.memref_slice %arg6[%dma_start3A_672, %dma_start3A_673, %dma_start3A_679] : memref<4x3x128xi32, #tpu.memory_space<vmem>> -> memref<1x1x128xi32, #tpu.memory_space<vmem>>
      %dma_start3A_681 = tpu.memref_squeeze %dma_start3A_680 : memref<1x1x128xi32, #tpu.memory_space<vmem>> -> memref<128xi32, #tpu.memory_space<vmem>>
      %dma_start3A_682 = arith.constant 0 : i32
      %dma_start3A_683 = arith.constant 0 : i32
      %dma_start3A_684 = tpu.memref_slice %arg3[%dma_start3A_682, %dma_start3A_683] : memref<1769472x32xf32, #tpu.memory_space<hbm>> -> memref<1769472x32xf32, #tpu.memory_space<hbm>>
      tpu.enqueue_indirect_dma source(%dma_start3A_684 : memref<1769472x32xf32, #tpu.memory_space<hbm>>) target(%dma_start3A_678 : memref<128x32xf32, #tpu.memory_space<vmem>>) offsets(%dma_start3A_681 : memref<128xi32, #tpu.memory_space<vmem>>) semaphore(%arg8 : memref<!tpu.dma_semaphore, #tpu.memory_space<semaphore_mem>>)
      %gt3A_685 = arith.constant 0 : i32
      %gt3A_686 = arith.cmpi sgt, %scan3A_75, %gt3A_685 : i32
      %convert_element_type3A_687 = arith.extui %gt3A_686 : i1 to i32
      %cond3A_688 = arith.constant 0 : i32
      %cond3A_689 = arith.cmpi ne, %convert_element_type3A_687, %cond3A_688 : i32
      scf.if %cond3A_689 {
        %sub3A_2732 = arith.constant 4 : i32
        %sub3A_2733 = arith.subi %add3A_83, %sub3A_2732 : i32
        %add3A_2734 = arith.addi %mul3A_2, %sub3A_2733 : i32
        %mul3A_2735 = arith.constant 384 : i32
        %mul3A_2736 = arith.muli %add3A_2734, %mul3A_2735 : i32
        %dma_wait3A_2737 = arith.constant 1 : i32
        %dma_wait3A_2738 = arith.constant 0 : i32
        %dma_wait3A_2739 = arith.constant 0 : i32
        %dma_wait3A_2740 = tpu.memref_slice %arg7[%dma_wait3A_2737, %dma_wait3A_2738, %dma_wait3A_2739] : memref<4x384x32xf32, #tpu.memory_space<vmem>> -> memref<1x384x32xf32, #tpu.memory_space<vmem>>
        %dma_wait3A_2741 = tpu.memref_squeeze %dma_wait3A_2740 : memref<1x384x32xf32, #tpu.memory_space<vmem>> -> memref<384x32xf32, #tpu.memory_space<vmem>>
        %dma_wait3A_2742 = arith.constant 0 : i32
        %dma_wait3A_2743 = tpu.memref_slice %arg4[%mul3A_2736, %dma_wait3A_2742] : memref<1769472x32xf32, #tpu.memory_space<hbm>> -> memref<384x32xf32, #tpu.memory_space<hbm>>
        %dma_wait3A_2744 = arith.constant 0 : i32
        %dma_wait3A_2745 = tpu.memref_slice %arg4[%mul3A_2736, %dma_wait3A_2744] : memref<1769472x32xf32, #tpu.memory_space<hbm>> -> memref<384x32xf32, #tpu.memory_space<hbm>>
        %dma_wait3A_2746 = arith.constant 0 : i32
        %dma_wait3A_2747 = arith.constant 0 : i32
        %dma_wait3A_2748 = tpu.memref_slice %arg7[%dma_wait3A_2737, %dma_wait3A_2746, %dma_wait3A_2747] : memref<4x384x32xf32, #tpu.memory_space<vmem>> -> memref<1x384x32xf32, #tpu.memory_space<vmem>>
        %dma_wait3A_2749 = tpu.memref_squeeze %dma_wait3A_2748 : memref<1x384x32xf32, #tpu.memory_space<vmem>> -> memref<384x32xf32, #tpu.memory_space<vmem>>
        tpu.wait_dma2 semaphore(%arg13 : memref<!tpu.dma_semaphore, #tpu.memory_space<semaphore_mem>>) src(%dma_wait3A_2749 : memref<384x32xf32, #tpu.memory_space<vmem>>) dst(%dma_wait3A_2745 : memref<384x32xf32, #tpu.memory_space<hbm>>)
      } else {
      }
      %add3A_690 = arith.addi %mul3A_2, %add3A_83 : i32
      %jit3A_691 = arith.constant 1152 : i32
      %div3A_692 = arith.divsi %add3A_690, %jit3A_691 : i32
      %sign3A_693 = arith.constant 0 : i32
      %sign3A_694 = arith.cmpi sgt, %add3A_690, %sign3A_693 : i32
      %sign3A_695 = arith.extui %sign3A_694 : i1 to i32
      %sign3A_696 = arith.constant 0 : i32
      %sign3A_697 = arith.cmpi slt, %add3A_690, %sign3A_696 : i32
      %sign3A_698 = arith.extui %sign3A_697 : i1 to i32
      %sign3A_699 = arith.subi %sign3A_695, %sign3A_698 : i32
      %sign3A_700 = arith.constant 0 : i32
      %sign3A_701 = arith.cmpi sgt, %jit3A_691, %sign3A_700 : i32
      %sign3A_702 = arith.extui %sign3A_701 : i1 to i32
      %sign3A_703 = arith.constant 0 : i32
      %sign3A_704 = arith.cmpi slt, %jit3A_691, %sign3A_703 : i32
      %sign3A_705 = arith.extui %sign3A_704 : i1 to i32
      %sign3A_706 = arith.subi %sign3A_702, %sign3A_705 : i32
      %ne3A_707 = arith.cmpi ne, %sign3A_699, %sign3A_706 : i32
      %rem3A_708 = arith.remsi %add3A_690, %jit3A_691 : i32
      %ne3A_709 = arith.constant 0 : i32
      %ne3A_710 = arith.cmpi ne, %rem3A_708, %ne3A_709 : i32
      %and3A_711 = arith.andi %ne3A_707, %ne3A_710 : i1
      %sub3A_712 = arith.constant 1 : i32
      %sub3A_713 = arith.subi %div3A_692, %sub3A_712 : i32
      %select_n3A_714 = arith.select %and3A_711, %sub3A_713, %div3A_692 : i32
      %rem3A_715 = arith.constant 12 : i32
      %rem3A_716 = arith.remsi %add3A_690, %rem3A_715 : i32
      %mul3A_717 = arith.constant 144 : i32
      %mul3A_718 = arith.muli %select_n3A_714, %mul3A_717 : i32
      %mul3A_719 = arith.constant 12 : i32
      %mul3A_720 = arith.muli %rem3A_716, %mul3A_719 : i32
      %add3A_721 = arith.addi %mul3A_718, %mul3A_720 : i32
      %jit3A_722 = arith.constant 12 : i32
      %div3A_723 = arith.divsi %add3A_690, %jit3A_722 : i32
      %sign3A_724 = arith.constant 0 : i32
      %sign3A_725 = arith.cmpi sgt, %add3A_690, %sign3A_724 : i32
      %sign3A_726 = arith.extui %sign3A_725 : i1 to i32
      %sign3A_727 = arith.constant 0 : i32
      %sign3A_728 = arith.cmpi slt, %add3A_690, %sign3A_727 : i32
      %sign3A_729 = arith.extui %sign3A_728 : i1 to i32
      %sign3A_730 = arith.subi %sign3A_726, %sign3A_729 : i32
      %sign3A_731 = arith.constant 0 : i32
      %sign3A_732 = arith.cmpi sgt, %jit3A_722, %sign3A_731 : i32
      %sign3A_733 = arith.extui %sign3A_732 : i1 to i32
      %sign3A_734 = arith.constant 0 : i32
      %sign3A_735 = arith.cmpi slt, %jit3A_722, %sign3A_734 : i32
      %sign3A_736 = arith.extui %sign3A_735 : i1 to i32
      %sign3A_737 = arith.subi %sign3A_733, %sign3A_736 : i32
      %ne3A_738 = arith.cmpi ne, %sign3A_730, %sign3A_737 : i32
      %rem3A_739 = arith.remsi %add3A_690, %jit3A_722 : i32
      %ne3A_740 = arith.constant 0 : i32
      %ne3A_741 = arith.cmpi ne, %rem3A_739, %ne3A_740 : i32
      %and3A_742 = arith.andi %ne3A_738, %ne3A_741 : i1
      %sub3A_743 = arith.constant 1 : i32
      %sub3A_744 = arith.subi %div3A_723, %sub3A_743 : i32
      %select_n3A_745 = arith.select %and3A_742, %sub3A_744, %div3A_723 : i32
      %mul3A_746 = arith.constant 4608 : i32
      %mul3A_747 = arith.muli %select_n3A_745, %mul3A_746 : i32
      %get3A_748 = arith.index_cast %add3A_721 : i32 to index
      %get3A_749 = tpu.vector_load %arg5[%get3A_748] {strides = array<i32>} : memref<592xi32, #tpu.memory_space<vmem>>, vector<16xi32>,
      %get3A_750 = vector.shape_cast %get3A_749 : vector<16xi32> to vector<16xi32>
      %add3A_751 = arith.constant 0 : i32
      %add3A_752 = vector.broadcast %add3A_751 : i32 to vector<16xi32>
      %add3A_753 = arith.addi %iota3A, %add3A_752 : vector<16xi32>
      %rem3A_754 = arith.constant 12 : i32
      %rem3A_755 = vector.broadcast %rem3A_754 : i32 to vector<16xi32>
      %rem3A_756 = arith.remsi %add3A_753, %rem3A_755 : vector<16xi32>
      %broadcast_in_dim3A_757 = vector.shape_cast %rem3A_756 : vector<16xi32> to vector<16x1xi32>
      %gather3A_758 = vector.shape_cast %broadcast_in_dim3A_757 : vector<16x1xi32> to vector<16xi32>
      %gather3A_759 = tpu.dynamic_gather %get3A_750[%gather3A_758] in [0] : vector<16xi32>, vector<16xi32> -> vector<16xi32>
      %sub3A_760 = arith.subi %add3A_753, %rem3A_756 : vector<16xi32>
      %add3A_761 = arith.addi %gather3A_759, %sub3A_760 : vector<16xi32>
      %add3A_762 = vector.broadcast %mul3A_747 : i32 to vector<16xi32>
      %add3A_763 = arith.addi %add3A_761, %add3A_762 : vector<16xi32>
      %swap3A_764 = arith.constant 1 : i32
      %swap3A_765 = arith.constant 0 : i32
      %swap3A_766 = arith.index_cast %swap3A_764 : i32 to index
      %swap3A_767 = arith.index_cast %swap3A_765 : i32 to index
      %swap3A_768 = arith.constant 0 : index
      %swap3A_769 = tpu.vector_load %arg6[%swap3A_766, %swap3A_767, %swap3A_768] {strides = array<i32>} : memref<4x3x128xi32, #tpu.memory_space<vmem>>, vector<1x1x16xi32>,
      %swap3A_770 = vector.shape_cast %swap3A_769 : vector<1x1x16xi32> to vector<16xi32>
      %swap3A_771 = vector.shape_cast %add3A_763 : vector<16xi32> to vector<1x1x16xi32>
      tpu.vector_store %arg6[%swap3A_766, %swap3A_767, %swap3A_768], %swap3A_771 {strides = array<i32>} : memref<4x3x128xi32, #tpu.memory_space<vmem>>, vector<1x1x16xi32>,
      %add3A_772 = arith.constant 16 : i32
      %add3A_773 = vector.broadcast %add3A_772 : i32 to vector<16xi32>
      %add3A_774 = arith.addi %iota3A, %add3A_773 : vector<16xi32>
      %rem3A_775 = arith.constant 12 : i32
      %rem3A_776 = vector.broadcast %rem3A_775 : i32 to vector<16xi32>
      %rem3A_777 = arith.remsi %add3A_774, %rem3A_776 : vector<16xi32>
      %broadcast_in_dim3A_778 = vector.shape_cast %rem3A_777 : vector<16xi32> to vector<16x1xi32>
      %gather3A_779 = vector.shape_cast %broadcast_in_dim3A_778 : vector<16x1xi32> to vector<16xi32>
      %gather3A_780 = tpu.dynamic_gather %get3A_750[%gather3A_779] in [0] : vector<16xi32>, vector<16xi32> -> vector<16xi32>
      %sub3A_781 = arith.subi %add3A_774, %rem3A_777 : vector<16xi32>
      %add3A_782 = arith.addi %gather3A_780, %sub3A_781 : vector<16xi32>
      %add3A_783 = vector.broadcast %mul3A_747 : i32 to vector<16xi32>
      %add3A_784 = arith.addi %add3A_782, %add3A_783 : vector<16xi32>
      %swap3A_785 = arith.constant 1 : i32
      %swap3A_786 = arith.constant 0 : i32
      %swap3A_787 = arith.index_cast %swap3A_785 : i32 to index
      %swap3A_788 = arith.index_cast %swap3A_786 : i32 to index
      %swap3A_789 = arith.constant 16 : index
      %swap3A_790 = tpu.vector_load %arg6[%swap3A_787, %swap3A_788, %swap3A_789] {strides = array<i32>} : memref<4x3x128xi32, #tpu.memory_space<vmem>>, vector<1x1x16xi32>,
      %swap3A_791 = vector.shape_cast %swap3A_790 : vector<1x1x16xi32> to vector<16xi32>
      %swap3A_792 = vector.shape_cast %add3A_784 : vector<16xi32> to vector<1x1x16xi32>
      tpu.vector_store %arg6[%swap3A_787, %swap3A_788, %swap3A_789], %swap3A_792 {strides = array<i32>} : memref<4x3x128xi32, #tpu.memory_space<vmem>>, vector<1x1x16xi32>,
      %add3A_793 = arith.constant 32 : i32
      %add3A_794 = vector.broadcast %add3A_793 : i32 to vector<16xi32>
      %add3A_795 = arith.addi %iota3A, %add3A_794 : vector<16xi32>
      %rem3A_796 = arith.constant 12 : i32
      %rem3A_797 = vector.broadcast %rem3A_796 : i32 to vector<16xi32>
      %rem3A_798 = arith.remsi %add3A_795, %rem3A_797 : vector<16xi32>
      %broadcast_in_dim3A_799 = vector.shape_cast %rem3A_798 : vector<16xi32> to vector<16x1xi32>
      %gather3A_800 = vector.shape_cast %broadcast_in_dim3A_799 : vector<16x1xi32> to vector<16xi32>
      %gather3A_801 = tpu.dynamic_gather %get3A_750[%gather3A_800] in [0] : vector<16xi32>, vector<16xi32> -> vector<16xi32>
      %sub3A_802 = arith.subi %add3A_795, %rem3A_798 : vector<16xi32>
      %add3A_803 = arith.addi %gather3A_801, %sub3A_802 : vector<16xi32>
      %add3A_804 = vector.broadcast %mul3A_747 : i32 to vector<16xi32>
      %add3A_805 = arith.addi %add3A_803, %add3A_804 : vector<16xi32>
      %swap3A_806 = arith.constant 1 : i32
      %swap3A_807 = arith.constant 0 : i32
      %swap3A_808 = arith.index_cast %swap3A_806 : i32 to index
      %swap3A_809 = arith.index_cast %swap3A_807 : i32 to index
      %swap3A_810 = arith.constant 32 : index
      %swap3A_811 = tpu.vector_load %arg6[%swap3A_808, %swap3A_809, %swap3A_810] {strides = array<i32>} : memref<4x3x128xi32, #tpu.memory_space<vmem>>, vector<1x1x16xi32>,
      %swap3A_812 = vector.shape_cast %swap3A_811 : vector<1x1x16xi32> to vector<16xi32>
      %swap3A_813 = vector.shape_cast %add3A_805 : vector<16xi32> to vector<1x1x16xi32>
      tpu.vector_store %arg6[%swap3A_808, %swap3A_809, %swap3A_810], %swap3A_813 {strides = array<i32>} : memref<4x3x128xi32, #tpu.memory_space<vmem>>, vector<1x1x16xi32>,
      %add3A_814 = arith.constant 48 : i32
      %add3A_815 = vector.broadcast %add3A_814 : i32 to vector<16xi32>
      %add3A_816 = arith.addi %iota3A, %add3A_815 : vector<16xi32>
      %rem3A_817 = arith.constant 12 : i32
      %rem3A_818 = vector.broadcast %rem3A_817 : i32 to vector<16xi32>
      %rem3A_819 = arith.remsi %add3A_816, %rem3A_818 : vector<16xi32>
      %broadcast_in_dim3A_820 = vector.shape_cast %rem3A_819 : vector<16xi32> to vector<16x1xi32>
      %gather3A_821 = vector.shape_cast %broadcast_in_dim3A_820 : vector<16x1xi32> to vector<16xi32>
      %gather3A_822 = tpu.dynamic_gather %get3A_750[%gather3A_821] in [0] : vector<16xi32>, vector<16xi32> -> vector<16xi32>
      %sub3A_823 = arith.subi %add3A_816, %rem3A_819 : vector<16xi32>
      %add3A_824 = arith.addi %gather3A_822, %sub3A_823 : vector<16xi32>
      %add3A_825 = vector.broadcast %mul3A_747 : i32 to vector<16xi32>
      %add3A_826 = arith.addi %add3A_824, %add3A_825 : vector<16xi32>
      %swap3A_827 = arith.constant 1 : i32
      %swap3A_828 = arith.constant 0 : i32
      %swap3A_829 = arith.index_cast %swap3A_827 : i32 to index
      %swap3A_830 = arith.index_cast %swap3A_828 : i32 to index
      %swap3A_831 = arith.constant 48 : index
      %swap3A_832 = tpu.vector_load %arg6[%swap3A_829, %swap3A_830, %swap3A_831] {strides = array<i32>} : memref<4x3x128xi32, #tpu.memory_space<vmem>>, vector<1x1x16xi32>,
      %swap3A_833 = vector.shape_cast %swap3A_832 : vector<1x1x16xi32> to vector<16xi32>
      %swap3A_834 = vector.shape_cast %add3A_826 : vector<16xi32> to vector<1x1x16xi32>
      tpu.vector_store %arg6[%swap3A_829, %swap3A_830, %swap3A_831], %swap3A_834 {strides = array<i32>} : memref<4x3x128xi32, #tpu.memory_space<vmem>>, vector<1x1x16xi32>,
      %add3A_835 = arith.constant 64 : i32
      %add3A_836 = vector.broadcast %add3A_835 : i32 to vector<16xi32>
      %add3A_837 = arith.addi %iota3A, %add3A_836 : vector<16xi32>
      %rem3A_838 = arith.constant 12 : i32
      %rem3A_839 = vector.broadcast %rem3A_838 : i32 to vector<16xi32>
      %rem3A_840 = arith.remsi %add3A_837, %rem3A_839 : vector<16xi32>
      %broadcast_in_dim3A_841 = vector.shape_cast %rem3A_840 : vector<16xi32> to vector<16x1xi32>
      %gather3A_842 = vector.shape_cast %broadcast_in_dim3A_841 : vector<16x1xi32> to vector<16xi32>
      %gather3A_843 = tpu.dynamic_gather %get3A_750[%gather3A_842] in [0] : vector<16xi32>, vector<16xi32> -> vector<16xi32>
      %sub3A_844 = arith.subi %add3A_837, %rem3A_840 : vector<16xi32>
      %add3A_845 = arith.addi %gather3A_843, %sub3A_844 : vector<16xi32>
      %add3A_846 = vector.broadcast %mul3A_747 : i32 to vector<16xi32>
      %add3A_847 = arith.addi %add3A_845, %add3A_846 : vector<16xi32>
      %swap3A_848 = arith.constant 1 : i32
      %swap3A_849 = arith.constant 0 : i32
      %swap3A_850 = arith.index_cast %swap3A_848 : i32 to index
      %swap3A_851 = arith.index_cast %swap3A_849 : i32 to index
      %swap3A_852 = arith.constant 64 : index
      %swap3A_853 = tpu.vector_load %arg6[%swap3A_850, %swap3A_851, %swap3A_852] {strides = array<i32>} : memref<4x3x128xi32, #tpu.memory_space<vmem>>, vector<1x1x16xi32>,
      %swap3A_854 = vector.shape_cast %swap3A_853 : vector<1x1x16xi32> to vector<16xi32>
      %swap3A_855 = vector.shape_cast %add3A_847 : vector<16xi32> to vector<1x1x16xi32>
      tpu.vector_store %arg6[%swap3A_850, %swap3A_851, %swap3A_852], %swap3A_855 {strides = array<i32>} : memref<4x3x128xi32, #tpu.memory_space<vmem>>, vector<1x1x16xi32>,
      %add3A_856 = arith.constant 80 : i32
      %add3A_857 = vector.broadcast %add3A_856 : i32 to vector<16xi32>
      %add3A_858 = arith.addi %iota3A, %add3A_857 : vector<16xi32>
      %rem3A_859 = arith.constant 12 : i32
      %rem3A_860 = vector.broadcast %rem3A_859 : i32 to vector<16xi32>
      %rem3A_861 = arith.remsi %add3A_858, %rem3A_860 : vector<16xi32>
      %broadcast_in_dim3A_862 = vector.shape_cast %rem3A_861 : vector<16xi32> to vector<16x1xi32>
      %gather3A_863 = vector.shape_cast %broadcast_in_dim3A_862 : vector<16x1xi32> to vector<16xi32>
      %gather3A_864 = tpu.dynamic_gather %get3A_750[%gather3A_863] in [0] : vector<16xi32>, vector<16xi32> -> vector<16xi32>
      %sub3A_865 = arith.subi %add3A_858, %rem3A_861 : vector<16xi32>
      %add3A_866 = arith.addi %gather3A_864, %sub3A_865 : vector<16xi32>
      %add3A_867 = vector.broadcast %mul3A_747 : i32 to vector<16xi32>
      %add3A_868 = arith.addi %add3A_866, %add3A_867 : vector<16xi32>
      %swap3A_869 = arith.constant 1 : i32
      %swap3A_870 = arith.constant 0 : i32
      %swap3A_871 = arith.index_cast %swap3A_869 : i32 to index
      %swap3A_872 = arith.index_cast %swap3A_870 : i32 to index
      %swap3A_873 = arith.constant 80 : index
      %swap3A_874 = tpu.vector_load %arg6[%swap3A_871, %swap3A_872, %swap3A_873] {strides = array<i32>} : memref<4x3x128xi32, #tpu.memory_space<vmem>>, vector<1x1x16xi32>,
      %swap3A_875 = vector.shape_cast %swap3A_874 : vector<1x1x16xi32> to vector<16xi32>
      %swap3A_876 = vector.shape_cast %add3A_868 : vector<16xi32> to vector<1x1x16xi32>
      tpu.vector_store %arg6[%swap3A_871, %swap3A_872, %swap3A_873], %swap3A_876 {strides = array<i32>} : memref<4x3x128xi32, #tpu.memory_space<vmem>>, vector<1x1x16xi32>,
      %add3A_877 = arith.constant 96 : i32
      %add3A_878 = vector.broadcast %add3A_877 : i32 to vector<16xi32>
      %add3A_879 = arith.addi %iota3A, %add3A_878 : vector<16xi32>
      %rem3A_880 = arith.constant 12 : i32
      %rem3A_881 = vector.broadcast %rem3A_880 : i32 to vector<16xi32>
      %rem3A_882 = arith.remsi %add3A_879, %rem3A_881 : vector<16xi32>
      %broadcast_in_dim3A_883 = vector.shape_cast %rem3A_882 : vector<16xi32> to vector<16x1xi32>
      %gather3A_884 = vector.shape_cast %broadcast_in_dim3A_883 : vector<16x1xi32> to vector<16xi32>
      %gather3A_885 = tpu.dynamic_gather %get3A_750[%gather3A_884] in [0] : vector<16xi32>, vector<16xi32> -> vector<16xi32>
      %sub3A_886 = arith.subi %add3A_879, %rem3A_882 : vector<16xi32>
      %add3A_887 = arith.addi %gather3A_885, %sub3A_886 : vector<16xi32>
      %add3A_888 = vector.broadcast %mul3A_747 : i32 to vector<16xi32>
      %add3A_889 = arith.addi %add3A_887, %add3A_888 : vector<16xi32>
      %swap3A_890 = arith.constant 1 : i32
      %swap3A_891 = arith.constant 0 : i32
      %swap3A_892 = arith.index_cast %swap3A_890 : i32 to index
      %swap3A_893 = arith.index_cast %swap3A_891 : i32 to index
      %swap3A_894 = arith.constant 96 : index
      %swap3A_895 = tpu.vector_load %arg6[%swap3A_892, %swap3A_893, %swap3A_894] {strides = array<i32>} : memref<4x3x128xi32, #tpu.memory_space<vmem>>, vector<1x1x16xi32>,
      %swap3A_896 = vector.shape_cast %swap3A_895 : vector<1x1x16xi32> to vector<16xi32>
      %swap3A_897 = vector.shape_cast %add3A_889 : vector<16xi32> to vector<1x1x16xi32>
      tpu.vector_store %arg6[%swap3A_892, %swap3A_893, %swap3A_894], %swap3A_897 {strides = array<i32>} : memref<4x3x128xi32, #tpu.memory_space<vmem>>, vector<1x1x16xi32>,
      %add3A_898 = arith.constant 112 : i32
      %add3A_899 = vector.broadcast %add3A_898 : i32 to vector<16xi32>
      %add3A_900 = arith.addi %iota3A, %add3A_899 : vector<16xi32>
      %rem3A_901 = arith.constant 12 : i32
      %rem3A_902 = vector.broadcast %rem3A_901 : i32 to vector<16xi32>
      %rem3A_903 = arith.remsi %add3A_900, %rem3A_902 : vector<16xi32>
      %broadcast_in_dim3A_904 = vector.shape_cast %rem3A_903 : vector<16xi32> to vector<16x1xi32>
      %gather3A_905 = vector.shape_cast %broadcast_in_dim3A_904 : vector<16x1xi32> to vector<16xi32>
      %gather3A_906 = tpu.dynamic_gather %get3A_750[%gather3A_905] in [0] : vector<16xi32>, vector<16xi32> -> vector<16xi32>
      %sub3A_907 = arith.subi %add3A_900, %rem3A_903 : vector<16xi32>
      %add3A_908 = arith.addi %gather3A_906, %sub3A_907 : vector<16xi32>
      %add3A_909 = vector.broadcast %mul3A_747 : i32 to vector<16xi32>
      %add3A_910 = arith.addi %add3A_908, %add3A_909 : vector<16xi32>
      %swap3A_911 = arith.constant 1 : i32
      %swap3A_912 = arith.constant 0 : i32
      %swap3A_913 = arith.index_cast %swap3A_911 : i32 to index
      %swap3A_914 = arith.index_cast %swap3A_912 : i32 to index
      %swap3A_915 = arith.constant 112 : index
      %swap3A_916 = tpu.vector_load %arg6[%swap3A_913, %swap3A_914, %swap3A_915] {strides = array<i32>} : memref<4x3x128xi32, #tpu.memory_space<vmem>>, vector<1x1x16xi32>,
      %swap3A_917 = vector.shape_cast %swap3A_916 : vector<1x1x16xi32> to vector<16xi32>
      %swap3A_918 = vector.shape_cast %add3A_910 : vector<16xi32> to vector<1x1x16xi32>
      tpu.vector_store %arg6[%swap3A_913, %swap3A_914, %swap3A_915], %swap3A_918 {strides = array<i32>} : memref<4x3x128xi32, #tpu.memory_space<vmem>>, vector<1x1x16xi32>,
      %add3A_919 = arith.constant 128 : i32
      %add3A_920 = vector.broadcast %add3A_919 : i32 to vector<16xi32>
      %add3A_921 = arith.addi %iota3A, %add3A_920 : vector<16xi32>
      %rem3A_922 = arith.constant 12 : i32
      %rem3A_923 = vector.broadcast %rem3A_922 : i32 to vector<16xi32>
      %rem3A_924 = arith.remsi %add3A_921, %rem3A_923 : vector<16xi32>
      %broadcast_in_dim3A_925 = vector.shape_cast %rem3A_924 : vector<16xi32> to vector<16x1xi32>
      %gather3A_926 = vector.shape_cast %broadcast_in_dim3A_925 : vector<16x1xi32> to vector<16xi32>
      %gather3A_927 = tpu.dynamic_gather %get3A_750[%gather3A_926] in [0] : vector<16xi32>, vector<16xi32> -> vector<16xi32>
      %sub3A_928 = arith.subi %add3A_921, %rem3A_924 : vector<16xi32>
      %add3A_929 = arith.addi %gather3A_927, %sub3A_928 : vector<16xi32>
      %add3A_930 = vector.broadcast %mul3A_747 : i32 to vector<16xi32>
      %add3A_931 = arith.addi %add3A_929, %add3A_930 : vector<16xi32>
      %swap3A_932 = arith.constant 1 : i32
      %swap3A_933 = arith.constant 1 : i32
      %swap3A_934 = arith.index_cast %swap3A_932 : i32 to index
      %swap3A_935 = arith.index_cast %swap3A_933 : i32 to index
      %swap3A_936 = arith.constant 0 : index
      %swap3A_937 = tpu.vector_load %arg6[%swap3A_934, %swap3A_935, %swap3A_936] {strides = array<i32>} : memref<4x3x128xi32, #tpu.memory_space<vmem>>, vector<1x1x16xi32>,
      %swap3A_938 = vector.shape_cast %swap3A_937 : vector<1x1x16xi32> to vector<16xi32>
      %swap3A_939 = vector.shape_cast %add3A_931 : vector<16xi32> to vector<1x1x16xi32>
      tpu.vector_store %arg6[%swap3A_934, %swap3A_935, %swap3A_936], %swap3A_939 {strides = array<i32>} : memref<4x3x128xi32, #tpu.memory_space<vmem>>, vector<1x1x16xi32>,
      %add3A_940 = arith.constant 144 : i32
      %add3A_941 = vector.broadcast %add3A_940 : i32 to vector<16xi32>
      %add3A_942 = arith.addi %iota3A, %add3A_941 : vector<16xi32>
      %rem3A_943 = arith.constant 12 : i32
      %rem3A_944 = vector.broadcast %rem3A_943 : i32 to vector<16xi32>
      %rem3A_945 = arith.remsi %add3A_942, %rem3A_944 : vector<16xi32>
      %broadcast_in_dim3A_946 = vector.shape_cast %rem3A_945 : vector<16xi32> to vector<16x1xi32>
      %gather3A_947 = vector.shape_cast %broadcast_in_dim3A_946 : vector<16x1xi32> to vector<16xi32>
      %gather3A_948 = tpu.dynamic_gather %get3A_750[%gather3A_947] in [0] : vector<16xi32>, vector<16xi32> -> vector<16xi32>
      %sub3A_949 = arith.subi %add3A_942, %rem3A_945 : vector<16xi32>
      %add3A_950 = arith.addi %gather3A_948, %sub3A_949 : vector<16xi32>
      %add3A_951 = vector.broadcast %mul3A_747 : i32 to vector<16xi32>
      %add3A_952 = arith.addi %add3A_950, %add3A_951 : vector<16xi32>
      %swap3A_953 = arith.constant 1 : i32
      %swap3A_954 = arith.constant 1 : i32
      %swap3A_955 = arith.index_cast %swap3A_953 : i32 to index
      %swap3A_956 = arith.index_cast %swap3A_954 : i32 to index
      %swap3A_957 = arith.constant 16 : index
      %swap3A_958 = tpu.vector_load %arg6[%swap3A_955, %swap3A_956, %swap3A_957] {strides = array<i32>} : memref<4x3x128xi32, #tpu.memory_space<vmem>>, vector<1x1x16xi32>,
      %swap3A_959 = vector.shape_cast %swap3A_958 : vector<1x1x16xi32> to vector<16xi32>
      %swap3A_960 = vector.shape_cast %add3A_952 : vector<16xi32> to vector<1x1x16xi32>
      tpu.vector_store %arg6[%swap3A_955, %swap3A_956, %swap3A_957], %swap3A_960 {strides = array<i32>} : memref<4x3x128xi32, #tpu.memory_space<vmem>>, vector<1x1x16xi32>,
      %add3A_961 = arith.constant 160 : i32
      %add3A_962 = vector.broadcast %add3A_961 : i32 to vector<16xi32>
      %add3A_963 = arith.addi %iota3A, %add3A_962 : vector<16xi32>
      %rem3A_964 = arith.constant 12 : i32
      %rem3A_965 = vector.broadcast %rem3A_964 : i32 to vector<16xi32>
      %rem3A_966 = arith.remsi %add3A_963, %rem3A_965 : vector<16xi32>
      %broadcast_in_dim3A_967 = vector.shape_cast %rem3A_966 : vector<16xi32> to vector<16x1xi32>
      %gather3A_968 = vector.shape_cast %broadcast_in_dim3A_967 : vector<16x1xi32> to vector<16xi32>
      %gather3A_969 = tpu.dynamic_gather %get3A_750[%gather3A_968] in [0] : vector<16xi32>, vector<16xi32> -> vector<16xi32>
      %sub3A_970 = arith.subi %add3A_963, %rem3A_966 : vector<16xi32>
      %add3A_971 = arith.addi %gather3A_969, %sub3A_970 : vector<16xi32>
      %add3A_972 = vector.broadcast %mul3A_747 : i32 to vector<16xi32>
      %add3A_973 = arith.addi %add3A_971, %add3A_972 : vector<16xi32>
      %swap3A_974 = arith.constant 1 : i32
      %swap3A_975 = arith.constant 1 : i32
      %swap3A_976 = arith.index_cast %swap3A_974 : i32 to index
      %swap3A_977 = arith.index_cast %swap3A_975 : i32 to index
      %swap3A_978 = arith.constant 32 : index
      %swap3A_979 = tpu.vector_load %arg6[%swap3A_976, %swap3A_977, %swap3A_978] {strides = array<i32>} : memref<4x3x128xi32, #tpu.memory_space<vmem>>, vector<1x1x16xi32>,
      %swap3A_980 = vector.shape_cast %swap3A_979 : vector<1x1x16xi32> to vector<16xi32>
      %swap3A_981 = vector.shape_cast %add3A_973 : vector<16xi32> to vector<1x1x16xi32>
      tpu.vector_store %arg6[%swap3A_976, %swap3A_977, %swap3A_978], %swap3A_981 {strides = array<i32>} : memref<4x3x128xi32, #tpu.memory_space<vmem>>, vector<1x1x16xi32>,
      %add3A_982 = arith.constant 176 : i32
      %add3A_983 = vector.broadcast %add3A_982 : i32 to vector<16xi32>
      %add3A_984 = arith.addi %iota3A, %add3A_983 : vector<16xi32>
      %rem3A_985 = arith.constant 12 : i32
      %rem3A_986 = vector.broadcast %rem3A_985 : i32 to vector<16xi32>
      %rem3A_987 = arith.remsi %add3A_984, %rem3A_986 : vector<16xi32>
      %broadcast_in_dim3A_988 = vector.shape_cast %rem3A_987 : vector<16xi32> to vector<16x1xi32>
      %gather3A_989 = vector.shape_cast %broadcast_in_dim3A_988 : vector<16x1xi32> to vector<16xi32>
      %gather3A_990 = tpu.dynamic_gather %get3A_750[%gather3A_989] in [0] : vector<16xi32>, vector<16xi32> -> vector<16xi32>
      %sub3A_991 = arith.subi %add3A_984, %rem3A_987 : vector<16xi32>
      %add3A_992 = arith.addi %gather3A_990, %sub3A_991 : vector<16xi32>
      %add3A_993 = vector.broadcast %mul3A_747 : i32 to vector<16xi32>
      %add3A_994 = arith.addi %add3A_992, %add3A_993 : vector<16xi32>
      %swap3A_995 = arith.constant 1 : i32
      %swap3A_996 = arith.constant 1 : i32
      %swap3A_997 = arith.index_cast %swap3A_995 : i32 to index
      %swap3A_998 = arith.index_cast %swap3A_996 : i32 to index
      %swap3A_999 = arith.constant 48 : index
      %swap3A_1000 = tpu.vector_load %arg6[%swap3A_997, %swap3A_998, %swap3A_999] {strides = array<i32>} : memref<4x3x128xi32, #tpu.memory_space<vmem>>, vector<1x1x16xi32>,
      %swap3A_1001 = vector.shape_cast %swap3A_1000 : vector<1x1x16xi32> to vector<16xi32>
      %swap3A_1002 = vector.shape_cast %add3A_994 : vector<16xi32> to vector<1x1x16xi32>
      tpu.vector_store %arg6[%swap3A_997, %swap3A_998, %swap3A_999], %swap3A_1002 {strides = array<i32>} : memref<4x3x128xi32, #tpu.memory_space<vmem>>, vector<1x1x16xi32>,
      %add3A_1003 = arith.constant 192 : i32
      %add3A_1004 = vector.broadcast %add3A_1003 : i32 to vector<16xi32>
      %add3A_1005 = arith.addi %iota3A, %add3A_1004 : vector<16xi32>
      %rem3A_1006 = arith.constant 12 : i32
      %rem3A_1007 = vector.broadcast %rem3A_1006 : i32 to vector<16xi32>
      %rem3A_1008 = arith.remsi %add3A_1005, %rem3A_1007 : vector<16xi32>
      %broadcast_in_dim3A_1009 = vector.shape_cast %rem3A_1008 : vector<16xi32> to vector<16x1xi32>
      %gather3A_1010 = vector.shape_cast %broadcast_in_dim3A_1009 : vector<16x1xi32> to vector<16xi32>
      %gather3A_1011 = tpu.dynamic_gather %get3A_750[%gather3A_1010] in [0] : vector<16xi32>, vector<16xi32> -> vector<16xi32>
      %sub3A_1012 = arith.subi %add3A_1005, %rem3A_1008 : vector<16xi32>
      %add3A_1013 = arith.addi %gather3A_1011, %sub3A_1012 : vector<16xi32>
      %add3A_1014 = vector.broadcast %mul3A_747 : i32 to vector<16xi32>
      %add3A_1015 = arith.addi %add3A_1013, %add3A_1014 : vector<16xi32>
      %swap3A_1016 = arith.constant 1 : i32
      %swap3A_1017 = arith.constant 1 : i32
      %swap3A_1018 = arith.index_cast %swap3A_1016 : i32 to index
      %swap3A_1019 = arith.index_cast %swap3A_1017 : i32 to index
      %swap3A_1020 = arith.constant 64 : index
      %swap3A_1021 = tpu.vector_load %arg6[%swap3A_1018, %swap3A_1019, %swap3A_1020] {strides = array<i32>} : memref<4x3x128xi32, #tpu.memory_space<vmem>>, vector<1x1x16xi32>,
      %swap3A_1022 = vector.shape_cast %swap3A_1021 : vector<1x1x16xi32> to vector<16xi32>
      %swap3A_1023 = vector.shape_cast %add3A_1015 : vector<16xi32> to vector<1x1x16xi32>
      tpu.vector_store %arg6[%swap3A_1018, %swap3A_1019, %swap3A_1020], %swap3A_1023 {strides = array<i32>} : memref<4x3x128xi32, #tpu.memory_space<vmem>>, vector<1x1x16xi32>,
      %add3A_1024 = arith.constant 208 : i32
      %add3A_1025 = vector.broadcast %add3A_1024 : i32 to vector<16xi32>
      %add3A_1026 = arith.addi %iota3A, %add3A_1025 : vector<16xi32>
      %rem3A_1027 = arith.constant 12 : i32
      %rem3A_1028 = vector.broadcast %rem3A_1027 : i32 to vector<16xi32>
      %rem3A_1029 = arith.remsi %add3A_1026, %rem3A_1028 : vector<16xi32>
      %broadcast_in_dim3A_1030 = vector.shape_cast %rem3A_1029 : vector<16xi32> to vector<16x1xi32>
      %gather3A_1031 = vector.shape_cast %broadcast_in_dim3A_1030 : vector<16x1xi32> to vector<16xi32>
      %gather3A_1032 = tpu.dynamic_gather %get3A_750[%gather3A_1031] in [0] : vector<16xi32>, vector<16xi32> -> vector<16xi32>
      %sub3A_1033 = arith.subi %add3A_1026, %rem3A_1029 : vector<16xi32>
      %add3A_1034 = arith.addi %gather3A_1032, %sub3A_1033 : vector<16xi32>
      %add3A_1035 = vector.broadcast %mul3A_747 : i32 to vector<16xi32>
      %add3A_1036 = arith.addi %add3A_1034, %add3A_1035 : vector<16xi32>
      %swap3A_1037 = arith.constant 1 : i32
      %swap3A_1038 = arith.constant 1 : i32
      %swap3A_1039 = arith.index_cast %swap3A_1037 : i32 to index
      %swap3A_1040 = arith.index_cast %swap3A_1038 : i32 to index
      %swap3A_1041 = arith.constant 80 : index
      %swap3A_1042 = tpu.vector_load %arg6[%swap3A_1039, %swap3A_1040, %swap3A_1041] {strides = array<i32>} : memref<4x3x128xi32, #tpu.memory_space<vmem>>, vector<1x1x16xi32>,
      %swap3A_1043 = vector.shape_cast %swap3A_1042 : vector<1x1x16xi32> to vector<16xi32>
      %swap3A_1044 = vector.shape_cast %add3A_1036 : vector<16xi32> to vector<1x1x16xi32>
      tpu.vector_store %arg6[%swap3A_1039, %swap3A_1040, %swap3A_1041], %swap3A_1044 {strides = array<i32>} : memref<4x3x128xi32, #tpu.memory_space<vmem>>, vector<1x1x16xi32>,
      %add3A_1045 = arith.constant 224 : i32
      %add3A_1046 = vector.broadcast %add3A_1045 : i32 to vector<16xi32>
      %add3A_1047 = arith.addi %iota3A, %add3A_1046 : vector<16xi32>
      %rem3A_1048 = arith.constant 12 : i32
      %rem3A_1049 = vector.broadcast %rem3A_1048 : i32 to vector<16xi32>
      %rem3A_1050 = arith.remsi %add3A_1047, %rem3A_1049 : vector<16xi32>
      %broadcast_in_dim3A_1051 = vector.shape_cast %rem3A_1050 : vector<16xi32> to vector<16x1xi32>
      %gather3A_1052 = vector.shape_cast %broadcast_in_dim3A_1051 : vector<16x1xi32> to vector<16xi32>
      %gather3A_1053 = tpu.dynamic_gather %get3A_750[%gather3A_1052] in [0] : vector<16xi32>, vector<16xi32> -> vector<16xi32>
      %sub3A_1054 = arith.subi %add3A_1047, %rem3A_1050 : vector<16xi32>
      %add3A_1055 = arith.addi %gather3A_1053, %sub3A_1054 : vector<16xi32>
      %add3A_1056 = vector.broadcast %mul3A_747 : i32 to vector<16xi32>
      %add3A_1057 = arith.addi %add3A_1055, %add3A_1056 : vector<16xi32>
      %swap3A_1058 = arith.constant 1 : i32
      %swap3A_1059 = arith.constant 1 : i32
      %swap3A_1060 = arith.index_cast %swap3A_1058 : i32 to index
      %swap3A_1061 = arith.index_cast %swap3A_1059 : i32 to index
      %swap3A_1062 = arith.constant 96 : index
      %swap3A_1063 = tpu.vector_load %arg6[%swap3A_1060, %swap3A_1061, %swap3A_1062] {strides = array<i32>} : memref<4x3x128xi32, #tpu.memory_space<vmem>>, vector<1x1x16xi32>,
      %swap3A_1064 = vector.shape_cast %swap3A_1063 : vector<1x1x16xi32> to vector<16xi32>
      %swap3A_1065 = vector.shape_cast %add3A_1057 : vector<16xi32> to vector<1x1x16xi32>
      tpu.vector_store %arg6[%swap3A_1060, %swap3A_1061, %swap3A_1062], %swap3A_1065 {strides = array<i32>} : memref<4x3x128xi32, #tpu.memory_space<vmem>>, vector<1x1x16xi32>,
      %add3A_1066 = arith.constant 240 : i32
      %add3A_1067 = vector.broadcast %add3A_1066 : i32 to vector<16xi32>
      %add3A_1068 = arith.addi %iota3A, %add3A_1067 : vector<16xi32>
      %rem3A_1069 = arith.constant 12 : i32
      %rem3A_1070 = vector.broadcast %rem3A_1069 : i32 to vector<16xi32>
      %rem3A_1071 = arith.remsi %add3A_1068, %rem3A_1070 : vector<16xi32>
      %broadcast_in_dim3A_1072 = vector.shape_cast %rem3A_1071 : vector<16xi32> to vector<16x1xi32>
      %gather3A_1073 = vector.shape_cast %broadcast_in_dim3A_1072 : vector<16x1xi32> to vector<16xi32>
      %gather3A_1074 = tpu.dynamic_gather %get3A_750[%gather3A_1073] in [0] : vector<16xi32>, vector<16xi32> -> vector<16xi32>
      %sub3A_1075 = arith.subi %add3A_1068, %rem3A_1071 : vector<16xi32>
      %add3A_1076 = arith.addi %gather3A_1074, %sub3A_1075 : vector<16xi32>
      %add3A_1077 = vector.broadcast %mul3A_747 : i32 to vector<16xi32>
      %add3A_1078 = arith.addi %add3A_1076, %add3A_1077 : vector<16xi32>
      %swap3A_1079 = arith.constant 1 : i32
      %swap3A_1080 = arith.constant 1 : i32
      %swap3A_1081 = arith.index_cast %swap3A_1079 : i32 to index
      %swap3A_1082 = arith.index_cast %swap3A_1080 : i32 to index
      %swap3A_1083 = arith.constant 112 : index
      %swap3A_1084 = tpu.vector_load %arg6[%swap3A_1081, %swap3A_1082, %swap3A_1083] {strides = array<i32>} : memref<4x3x128xi32, #tpu.memory_space<vmem>>, vector<1x1x16xi32>,
      %swap3A_1085 = vector.shape_cast %swap3A_1084 : vector<1x1x16xi32> to vector<16xi32>
      %swap3A_1086 = vector.shape_cast %add3A_1078 : vector<16xi32> to vector<1x1x16xi32>
      tpu.vector_store %arg6[%swap3A_1081, %swap3A_1082, %swap3A_1083], %swap3A_1086 {strides = array<i32>} : memref<4x3x128xi32, #tpu.memory_space<vmem>>, vector<1x1x16xi32>,
      %add3A_1087 = arith.constant 256 : i32
      %add3A_1088 = vector.broadcast %add3A_1087 : i32 to vector<16xi32>
      %add3A_1089 = arith.addi %iota3A, %add3A_1088 : vector<16xi32>
      %rem3A_1090 = arith.constant 12 : i32
      %rem3A_1091 = vector.broadcast %rem3A_1090 : i32 to vector<16xi32>
      %rem3A_1092 = arith.remsi %add3A_1089, %rem3A_1091 : vector<16xi32>
      %broadcast_in_dim3A_1093 = vector.shape_cast %rem3A_1092 : vector<16xi32> to vector<16x1xi32>
      %gather3A_1094 = vector.shape_cast %broadcast_in_dim3A_1093 : vector<16x1xi32> to vector<16xi32>
      %gather3A_1095 = tpu.dynamic_gather %get3A_750[%gather3A_1094] in [0] : vector<16xi32>, vector<16xi32> -> vector<16xi32>
      %sub3A_1096 = arith.subi %add3A_1089, %rem3A_1092 : vector<16xi32>
      %add3A_1097 = arith.addi %gather3A_1095, %sub3A_1096 : vector<16xi32>
      %add3A_1098 = vector.broadcast %mul3A_747 : i32 to vector<16xi32>
      %add3A_1099 = arith.addi %add3A_1097, %add3A_1098 : vector<16xi32>
      %swap3A_1100 = arith.constant 1 : i32
      %swap3A_1101 = arith.constant 2 : i32
      %swap3A_1102 = arith.index_cast %swap3A_1100 : i32 to index
      %swap3A_1103 = arith.index_cast %swap3A_1101 : i32 to index
      %swap3A_1104 = arith.constant 0 : index
      %swap3A_1105 = tpu.vector_load %arg6[%swap3A_1102, %swap3A_1103, %swap3A_1104] {strides = array<i32>} : memref<4x3x128xi32, #tpu.memory_space<vmem>>, vector<1x1x16xi32>,
      %swap3A_1106 = vector.shape_cast %swap3A_1105 : vector<1x1x16xi32> to vector<16xi32>
      %swap3A_1107 = vector.shape_cast %add3A_1099 : vector<16xi32> to vector<1x1x16xi32>
      tpu.vector_store %arg6[%swap3A_1102, %swap3A_1103, %swap3A_1104], %swap3A_1107 {strides = array<i32>} : memref<4x3x128xi32, #tpu.memory_space<vmem>>, vector<1x1x16xi32>,
      %add3A_1108 = arith.constant 272 : i32
      %add3A_1109 = vector.broadcast %add3A_1108 : i32 to vector<16xi32>
      %add3A_1110 = arith.addi %iota3A, %add3A_1109 : vector<16xi32>
      %rem3A_1111 = arith.constant 12 : i32
      %rem3A_1112 = vector.broadcast %rem3A_1111 : i32 to vector<16xi32>
      %rem3A_1113 = arith.remsi %add3A_1110, %rem3A_1112 : vector<16xi32>
      %broadcast_in_dim3A_1114 = vector.shape_cast %rem3A_1113 : vector<16xi32> to vector<16x1xi32>
      %gather3A_1115 = vector.shape_cast %broadcast_in_dim3A_1114 : vector<16x1xi32> to vector<16xi32>
      %gather3A_1116 = tpu.dynamic_gather %get3A_750[%gather3A_1115] in [0] : vector<16xi32>, vector<16xi32> -> vector<16xi32>
      %sub3A_1117 = arith.subi %add3A_1110, %rem3A_1113 : vector<16xi32>
      %add3A_1118 = arith.addi %gather3A_1116, %sub3A_1117 : vector<16xi32>
      %add3A_1119 = vector.broadcast %mul3A_747 : i32 to vector<16xi32>
      %add3A_1120 = arith.addi %add3A_1118, %add3A_1119 : vector<16xi32>
      %swap3A_1121 = arith.constant 1 : i32
      %swap3A_1122 = arith.constant 2 : i32
      %swap3A_1123 = arith.index_cast %swap3A_1121 : i32 to index
      %swap3A_1124 = arith.index_cast %swap3A_1122 : i32 to index
      %swap3A_1125 = arith.constant 16 : index
      %swap3A_1126 = tpu.vector_load %arg6[%swap3A_1123, %swap3A_1124, %swap3A_1125] {strides = array<i32>} : memref<4x3x128xi32, #tpu.memory_space<vmem>>, vector<1x1x16xi32>,
      %swap3A_1127 = vector.shape_cast %swap3A_1126 : vector<1x1x16xi32> to vector<16xi32>
      %swap3A_1128 = vector.shape_cast %add3A_1120 : vector<16xi32> to vector<1x1x16xi32>
      tpu.vector_store %arg6[%swap3A_1123, %swap3A_1124, %swap3A_1125], %swap3A_1128 {strides = array<i32>} : memref<4x3x128xi32, #tpu.memory_space<vmem>>, vector<1x1x16xi32>,
      %add3A_1129 = arith.constant 288 : i32
      %add3A_1130 = vector.broadcast %add3A_1129 : i32 to vector<16xi32>
      %add3A_1131 = arith.addi %iota3A, %add3A_1130 : vector<16xi32>
      %rem3A_1132 = arith.constant 12 : i32
      %rem3A_1133 = vector.broadcast %rem3A_1132 : i32 to vector<16xi32>
      %rem3A_1134 = arith.remsi %add3A_1131, %rem3A_1133 : vector<16xi32>
      %broadcast_in_dim3A_1135 = vector.shape_cast %rem3A_1134 : vector<16xi32> to vector<16x1xi32>
      %gather3A_1136 = vector.shape_cast %broadcast_in_dim3A_1135 : vector<16x1xi32> to vector<16xi32>
      %gather3A_1137 = tpu.dynamic_gather %get3A_750[%gather3A_1136] in [0] : vector<16xi32>, vector<16xi32> -> vector<16xi32>
      %sub3A_1138 = arith.subi %add3A_1131, %rem3A_1134 : vector<16xi32>
      %add3A_1139 = arith.addi %gather3A_1137, %sub3A_1138 : vector<16xi32>
      %add3A_1140 = vector.broadcast %mul3A_747 : i32 to vector<16xi32>
      %add3A_1141 = arith.addi %add3A_1139, %add3A_1140 : vector<16xi32>
      %swap3A_1142 = arith.constant 1 : i32
      %swap3A_1143 = arith.constant 2 : i32
      %swap3A_1144 = arith.index_cast %swap3A_1142 : i32 to index
      %swap3A_1145 = arith.index_cast %swap3A_1143 : i32 to index
      %swap3A_1146 = arith.constant 32 : index
      %swap3A_1147 = tpu.vector_load %arg6[%swap3A_1144, %swap3A_1145, %swap3A_1146] {strides = array<i32>} : memref<4x3x128xi32, #tpu.memory_space<vmem>>, vector<1x1x16xi32>,
      %swap3A_1148 = vector.shape_cast %swap3A_1147 : vector<1x1x16xi32> to vector<16xi32>
      %swap3A_1149 = vector.shape_cast %add3A_1141 : vector<16xi32> to vector<1x1x16xi32>
      tpu.vector_store %arg6[%swap3A_1144, %swap3A_1145, %swap3A_1146], %swap3A_1149 {strides = array<i32>} : memref<4x3x128xi32, #tpu.memory_space<vmem>>, vector<1x1x16xi32>,
      %add3A_1150 = arith.constant 304 : i32
      %add3A_1151 = vector.broadcast %add3A_1150 : i32 to vector<16xi32>
      %add3A_1152 = arith.addi %iota3A, %add3A_1151 : vector<16xi32>
      %rem3A_1153 = arith.constant 12 : i32
      %rem3A_1154 = vector.broadcast %rem3A_1153 : i32 to vector<16xi32>
      %rem3A_1155 = arith.remsi %add3A_1152, %rem3A_1154 : vector<16xi32>
      %broadcast_in_dim3A_1156 = vector.shape_cast %rem3A_1155 : vector<16xi32> to vector<16x1xi32>
      %gather3A_1157 = vector.shape_cast %broadcast_in_dim3A_1156 : vector<16x1xi32> to vector<16xi32>
      %gather3A_1158 = tpu.dynamic_gather %get3A_750[%gather3A_1157] in [0] : vector<16xi32>, vector<16xi32> -> vector<16xi32>
      %sub3A_1159 = arith.subi %add3A_1152, %rem3A_1155 : vector<16xi32>
      %add3A_1160 = arith.addi %gather3A_1158, %sub3A_1159 : vector<16xi32>
      %add3A_1161 = vector.broadcast %mul3A_747 : i32 to vector<16xi32>
      %add3A_1162 = arith.addi %add3A_1160, %add3A_1161 : vector<16xi32>
      %swap3A_1163 = arith.constant 1 : i32
      %swap3A_1164 = arith.constant 2 : i32
      %swap3A_1165 = arith.index_cast %swap3A_1163 : i32 to index
      %swap3A_1166 = arith.index_cast %swap3A_1164 : i32 to index
      %swap3A_1167 = arith.constant 48 : index
      %swap3A_1168 = tpu.vector_load %arg6[%swap3A_1165, %swap3A_1166, %swap3A_1167] {strides = array<i32>} : memref<4x3x128xi32, #tpu.memory_space<vmem>>, vector<1x1x16xi32>,
      %swap3A_1169 = vector.shape_cast %swap3A_1168 : vector<1x1x16xi32> to vector<16xi32>
      %swap3A_1170 = vector.shape_cast %add3A_1162 : vector<16xi32> to vector<1x1x16xi32>
      tpu.vector_store %arg6[%swap3A_1165, %swap3A_1166, %swap3A_1167], %swap3A_1170 {strides = array<i32>} : memref<4x3x128xi32, #tpu.memory_space<vmem>>, vector<1x1x16xi32>,
      %add3A_1171 = arith.constant 320 : i32
      %add3A_1172 = vector.broadcast %add3A_1171 : i32 to vector<16xi32>
      %add3A_1173 = arith.addi %iota3A, %add3A_1172 : vector<16xi32>
      %rem3A_1174 = arith.constant 12 : i32
      %rem3A_1175 = vector.broadcast %rem3A_1174 : i32 to vector<16xi32>
      %rem3A_1176 = arith.remsi %add3A_1173, %rem3A_1175 : vector<16xi32>
      %broadcast_in_dim3A_1177 = vector.shape_cast %rem3A_1176 : vector<16xi32> to vector<16x1xi32>
      %gather3A_1178 = vector.shape_cast %broadcast_in_dim3A_1177 : vector<16x1xi32> to vector<16xi32>
      %gather3A_1179 = tpu.dynamic_gather %get3A_750[%gather3A_1178] in [0] : vector<16xi32>, vector<16xi32> -> vector<16xi32>
      %sub3A_1180 = arith.subi %add3A_1173, %rem3A_1176 : vector<16xi32>
      %add3A_1181 = arith.addi %gather3A_1179, %sub3A_1180 : vector<16xi32>
      %add3A_1182 = vector.broadcast %mul3A_747 : i32 to vector<16xi32>
      %add3A_1183 = arith.addi %add3A_1181, %add3A_1182 : vector<16xi32>
      %swap3A_1184 = arith.constant 1 : i32
      %swap3A_1185 = arith.constant 2 : i32
      %swap3A_1186 = arith.index_cast %swap3A_1184 : i32 to index
      %swap3A_1187 = arith.index_cast %swap3A_1185 : i32 to index
      %swap3A_1188 = arith.constant 64 : index
      %swap3A_1189 = tpu.vector_load %arg6[%swap3A_1186, %swap3A_1187, %swap3A_1188] {strides = array<i32>} : memref<4x3x128xi32, #tpu.memory_space<vmem>>, vector<1x1x16xi32>,
      %swap3A_1190 = vector.shape_cast %swap3A_1189 : vector<1x1x16xi32> to vector<16xi32>
      %swap3A_1191 = vector.shape_cast %add3A_1183 : vector<16xi32> to vector<1x1x16xi32>
      tpu.vector_store %arg6[%swap3A_1186, %swap3A_1187, %swap3A_1188], %swap3A_1191 {strides = array<i32>} : memref<4x3x128xi32, #tpu.memory_space<vmem>>, vector<1x1x16xi32>,
      %add3A_1192 = arith.constant 336 : i32
      %add3A_1193 = vector.broadcast %add3A_1192 : i32 to vector<16xi32>
      %add3A_1194 = arith.addi %iota3A, %add3A_1193 : vector<16xi32>
      %rem3A_1195 = arith.constant 12 : i32
      %rem3A_1196 = vector.broadcast %rem3A_1195 : i32 to vector<16xi32>
      %rem3A_1197 = arith.remsi %add3A_1194, %rem3A_1196 : vector<16xi32>
      %broadcast_in_dim3A_1198 = vector.shape_cast %rem3A_1197 : vector<16xi32> to vector<16x1xi32>
      %gather3A_1199 = vector.shape_cast %broadcast_in_dim3A_1198 : vector<16x1xi32> to vector<16xi32>
      %gather3A_1200 = tpu.dynamic_gather %get3A_750[%gather3A_1199] in [0] : vector<16xi32>, vector<16xi32> -> vector<16xi32>
      %sub3A_1201 = arith.subi %add3A_1194, %rem3A_1197 : vector<16xi32>
      %add3A_1202 = arith.addi %gather3A_1200, %sub3A_1201 : vector<16xi32>
      %add3A_1203 = vector.broadcast %mul3A_747 : i32 to vector<16xi32>
      %add3A_1204 = arith.addi %add3A_1202, %add3A_1203 : vector<16xi32>
      %swap3A_1205 = arith.constant 1 : i32
      %swap3A_1206 = arith.constant 2 : i32
      %swap3A_1207 = arith.index_cast %swap3A_1205 : i32 to index
      %swap3A_1208 = arith.index_cast %swap3A_1206 : i32 to index
      %swap3A_1209 = arith.constant 80 : index
      %swap3A_1210 = tpu.vector_load %arg6[%swap3A_1207, %swap3A_1208, %swap3A_1209] {strides = array<i32>} : memref<4x3x128xi32, #tpu.memory_space<vmem>>, vector<1x1x16xi32>,
      %swap3A_1211 = vector.shape_cast %swap3A_1210 : vector<1x1x16xi32> to vector<16xi32>
      %swap3A_1212 = vector.shape_cast %add3A_1204 : vector<16xi32> to vector<1x1x16xi32>
      tpu.vector_store %arg6[%swap3A_1207, %swap3A_1208, %swap3A_1209], %swap3A_1212 {strides = array<i32>} : memref<4x3x128xi32, #tpu.memory_space<vmem>>, vector<1x1x16xi32>,
      %add3A_1213 = arith.constant 352 : i32
      %add3A_1214 = vector.broadcast %add3A_1213 : i32 to vector<16xi32>
      %add3A_1215 = arith.addi %iota3A, %add3A_1214 : vector<16xi32>
      %rem3A_1216 = arith.constant 12 : i32
      %rem3A_1217 = vector.broadcast %rem3A_1216 : i32 to vector<16xi32>
      %rem3A_1218 = arith.remsi %add3A_1215, %rem3A_1217 : vector<16xi32>
      %broadcast_in_dim3A_1219 = vector.shape_cast %rem3A_1218 : vector<16xi32> to vector<16x1xi32>
      %gather3A_1220 = vector.shape_cast %broadcast_in_dim3A_1219 : vector<16x1xi32> to vector<16xi32>
      %gather3A_1221 = tpu.dynamic_gather %get3A_750[%gather3A_1220] in [0] : vector<16xi32>, vector<16xi32> -> vector<16xi32>
      %sub3A_1222 = arith.subi %add3A_1215, %rem3A_1218 : vector<16xi32>
      %add3A_1223 = arith.addi %gather3A_1221, %sub3A_1222 : vector<16xi32>
      %add3A_1224 = vector.broadcast %mul3A_747 : i32 to vector<16xi32>
      %add3A_1225 = arith.addi %add3A_1223, %add3A_1224 : vector<16xi32>
      %swap3A_1226 = arith.constant 1 : i32
      %swap3A_1227 = arith.constant 2 : i32
      %swap3A_1228 = arith.index_cast %swap3A_1226 : i32 to index
      %swap3A_1229 = arith.index_cast %swap3A_1227 : i32 to index
      %swap3A_1230 = arith.constant 96 : index
      %swap3A_1231 = tpu.vector_load %arg6[%swap3A_1228, %swap3A_1229, %swap3A_1230] {strides = array<i32>} : memref<4x3x128xi32, #tpu.memory_space<vmem>>, vector<1x1x16xi32>,
      %swap3A_1232 = vector.shape_cast %swap3A_1231 : vector<1x1x16xi32> to vector<16xi32>
      %swap3A_1233 = vector.shape_cast %add3A_1225 : vector<16xi32> to vector<1x1x16xi32>
      tpu.vector_store %arg6[%swap3A_1228, %swap3A_1229, %swap3A_1230], %swap3A_1233 {strides = array<i32>} : memref<4x3x128xi32, #tpu.memory_space<vmem>>, vector<1x1x16xi32>,
      %add3A_1234 = arith.constant 368 : i32
      %add3A_1235 = vector.broadcast %add3A_1234 : i32 to vector<16xi32>
      %add3A_1236 = arith.addi %iota3A, %add3A_1235 : vector<16xi32>
      %rem3A_1237 = arith.constant 12 : i32
      %rem3A_1238 = vector.broadcast %rem3A_1237 : i32 to vector<16xi32>
      %rem3A_1239 = arith.remsi %add3A_1236, %rem3A_1238 : vector<16xi32>
      %broadcast_in_dim3A_1240 = vector.shape_cast %rem3A_1239 : vector<16xi32> to vector<16x1xi32>
      %gather3A_1241 = vector.shape_cast %broadcast_in_dim3A_1240 : vector<16x1xi32> to vector<16xi32>
      %gather3A_1242 = tpu.dynamic_gather %get3A_750[%gather3A_1241] in [0] : vector<16xi32>, vector<16xi32> -> vector<16xi32>
      %sub3A_1243 = arith.subi %add3A_1236, %rem3A_1239 : vector<16xi32>
      %add3A_1244 = arith.addi %gather3A_1242, %sub3A_1243 : vector<16xi32>
      %add3A_1245 = vector.broadcast %mul3A_747 : i32 to vector<16xi32>
      %add3A_1246 = arith.addi %add3A_1244, %add3A_1245 : vector<16xi32>
      %swap3A_1247 = arith.constant 1 : i32
      %swap3A_1248 = arith.constant 2 : i32
      %swap3A_1249 = arith.index_cast %swap3A_1247 : i32 to index
      %swap3A_1250 = arith.index_cast %swap3A_1248 : i32 to index
      %swap3A_1251 = arith.constant 112 : index
      %swap3A_1252 = tpu.vector_load %arg6[%swap3A_1249, %swap3A_1250, %swap3A_1251] {strides = array<i32>} : memref<4x3x128xi32, #tpu.memory_space<vmem>>, vector<1x1x16xi32>,
      %swap3A_1253 = vector.shape_cast %swap3A_1252 : vector<1x1x16xi32> to vector<16xi32>
      %swap3A_1254 = vector.shape_cast %add3A_1246 : vector<16xi32> to vector<1x1x16xi32>
      tpu.vector_store %arg6[%swap3A_1249, %swap3A_1250, %swap3A_1251], %swap3A_1254 {strides = array<i32>} : memref<4x3x128xi32, #tpu.memory_space<vmem>>, vector<1x1x16xi32>,
      %dma_start3A_1255 = arith.constant 1 : i32
      %dma_start3A_1256 = arith.constant 0 : i32
      %dma_start3A_1257 = arith.constant 1 : i32
      %dma_start3A_1258 = arith.constant 0 : i32
      %dma_start3A_1259 = arith.constant 0 : i32
      %dma_start3A_1260 = tpu.memref_slice %arg7[%dma_start3A_1257, %dma_start3A_1258, %dma_start3A_1259] : memref<4x384x32xf32, #tpu.memory_space<vmem>> -> memref<1x128x32xf32, #tpu.memory_space<vmem>>
      %dma_start3A_1261 = tpu.memref_squeeze %dma_start3A_1260 : memref<1x128x32xf32, #tpu.memory_space<vmem>> -> memref<128x32xf32, #tpu.memory_space<vmem>>
      %dma_start3A_1262 = arith.constant 0 : i32
      %dma_start3A_1263 = tpu.memref_slice %arg6[%dma_start3A_1255, %dma_start3A_1256, %dma_start3A_1262] : memref<4x3x128xi32, #tpu.memory_space<vmem>> -> memref<1x1x128xi32, #tpu.memory_space<vmem>>
      %dma_start3A_1264 = tpu.memref_squeeze %dma_start3A_1263 : memref<1x1x128xi32, #tpu.memory_space<vmem>> -> memref<128xi32, #tpu.memory_space<vmem>>
      %dma_start3A_1265 = arith.constant 0 : i32
      %dma_start3A_1266 = arith.constant 0 : i32
      %dma_start3A_1267 = tpu.memref_slice %arg3[%dma_start3A_1265, %dma_start3A_1266] : memref<1769472x32xf32, #tpu.memory_space<hbm>> -> memref<1769472x32xf32, #tpu.memory_space<hbm>>
      tpu.enqueue_indirect_dma source(%dma_start3A_1267 : memref<1769472x32xf32, #tpu.memory_space<hbm>>) target(%dma_start3A_1261 : memref<128x32xf32, #tpu.memory_space<vmem>>) offsets(%dma_start3A_1264 : memref<128xi32, #tpu.memory_space<vmem>>) semaphore(%arg9 : memref<!tpu.dma_semaphore, #tpu.memory_space<semaphore_mem>>)
      %dma_start3A_1268 = arith.constant 1 : i32
      %dma_start3A_1269 = arith.constant 1 : i32
      %dma_start3A_1270 = arith.constant 1 : i32
      %dma_start3A_1271 = arith.constant 128 : i32
      %dma_start3A_1272 = arith.constant 0 : i32
      %dma_start3A_1273 = tpu.memref_slice %arg7[%dma_start3A_1270, %dma_start3A_1271, %dma_start3A_1272] : memref<4x384x32xf32, #tpu.memory_space<vmem>> -> memref<1x128x32xf32, #tpu.memory_space<vmem>>
      %dma_start3A_1274 = tpu.memref_squeeze %dma_start3A_1273 : memref<1x128x32xf32, #tpu.memory_space<vmem>> -> memref<128x32xf32, #tpu.memory_space<vmem>>
      %dma_start3A_1275 = arith.constant 0 : i32
      %dma_start3A_1276 = tpu.memref_slice %arg6[%dma_start3A_1268, %dma_start3A_1269, %dma_start3A_1275] : memref<4x3x128xi32, #tpu.memory_space<vmem>> -> memref<1x1x128xi32, #tpu.memory_space<vmem>>
      %dma_start3A_1277 = tpu.memref_squeeze %dma_start3A_1276 : memref<1x1x128xi32, #tpu.memory_space<vmem>> -> memref<128xi32, #tpu.memory_space<vmem>>
      %dma_start3A_1278 = arith.constant 0 : i32
      %dma_start3A_1279 = arith.constant 0 : i32
      %dma_start3A_1280 = tpu.memref_slice %arg3[%dma_start3A_1278, %dma_start3A_1279] : memref<1769472x32xf32, #tpu.memory_space<hbm>> -> memref<1769472x32xf32, #tpu.memory_space<hbm>>
      tpu.enqueue_indirect_dma source(%dma_start3A_1280 : memref<1769472x32xf32, #tpu.memory_space<hbm>>) target(%dma_start3A_1274 : memref<128x32xf32, #tpu.memory_space<vmem>>) offsets(%dma_start3A_1277 : memref<128xi32, #tpu.memory_space<vmem>>) semaphore(%arg9 : memref<!tpu.dma_semaphore, #tpu.memory_space<semaphore_mem>>)
      %dma_start3A_1281 = arith.constant 1 : i32
      %dma_start3A_1282 = arith.constant 2 : i32
      %dma_start3A_1283 = arith.constant 1 : i32
      %dma_start3A_1284 = arith.constant 256 : i32
      %dma_start3A_1285 = arith.constant 0 : i32
      %dma_start3A_1286 = tpu.memref_slice %arg7[%dma_start3A_1283, %dma_start3A_1284, %dma_start3A_1285] : memref<4x384x32xf32, #tpu.memory_space<vmem>> -> memref<1x128x32xf32, #tpu.memory_space<vmem>>
      %dma_start3A_1287 = tpu.memref_squeeze %dma_start3A_1286 : memref<1x128x32xf32, #tpu.memory_space<vmem>> -> memref<128x32xf32, #tpu.memory_space<vmem>>
      %dma_start3A_1288 = arith.constant 0 : i32
      %dma_start3A_1289 = tpu.memref_slice %arg6[%dma_start3A_1281, %dma_start3A_1282, %dma_start3A_1288] : memref<4x3x128xi32, #tpu.memory_space<vmem>> -> memref<1x1x128xi32, #tpu.memory_space<vmem>>
      %dma_start3A_1290 = tpu.memref_squeeze %dma_start3A_1289 : memref<1x1x128xi32, #tpu.memory_space<vmem>> -> memref<128xi32, #tpu.memory_space<vmem>>
      %dma_start3A_1291 = arith.constant 0 : i32
      %dma_start3A_1292 = arith.constant 0 : i32
      %dma_start3A_1293 = tpu.memref_slice %arg3[%dma_start3A_1291, %dma_start3A_1292] : memref<1769472x32xf32, #tpu.memory_space<hbm>> -> memref<1769472x32xf32, #tpu.memory_space<hbm>>
      tpu.enqueue_indirect_dma source(%dma_start3A_1293 : memref<1769472x32xf32, #tpu.memory_space<hbm>>) target(%dma_start3A_1287 : memref<128x32xf32, #tpu.memory_space<vmem>>) offsets(%dma_start3A_1290 : memref<128xi32, #tpu.memory_space<vmem>>) semaphore(%arg9 : memref<!tpu.dma_semaphore, #tpu.memory_space<semaphore_mem>>)
      %gt3A_1294 = arith.constant 0 : i32
      %gt3A_1295 = arith.cmpi sgt, %scan3A_75, %gt3A_1294 : i32
      %convert_element_type3A_1296 = arith.extui %gt3A_1295 : i1 to i32
      %cond3A_1297 = arith.constant 0 : i32
      %cond3A_1298 = arith.cmpi ne, %convert_element_type3A_1296, %cond3A_1297 : i32
      scf.if %cond3A_1298 {
        %sub3A_2732 = arith.constant 4 : i32
        %sub3A_2733 = arith.subi %add3A_87, %sub3A_2732 : i32
        %add3A_2734 = arith.addi %mul3A_2, %sub3A_2733 : i32
        %mul3A_2735 = arith.constant 384 : i32
        %mul3A_2736 = arith.muli %add3A_2734, %mul3A_2735 : i32
        %dma_wait3A_2737 = arith.constant 2 : i32
        %dma_wait3A_2738 = arith.constant 0 : i32
        %dma_wait3A_2739 = arith.constant 0 : i32
        %dma_wait3A_2740 = tpu.memref_slice %arg7[%dma_wait3A_2737, %dma_wait3A_2738, %dma_wait3A_2739] : memref<4x384x32xf32, #tpu.memory_space<vmem>> -> memref<1x384x32xf32, #tpu.memory_space<vmem>>
        %dma_wait3A_2741 = tpu.memref_squeeze %dma_wait3A_2740 : memref<1x384x32xf32, #tpu.memory_space<vmem>> -> memref<384x32xf32, #tpu.memory_space<vmem>>
        %dma_wait3A_2742 = arith.constant 0 : i32
        %dma_wait3A_2743 = tpu.memref_slice %arg4[%mul3A_2736, %dma_wait3A_2742] : memref<1769472x32xf32, #tpu.memory_space<hbm>> -> memref<384x32xf32, #tpu.memory_space<hbm>>
        %dma_wait3A_2744 = arith.constant 0 : i32
        %dma_wait3A_2745 = tpu.memref_slice %arg4[%mul3A_2736, %dma_wait3A_2744] : memref<1769472x32xf32, #tpu.memory_space<hbm>> -> memref<384x32xf32, #tpu.memory_space<hbm>>
        %dma_wait3A_2746 = arith.constant 0 : i32
        %dma_wait3A_2747 = arith.constant 0 : i32
        %dma_wait3A_2748 = tpu.memref_slice %arg7[%dma_wait3A_2737, %dma_wait3A_2746, %dma_wait3A_2747] : memref<4x384x32xf32, #tpu.memory_space<vmem>> -> memref<1x384x32xf32, #tpu.memory_space<vmem>>
        %dma_wait3A_2749 = tpu.memref_squeeze %dma_wait3A_2748 : memref<1x384x32xf32, #tpu.memory_space<vmem>> -> memref<384x32xf32, #tpu.memory_space<vmem>>
        tpu.wait_dma2 semaphore(%arg14 : memref<!tpu.dma_semaphore, #tpu.memory_space<semaphore_mem>>) src(%dma_wait3A_2749 : memref<384x32xf32, #tpu.memory_space<vmem>>) dst(%dma_wait3A_2745 : memref<384x32xf32, #tpu.memory_space<hbm>>)
      } else {
      }
      %add3A_1299 = arith.addi %mul3A_2, %add3A_87 : i32
      %jit3A_1300 = arith.constant 1152 : i32
      %div3A_1301 = arith.divsi %add3A_1299, %jit3A_1300 : i32
      %sign3A_1302 = arith.constant 0 : i32
      %sign3A_1303 = arith.cmpi sgt, %add3A_1299, %sign3A_1302 : i32
      %sign3A_1304 = arith.extui %sign3A_1303 : i1 to i32
      %sign3A_1305 = arith.constant 0 : i32
      %sign3A_1306 = arith.cmpi slt, %add3A_1299, %sign3A_1305 : i32
      %sign3A_1307 = arith.extui %sign3A_1306 : i1 to i32
      %sign3A_1308 = arith.subi %sign3A_1304, %sign3A_1307 : i32
      %sign3A_1309 = arith.constant 0 : i32
      %sign3A_1310 = arith.cmpi sgt, %jit3A_1300, %sign3A_1309 : i32
      %sign3A_1311 = arith.extui %sign3A_1310 : i1 to i32
      %sign3A_1312 = arith.constant 0 : i32
      %sign3A_1313 = arith.cmpi slt, %jit3A_1300, %sign3A_1312 : i32
      %sign3A_1314 = arith.extui %sign3A_1313 : i1 to i32
      %sign3A_1315 = arith.subi %sign3A_1311, %sign3A_1314 : i32
      %ne3A_1316 = arith.cmpi ne, %sign3A_1308, %sign3A_1315 : i32
      %rem3A_1317 = arith.remsi %add3A_1299, %jit3A_1300 : i32
      %ne3A_1318 = arith.constant 0 : i32
      %ne3A_1319 = arith.cmpi ne, %rem3A_1317, %ne3A_1318 : i32
      %and3A_1320 = arith.andi %ne3A_1316, %ne3A_1319 : i1
      %sub3A_1321 = arith.constant 1 : i32
      %sub3A_1322 = arith.subi %div3A_1301, %sub3A_1321 : i32
      %select_n3A_1323 = arith.select %and3A_1320, %sub3A_1322, %div3A_1301 : i32
      %rem3A_1324 = arith.constant 12 : i32
      %rem3A_1325 = arith.remsi %add3A_1299, %rem3A_1324 : i32
      %mul3A_1326 = arith.constant 144 : i32
      %mul3A_1327 = arith.muli %select_n3A_1323, %mul3A_1326 : i32
      %mul3A_1328 = arith.constant 12 : i32
      %mul3A_1329 = arith.muli %rem3A_1325, %mul3A_1328 : i32
      %add3A_1330 = arith.addi %mul3A_1327, %mul3A_1329 : i32
      %jit3A_1331 = arith.constant 12 : i32
      %div3A_1332 = arith.divsi %add3A_1299, %jit3A_1331 : i32
      %sign3A_1333 = arith.constant 0 : i32
      %sign3A_1334 = arith.cmpi sgt, %add3A_1299, %sign3A_1333 : i32
      %sign3A_1335 = arith.extui %sign3A_1334 : i1 to i32
      %sign3A_1336 = arith.constant 0 : i32
      %sign3A_1337 = arith.cmpi slt, %add3A_1299, %sign3A_1336 : i32
      %sign3A_1338 = arith.extui %sign3A_1337 : i1 to i32
      %sign3A_1339 = arith.subi %sign3A_1335, %sign3A_1338 : i32
      %sign3A_1340 = arith.constant 0 : i32
      %sign3A_1341 = arith.cmpi sgt, %jit3A_1331, %sign3A_1340 : i32
      %sign3A_1342 = arith.extui %sign3A_1341 : i1 to i32
      %sign3A_1343 = arith.constant 0 : i32
      %sign3A_1344 = arith.cmpi slt, %jit3A_1331, %sign3A_1343 : i32
      %sign3A_1345 = arith.extui %sign3A_1344 : i1 to i32
      %sign3A_1346 = arith.subi %sign3A_1342, %sign3A_1345 : i32
      %ne3A_1347 = arith.cmpi ne, %sign3A_1339, %sign3A_1346 : i32
      %rem3A_1348 = arith.remsi %add3A_1299, %jit3A_1331 : i32
      %ne3A_1349 = arith.constant 0 : i32
      %ne3A_1350 = arith.cmpi ne, %rem3A_1348, %ne3A_1349 : i32
      %and3A_1351 = arith.andi %ne3A_1347, %ne3A_1350 : i1
      %sub3A_1352 = arith.constant 1 : i32
      %sub3A_1353 = arith.subi %div3A_1332, %sub3A_1352 : i32
      %select_n3A_1354 = arith.select %and3A_1351, %sub3A_1353, %div3A_1332 : i32
      %mul3A_1355 = arith.constant 4608 : i32
      %mul3A_1356 = arith.muli %select_n3A_1354, %mul3A_1355 : i32
      %get3A_1357 = arith.index_cast %add3A_1330 : i32 to index
      %get3A_1358 = tpu.vector_load %arg5[%get3A_1357] {strides = array<i32>} : memref<592xi32, #tpu.memory_space<vmem>>, vector<16xi32>,
      %get3A_1359 = vector.shape_cast %get3A_1358 : vector<16xi32> to vector<16xi32>
      %add3A_1360 = arith.constant 0 : i32
      %add3A_1361 = vector.broadcast %add3A_1360 : i32 to vector<16xi32>
      %add3A_1362 = arith.addi %iota3A, %add3A_1361 : vector<16xi32>
      %rem3A_1363 = arith.constant 12 : i32
      %rem3A_1364 = vector.broadcast %rem3A_1363 : i32 to vector<16xi32>
      %rem3A_1365 = arith.remsi %add3A_1362, %rem3A_1364 : vector<16xi32>
      %broadcast_in_dim3A_1366 = vector.shape_cast %rem3A_1365 : vector<16xi32> to vector<16x1xi32>
      %gather3A_1367 = vector.shape_cast %broadcast_in_dim3A_1366 : vector<16x1xi32> to vector<16xi32>
      %gather3A_1368 = tpu.dynamic_gather %get3A_1359[%gather3A_1367] in [0] : vector<16xi32>, vector<16xi32> -> vector<16xi32>
      %sub3A_1369 = arith.subi %add3A_1362, %rem3A_1365 : vector<16xi32>
      %add3A_1370 = arith.addi %gather3A_1368, %sub3A_1369 : vector<16xi32>
      %add3A_1371 = vector.broadcast %mul3A_1356 : i32 to vector<16xi32>
      %add3A_1372 = arith.addi %add3A_1370, %add3A_1371 : vector<16xi32>
      %swap3A_1373 = arith.constant 2 : i32
      %swap3A_1374 = arith.constant 0 : i32
      %swap3A_1375 = arith.index_cast %swap3A_1373 : i32 to index
      %swap3A_1376 = arith.index_cast %swap3A_1374 : i32 to index
      %swap3A_1377 = arith.constant 0 : index
      %swap3A_1378 = tpu.vector_load %arg6[%swap3A_1375, %swap3A_1376, %swap3A_1377] {strides = array<i32>} : memref<4x3x128xi32, #tpu.memory_space<vmem>>, vector<1x1x16xi32>,
      %swap3A_1379 = vector.shape_cast %swap3A_1378 : vector<1x1x16xi32> to vector<16xi32>
      %swap3A_1380 = vector.shape_cast %add3A_1372 : vector<16xi32> to vector<1x1x16xi32>
      tpu.vector_store %arg6[%swap3A_1375, %swap3A_1376, %swap3A_1377], %swap3A_1380 {strides = array<i32>} : memref<4x3x128xi32, #tpu.memory_space<vmem>>, vector<1x1x16xi32>,
      %add3A_1381 = arith.constant 16 : i32
      %add3A_1382 = vector.broadcast %add3A_1381 : i32 to vector<16xi32>
      %add3A_1383 = arith.addi %iota3A, %add3A_1382 : vector<16xi32>
      %rem3A_1384 = arith.constant 12 : i32
      %rem3A_1385 = vector.broadcast %rem3A_1384 : i32 to vector<16xi32>
      %rem3A_1386 = arith.remsi %add3A_1383, %rem3A_1385 : vector<16xi32>
      %broadcast_in_dim3A_1387 = vector.shape_cast %rem3A_1386 : vector<16xi32> to vector<16x1xi32>
      %gather3A_1388 = vector.shape_cast %broadcast_in_dim3A_1387 : vector<16x1xi32> to vector<16xi32>
      %gather3A_1389 = tpu.dynamic_gather %get3A_1359[%gather3A_1388] in [0] : vector<16xi32>, vector<16xi32> -> vector<16xi32>
      %sub3A_1390 = arith.subi %add3A_1383, %rem3A_1386 : vector<16xi32>
      %add3A_1391 = arith.addi %gather3A_1389, %sub3A_1390 : vector<16xi32>
      %add3A_1392 = vector.broadcast %mul3A_1356 : i32 to vector<16xi32>
      %add3A_1393 = arith.addi %add3A_1391, %add3A_1392 : vector<16xi32>
      %swap3A_1394 = arith.constant 2 : i32
      %swap3A_1395 = arith.constant 0 : i32
      %swap3A_1396 = arith.index_cast %swap3A_1394 : i32 to index
      %swap3A_1397 = arith.index_cast %swap3A_1395 : i32 to index
      %swap3A_1398 = arith.constant 16 : index
      %swap3A_1399 = tpu.vector_load %arg6[%swap3A_1396, %swap3A_1397, %swap3A_1398] {strides = array<i32>} : memref<4x3x128xi32, #tpu.memory_space<vmem>>, vector<1x1x16xi32>,
      %swap3A_1400 = vector.shape_cast %swap3A_1399 : vector<1x1x16xi32> to vector<16xi32>
      %swap3A_1401 = vector.shape_cast %add3A_1393 : vector<16xi32> to vector<1x1x16xi32>
      tpu.vector_store %arg6[%swap3A_1396, %swap3A_1397, %swap3A_1398], %swap3A_1401 {strides = array<i32>} : memref<4x3x128xi32, #tpu.memory_space<vmem>>, vector<1x1x16xi32>,
      %add3A_1402 = arith.constant 32 : i32
      %add3A_1403 = vector.broadcast %add3A_1402 : i32 to vector<16xi32>
      %add3A_1404 = arith.addi %iota3A, %add3A_1403 : vector<16xi32>
      %rem3A_1405 = arith.constant 12 : i32
      %rem3A_1406 = vector.broadcast %rem3A_1405 : i32 to vector<16xi32>
      %rem3A_1407 = arith.remsi %add3A_1404, %rem3A_1406 : vector<16xi32>
      %broadcast_in_dim3A_1408 = vector.shape_cast %rem3A_1407 : vector<16xi32> to vector<16x1xi32>
      %gather3A_1409 = vector.shape_cast %broadcast_in_dim3A_1408 : vector<16x1xi32> to vector<16xi32>
      %gather3A_1410 = tpu.dynamic_gather %get3A_1359[%gather3A_1409] in [0] : vector<16xi32>, vector<16xi32> -> vector<16xi32>
      %sub3A_1411 = arith.subi %add3A_1404, %rem3A_1407 : vector<16xi32>
      %add3A_1412 = arith.addi %gather3A_1410, %sub3A_1411 : vector<16xi32>
      %add3A_1413 = vector.broadcast %mul3A_1356 : i32 to vector<16xi32>
      %add3A_1414 = arith.addi %add3A_1412, %add3A_1413 : vector<16xi32>
      %swap3A_1415 = arith.constant 2 : i32
      %swap3A_1416 = arith.constant 0 : i32
      %swap3A_1417 = arith.index_cast %swap3A_1415 : i32 to index
      %swap3A_1418 = arith.index_cast %swap3A_1416 : i32 to index
      %swap3A_1419 = arith.constant 32 : index
      %swap3A_1420 = tpu.vector_load %arg6[%swap3A_1417, %swap3A_1418, %swap3A_1419] {strides = array<i32>} : memref<4x3x128xi32, #tpu.memory_space<vmem>>, vector<1x1x16xi32>,
      %swap3A_1421 = vector.shape_cast %swap3A_1420 : vector<1x1x16xi32> to vector<16xi32>
      %swap3A_1422 = vector.shape_cast %add3A_1414 : vector<16xi32> to vector<1x1x16xi32>
      tpu.vector_store %arg6[%swap3A_1417, %swap3A_1418, %swap3A_1419], %swap3A_1422 {strides = array<i32>} : memref<4x3x128xi32, #tpu.memory_space<vmem>>, vector<1x1x16xi32>,
      %add3A_1423 = arith.constant 48 : i32
      %add3A_1424 = vector.broadcast %add3A_1423 : i32 to vector<16xi32>
      %add3A_1425 = arith.addi %iota3A, %add3A_1424 : vector<16xi32>
      %rem3A_1426 = arith.constant 12 : i32
      %rem3A_1427 = vector.broadcast %rem3A_1426 : i32 to vector<16xi32>
      %rem3A_1428 = arith.remsi %add3A_1425, %rem3A_1427 : vector<16xi32>
      %broadcast_in_dim3A_1429 = vector.shape_cast %rem3A_1428 : vector<16xi32> to vector<16x1xi32>
      %gather3A_1430 = vector.shape_cast %broadcast_in_dim3A_1429 : vector<16x1xi32> to vector<16xi32>
      %gather3A_1431 = tpu.dynamic_gather %get3A_1359[%gather3A_1430] in [0] : vector<16xi32>, vector<16xi32> -> vector<16xi32>
      %sub3A_1432 = arith.subi %add3A_1425, %rem3A_1428 : vector<16xi32>
      %add3A_1433 = arith.addi %gather3A_1431, %sub3A_1432 : vector<16xi32>
      %add3A_1434 = vector.broadcast %mul3A_1356 : i32 to vector<16xi32>
      %add3A_1435 = arith.addi %add3A_1433, %add3A_1434 : vector<16xi32>
      %swap3A_1436 = arith.constant 2 : i32
      %swap3A_1437 = arith.constant 0 : i32
      %swap3A_1438 = arith.index_cast %swap3A_1436 : i32 to index
      %swap3A_1439 = arith.index_cast %swap3A_1437 : i32 to index
      %swap3A_1440 = arith.constant 48 : index
      %swap3A_1441 = tpu.vector_load %arg6[%swap3A_1438, %swap3A_1439, %swap3A_1440] {strides = array<i32>} : memref<4x3x128xi32, #tpu.memory_space<vmem>>, vector<1x1x16xi32>,
      %swap3A_1442 = vector.shape_cast %swap3A_1441 : vector<1x1x16xi32> to vector<16xi32>
      %swap3A_1443 = vector.shape_cast %add3A_1435 : vector<16xi32> to vector<1x1x16xi32>
      tpu.vector_store %arg6[%swap3A_1438, %swap3A_1439, %swap3A_1440], %swap3A_1443 {strides = array<i32>} : memref<4x3x128xi32, #tpu.memory_space<vmem>>, vector<1x1x16xi32>,
      %add3A_1444 = arith.constant 64 : i32
      %add3A_1445 = vector.broadcast %add3A_1444 : i32 to vector<16xi32>
      %add3A_1446 = arith.addi %iota3A, %add3A_1445 : vector<16xi32>
      %rem3A_1447 = arith.constant 12 : i32
      %rem3A_1448 = vector.broadcast %rem3A_1447 : i32 to vector<16xi32>
      %rem3A_1449 = arith.remsi %add3A_1446, %rem3A_1448 : vector<16xi32>
      %broadcast_in_dim3A_1450 = vector.shape_cast %rem3A_1449 : vector<16xi32> to vector<16x1xi32>
      %gather3A_1451 = vector.shape_cast %broadcast_in_dim3A_1450 : vector<16x1xi32> to vector<16xi32>
      %gather3A_1452 = tpu.dynamic_gather %get3A_1359[%gather3A_1451] in [0] : vector<16xi32>, vector<16xi32> -> vector<16xi32>
      %sub3A_1453 = arith.subi %add3A_1446, %rem3A_1449 : vector<16xi32>
      %add3A_1454 = arith.addi %gather3A_1452, %sub3A_1453 : vector<16xi32>
      %add3A_1455 = vector.broadcast %mul3A_1356 : i32 to vector<16xi32>
      %add3A_1456 = arith.addi %add3A_1454, %add3A_1455 : vector<16xi32>
      %swap3A_1457 = arith.constant 2 : i32
      %swap3A_1458 = arith.constant 0 : i32
      %swap3A_1459 = arith.index_cast %swap3A_1457 : i32 to index
      %swap3A_1460 = arith.index_cast %swap3A_1458 : i32 to index
      %swap3A_1461 = arith.constant 64 : index
      %swap3A_1462 = tpu.vector_load %arg6[%swap3A_1459, %swap3A_1460, %swap3A_1461] {strides = array<i32>} : memref<4x3x128xi32, #tpu.memory_space<vmem>>, vector<1x1x16xi32>,
      %swap3A_1463 = vector.shape_cast %swap3A_1462 : vector<1x1x16xi32> to vector<16xi32>
      %swap3A_1464 = vector.shape_cast %add3A_1456 : vector<16xi32> to vector<1x1x16xi32>
      tpu.vector_store %arg6[%swap3A_1459, %swap3A_1460, %swap3A_1461], %swap3A_1464 {strides = array<i32>} : memref<4x3x128xi32, #tpu.memory_space<vmem>>, vector<1x1x16xi32>,
      %add3A_1465 = arith.constant 80 : i32
      %add3A_1466 = vector.broadcast %add3A_1465 : i32 to vector<16xi32>
      %add3A_1467 = arith.addi %iota3A, %add3A_1466 : vector<16xi32>
      %rem3A_1468 = arith.constant 12 : i32
      %rem3A_1469 = vector.broadcast %rem3A_1468 : i32 to vector<16xi32>
      %rem3A_1470 = arith.remsi %add3A_1467, %rem3A_1469 : vector<16xi32>
      %broadcast_in_dim3A_1471 = vector.shape_cast %rem3A_1470 : vector<16xi32> to vector<16x1xi32>
      %gather3A_1472 = vector.shape_cast %broadcast_in_dim3A_1471 : vector<16x1xi32> to vector<16xi32>
      %gather3A_1473 = tpu.dynamic_gather %get3A_1359[%gather3A_1472] in [0] : vector<16xi32>, vector<16xi32> -> vector<16xi32>
      %sub3A_1474 = arith.subi %add3A_1467, %rem3A_1470 : vector<16xi32>
      %add3A_1475 = arith.addi %gather3A_1473, %sub3A_1474 : vector<16xi32>
      %add3A_1476 = vector.broadcast %mul3A_1356 : i32 to vector<16xi32>
      %add3A_1477 = arith.addi %add3A_1475, %add3A_1476 : vector<16xi32>
      %swap3A_1478 = arith.constant 2 : i32
      %swap3A_1479 = arith.constant 0 : i32
      %swap3A_1480 = arith.index_cast %swap3A_1478 : i32 to index
      %swap3A_1481 = arith.index_cast %swap3A_1479 : i32 to index
      %swap3A_1482 = arith.constant 80 : index
      %swap3A_1483 = tpu.vector_load %arg6[%swap3A_1480, %swap3A_1481, %swap3A_1482] {strides = array<i32>} : memref<4x3x128xi32, #tpu.memory_space<vmem>>, vector<1x1x16xi32>,
      %swap3A_1484 = vector.shape_cast %swap3A_1483 : vector<1x1x16xi32> to vector<16xi32>
      %swap3A_1485 = vector.shape_cast %add3A_1477 : vector<16xi32> to vector<1x1x16xi32>
      tpu.vector_store %arg6[%swap3A_1480, %swap3A_1481, %swap3A_1482], %swap3A_1485 {strides = array<i32>} : memref<4x3x128xi32, #tpu.memory_space<vmem>>, vector<1x1x16xi32>,
      %add3A_1486 = arith.constant 96 : i32
      %add3A_1487 = vector.broadcast %add3A_1486 : i32 to vector<16xi32>
      %add3A_1488 = arith.addi %iota3A, %add3A_1487 : vector<16xi32>
      %rem3A_1489 = arith.constant 12 : i32
      %rem3A_1490 = vector.broadcast %rem3A_1489 : i32 to vector<16xi32>
      %rem3A_1491 = arith.remsi %add3A_1488, %rem3A_1490 : vector<16xi32>
      %broadcast_in_dim3A_1492 = vector.shape_cast %rem3A_1491 : vector<16xi32> to vector<16x1xi32>
      %gather3A_1493 = vector.shape_cast %broadcast_in_dim3A_1492 : vector<16x1xi32> to vector<16xi32>
      %gather3A_1494 = tpu.dynamic_gather %get3A_1359[%gather3A_1493] in [0] : vector<16xi32>, vector<16xi32> -> vector<16xi32>
      %sub3A_1495 = arith.subi %add3A_1488, %rem3A_1491 : vector<16xi32>
      %add3A_1496 = arith.addi %gather3A_1494, %sub3A_1495 : vector<16xi32>
      %add3A_1497 = vector.broadcast %mul3A_1356 : i32 to vector<16xi32>
      %add3A_1498 = arith.addi %add3A_1496, %add3A_1497 : vector<16xi32>
      %swap3A_1499 = arith.constant 2 : i32
      %swap3A_1500 = arith.constant 0 : i32
      %swap3A_1501 = arith.index_cast %swap3A_1499 : i32 to index
      %swap3A_1502 = arith.index_cast %swap3A_1500 : i32 to index
      %swap3A_1503 = arith.constant 96 : index
      %swap3A_1504 = tpu.vector_load %arg6[%swap3A_1501, %swap3A_1502, %swap3A_1503] {strides = array<i32>} : memref<4x3x128xi32, #tpu.memory_space<vmem>>, vector<1x1x16xi32>,
      %swap3A_1505 = vector.shape_cast %swap3A_1504 : vector<1x1x16xi32> to vector<16xi32>
      %swap3A_1506 = vector.shape_cast %add3A_1498 : vector<16xi32> to vector<1x1x16xi32>
      tpu.vector_store %arg6[%swap3A_1501, %swap3A_1502, %swap3A_1503], %swap3A_1506 {strides = array<i32>} : memref<4x3x128xi32, #tpu.memory_space<vmem>>, vector<1x1x16xi32>,
      %add3A_1507 = arith.constant 112 : i32
      %add3A_1508 = vector.broadcast %add3A_1507 : i32 to vector<16xi32>
      %add3A_1509 = arith.addi %iota3A, %add3A_1508 : vector<16xi32>
      %rem3A_1510 = arith.constant 12 : i32
      %rem3A_1511 = vector.broadcast %rem3A_1510 : i32 to vector<16xi32>
      %rem3A_1512 = arith.remsi %add3A_1509, %rem3A_1511 : vector<16xi32>
      %broadcast_in_dim3A_1513 = vector.shape_cast %rem3A_1512 : vector<16xi32> to vector<16x1xi32>
      %gather3A_1514 = vector.shape_cast %broadcast_in_dim3A_1513 : vector<16x1xi32> to vector<16xi32>
      %gather3A_1515 = tpu.dynamic_gather %get3A_1359[%gather3A_1514] in [0] : vector<16xi32>, vector<16xi32> -> vector<16xi32>
      %sub3A_1516 = arith.subi %add3A_1509, %rem3A_1512 : vector<16xi32>
      %add3A_1517 = arith.addi %gather3A_1515, %sub3A_1516 : vector<16xi32>
      %add3A_1518 = vector.broadcast %mul3A_1356 : i32 to vector<16xi32>
      %add3A_1519 = arith.addi %add3A_1517, %add3A_1518 : vector<16xi32>
      %swap3A_1520 = arith.constant 2 : i32
      %swap3A_1521 = arith.constant 0 : i32
      %swap3A_1522 = arith.index_cast %swap3A_1520 : i32 to index
      %swap3A_1523 = arith.index_cast %swap3A_1521 : i32 to index
      %swap3A_1524 = arith.constant 112 : index
      %swap3A_1525 = tpu.vector_load %arg6[%swap3A_1522, %swap3A_1523, %swap3A_1524] {strides = array<i32>} : memref<4x3x128xi32, #tpu.memory_space<vmem>>, vector<1x1x16xi32>,
      %swap3A_1526 = vector.shape_cast %swap3A_1525 : vector<1x1x16xi32> to vector<16xi32>
      %swap3A_1527 = vector.shape_cast %add3A_1519 : vector<16xi32> to vector<1x1x16xi32>
      tpu.vector_store %arg6[%swap3A_1522, %swap3A_1523, %swap3A_1524], %swap3A_1527 {strides = array<i32>} : memref<4x3x128xi32, #tpu.memory_space<vmem>>, vector<1x1x16xi32>,
      %add3A_1528 = arith.constant 128 : i32
      %add3A_1529 = vector.broadcast %add3A_1528 : i32 to vector<16xi32>
      %add3A_1530 = arith.addi %iota3A, %add3A_1529 : vector<16xi32>
      %rem3A_1531 = arith.constant 12 : i32
      %rem3A_1532 = vector.broadcast %rem3A_1531 : i32 to vector<16xi32>
      %rem3A_1533 = arith.remsi %add3A_1530, %rem3A_1532 : vector<16xi32>
      %broadcast_in_dim3A_1534 = vector.shape_cast %rem3A_1533 : vector<16xi32> to vector<16x1xi32>
      %gather3A_1535 = vector.shape_cast %broadcast_in_dim3A_1534 : vector<16x1xi32> to vector<16xi32>
      %gather3A_1536 = tpu.dynamic_gather %get3A_1359[%gather3A_1535] in [0] : vector<16xi32>, vector<16xi32> -> vector<16xi32>
      %sub3A_1537 = arith.subi %add3A_1530, %rem3A_1533 : vector<16xi32>
      %add3A_1538 = arith.addi %gather3A_1536, %sub3A_1537 : vector<16xi32>
      %add3A_1539 = vector.broadcast %mul3A_1356 : i32 to vector<16xi32>
      %add3A_1540 = arith.addi %add3A_1538, %add3A_1539 : vector<16xi32>
      %swap3A_1541 = arith.constant 2 : i32
      %swap3A_1542 = arith.constant 1 : i32
      %swap3A_1543 = arith.index_cast %swap3A_1541 : i32 to index
      %swap3A_1544 = arith.index_cast %swap3A_1542 : i32 to index
      %swap3A_1545 = arith.constant 0 : index
      %swap3A_1546 = tpu.vector_load %arg6[%swap3A_1543, %swap3A_1544, %swap3A_1545] {strides = array<i32>} : memref<4x3x128xi32, #tpu.memory_space<vmem>>, vector<1x1x16xi32>,
      %swap3A_1547 = vector.shape_cast %swap3A_1546 : vector<1x1x16xi32> to vector<16xi32>
      %swap3A_1548 = vector.shape_cast %add3A_1540 : vector<16xi32> to vector<1x1x16xi32>
      tpu.vector_store %arg6[%swap3A_1543, %swap3A_1544, %swap3A_1545], %swap3A_1548 {strides = array<i32>} : memref<4x3x128xi32, #tpu.memory_space<vmem>>, vector<1x1x16xi32>,
      %add3A_1549 = arith.constant 144 : i32
      %add3A_1550 = vector.broadcast %add3A_1549 : i32 to vector<16xi32>
      %add3A_1551 = arith.addi %iota3A, %add3A_1550 : vector<16xi32>
      %rem3A_1552 = arith.constant 12 : i32
      %rem3A_1553 = vector.broadcast %rem3A_1552 : i32 to vector<16xi32>
      %rem3A_1554 = arith.remsi %add3A_1551, %rem3A_1553 : vector<16xi32>
      %broadcast_in_dim3A_1555 = vector.shape_cast %rem3A_1554 : vector<16xi32> to vector<16x1xi32>
      %gather3A_1556 = vector.shape_cast %broadcast_in_dim3A_1555 : vector<16x1xi32> to vector<16xi32>
      %gather3A_1557 = tpu.dynamic_gather %get3A_1359[%gather3A_1556] in [0] : vector<16xi32>, vector<16xi32> -> vector<16xi32>
      %sub3A_1558 = arith.subi %add3A_1551, %rem3A_1554 : vector<16xi32>
      %add3A_1559 = arith.addi %gather3A_1557, %sub3A_1558 : vector<16xi32>
      %add3A_1560 = vector.broadcast %mul3A_1356 : i32 to vector<16xi32>
      %add3A_1561 = arith.addi %add3A_1559, %add3A_1560 : vector<16xi32>
      %swap3A_1562 = arith.constant 2 : i32
      %swap3A_1563 = arith.constant 1 : i32
      %swap3A_1564 = arith.index_cast %swap3A_1562 : i32 to index
      %swap3A_1565 = arith.index_cast %swap3A_1563 : i32 to index
      %swap3A_1566 = arith.constant 16 : index
      %swap3A_1567 = tpu.vector_load %arg6[%swap3A_1564, %swap3A_1565, %swap3A_1566] {strides = array<i32>} : memref<4x3x128xi32, #tpu.memory_space<vmem>>, vector<1x1x16xi32>,
      %swap3A_1568 = vector.shape_cast %swap3A_1567 : vector<1x1x16xi32> to vector<16xi32>
      %swap3A_1569 = vector.shape_cast %add3A_1561 : vector<16xi32> to vector<1x1x16xi32>
      tpu.vector_store %arg6[%swap3A_1564, %swap3A_1565, %swap3A_1566], %swap3A_1569 {strides = array<i32>} : memref<4x3x128xi32, #tpu.memory_space<vmem>>, vector<1x1x16xi32>,
      %add3A_1570 = arith.constant 160 : i32
      %add3A_1571 = vector.broadcast %add3A_1570 : i32 to vector<16xi32>
      %add3A_1572 = arith.addi %iota3A, %add3A_1571 : vector<16xi32>
      %rem3A_1573 = arith.constant 12 : i32
      %rem3A_1574 = vector.broadcast %rem3A_1573 : i32 to vector<16xi32>
      %rem3A_1575 = arith.remsi %add3A_1572, %rem3A_1574 : vector<16xi32>
      %broadcast_in_dim3A_1576 = vector.shape_cast %rem3A_1575 : vector<16xi32> to vector<16x1xi32>
      %gather3A_1577 = vector.shape_cast %broadcast_in_dim3A_1576 : vector<16x1xi32> to vector<16xi32>
      %gather3A_1578 = tpu.dynamic_gather %get3A_1359[%gather3A_1577] in [0] : vector<16xi32>, vector<16xi32> -> vector<16xi32>
      %sub3A_1579 = arith.subi %add3A_1572, %rem3A_1575 : vector<16xi32>
      %add3A_1580 = arith.addi %gather3A_1578, %sub3A_1579 : vector<16xi32>
      %add3A_1581 = vector.broadcast %mul3A_1356 : i32 to vector<16xi32>
      %add3A_1582 = arith.addi %add3A_1580, %add3A_1581 : vector<16xi32>
      %swap3A_1583 = arith.constant 2 : i32
      %swap3A_1584 = arith.constant 1 : i32
      %swap3A_1585 = arith.index_cast %swap3A_1583 : i32 to index
      %swap3A_1586 = arith.index_cast %swap3A_1584 : i32 to index
      %swap3A_1587 = arith.constant 32 : index
      %swap3A_1588 = tpu.vector_load %arg6[%swap3A_1585, %swap3A_1586, %swap3A_1587] {strides = array<i32>} : memref<4x3x128xi32, #tpu.memory_space<vmem>>, vector<1x1x16xi32>,
      %swap3A_1589 = vector.shape_cast %swap3A_1588 : vector<1x1x16xi32> to vector<16xi32>
      %swap3A_1590 = vector.shape_cast %add3A_1582 : vector<16xi32> to vector<1x1x16xi32>
      tpu.vector_store %arg6[%swap3A_1585, %swap3A_1586, %swap3A_1587], %swap3A_1590 {strides = array<i32>} : memref<4x3x128xi32, #tpu.memory_space<vmem>>, vector<1x1x16xi32>,
      %add3A_1591 = arith.constant 176 : i32
      %add3A_1592 = vector.broadcast %add3A_1591 : i32 to vector<16xi32>
      %add3A_1593 = arith.addi %iota3A, %add3A_1592 : vector<16xi32>
      %rem3A_1594 = arith.constant 12 : i32
      %rem3A_1595 = vector.broadcast %rem3A_1594 : i32 to vector<16xi32>
      %rem3A_1596 = arith.remsi %add3A_1593, %rem3A_1595 : vector<16xi32>
      %broadcast_in_dim3A_1597 = vector.shape_cast %rem3A_1596 : vector<16xi32> to vector<16x1xi32>
      %gather3A_1598 = vector.shape_cast %broadcast_in_dim3A_1597 : vector<16x1xi32> to vector<16xi32>
      %gather3A_1599 = tpu.dynamic_gather %get3A_1359[%gather3A_1598] in [0] : vector<16xi32>, vector<16xi32> -> vector<16xi32>
      %sub3A_1600 = arith.subi %add3A_1593, %rem3A_1596 : vector<16xi32>
      %add3A_1601 = arith.addi %gather3A_1599, %sub3A_1600 : vector<16xi32>
      %add3A_1602 = vector.broadcast %mul3A_1356 : i32 to vector<16xi32>
      %add3A_1603 = arith.addi %add3A_1601, %add3A_1602 : vector<16xi32>
      %swap3A_1604 = arith.constant 2 : i32
      %swap3A_1605 = arith.constant 1 : i32
      %swap3A_1606 = arith.index_cast %swap3A_1604 : i32 to index
      %swap3A_1607 = arith.index_cast %swap3A_1605 : i32 to index
      %swap3A_1608 = arith.constant 48 : index
      %swap3A_1609 = tpu.vector_load %arg6[%swap3A_1606, %swap3A_1607, %swap3A_1608] {strides = array<i32>} : memref<4x3x128xi32, #tpu.memory_space<vmem>>, vector<1x1x16xi32>,
      %swap3A_1610 = vector.shape_cast %swap3A_1609 : vector<1x1x16xi32> to vector<16xi32>
      %swap3A_1611 = vector.shape_cast %add3A_1603 : vector<16xi32> to vector<1x1x16xi32>
      tpu.vector_store %arg6[%swap3A_1606, %swap3A_1607, %swap3A_1608], %swap3A_1611 {strides = array<i32>} : memref<4x3x128xi32, #tpu.memory_space<vmem>>, vector<1x1x16xi32>,
      %add3A_1612 = arith.constant 192 : i32
      %add3A_1613 = vector.broadcast %add3A_1612 : i32 to vector<16xi32>
      %add3A_1614 = arith.addi %iota3A, %add3A_1613 : vector<16xi32>
      %rem3A_1615 = arith.constant 12 : i32
      %rem3A_1616 = vector.broadcast %rem3A_1615 : i32 to vector<16xi32>
      %rem3A_1617 = arith.remsi %add3A_1614, %rem3A_1616 : vector<16xi32>
      %broadcast_in_dim3A_1618 = vector.shape_cast %rem3A_1617 : vector<16xi32> to vector<16x1xi32>
      %gather3A_1619 = vector.shape_cast %broadcast_in_dim3A_1618 : vector<16x1xi32> to vector<16xi32>
      %gather3A_1620 = tpu.dynamic_gather %get3A_1359[%gather3A_1619] in [0] : vector<16xi32>, vector<16xi32> -> vector<16xi32>
      %sub3A_1621 = arith.subi %add3A_1614, %rem3A_1617 : vector<16xi32>
      %add3A_1622 = arith.addi %gather3A_1620, %sub3A_1621 : vector<16xi32>
      %add3A_1623 = vector.broadcast %mul3A_1356 : i32 to vector<16xi32>
      %add3A_1624 = arith.addi %add3A_1622, %add3A_1623 : vector<16xi32>
      %swap3A_1625 = arith.constant 2 : i32
      %swap3A_1626 = arith.constant 1 : i32
      %swap3A_1627 = arith.index_cast %swap3A_1625 : i32 to index
      %swap3A_1628 = arith.index_cast %swap3A_1626 : i32 to index
      %swap3A_1629 = arith.constant 64 : index
      %swap3A_1630 = tpu.vector_load %arg6[%swap3A_1627, %swap3A_1628, %swap3A_1629] {strides = array<i32>} : memref<4x3x128xi32, #tpu.memory_space<vmem>>, vector<1x1x16xi32>,
      %swap3A_1631 = vector.shape_cast %swap3A_1630 : vector<1x1x16xi32> to vector<16xi32>
      %swap3A_1632 = vector.shape_cast %add3A_1624 : vector<16xi32> to vector<1x1x16xi32>
      tpu.vector_store %arg6[%swap3A_1627, %swap3A_1628, %swap3A_1629], %swap3A_1632 {strides = array<i32>} : memref<4x3x128xi32, #tpu.memory_space<vmem>>, vector<1x1x16xi32>,
      %add3A_1633 = arith.constant 208 : i32
      %add3A_1634 = vector.broadcast %add3A_1633 : i32 to vector<16xi32>
      %add3A_1635 = arith.addi %iota3A, %add3A_1634 : vector<16xi32>
      %rem3A_1636 = arith.constant 12 : i32
      %rem3A_1637 = vector.broadcast %rem3A_1636 : i32 to vector<16xi32>
      %rem3A_1638 = arith.remsi %add3A_1635, %rem3A_1637 : vector<16xi32>
      %broadcast_in_dim3A_1639 = vector.shape_cast %rem3A_1638 : vector<16xi32> to vector<16x1xi32>
      %gather3A_1640 = vector.shape_cast %broadcast_in_dim3A_1639 : vector<16x1xi32> to vector<16xi32>
      %gather3A_1641 = tpu.dynamic_gather %get3A_1359[%gather3A_1640] in [0] : vector<16xi32>, vector<16xi32> -> vector<16xi32>
      %sub3A_1642 = arith.subi %add3A_1635, %rem3A_1638 : vector<16xi32>
      %add3A_1643 = arith.addi %gather3A_1641, %sub3A_1642 : vector<16xi32>
      %add3A_1644 = vector.broadcast %mul3A_1356 : i32 to vector<16xi32>
      %add3A_1645 = arith.addi %add3A_1643, %add3A_1644 : vector<16xi32>
      %swap3A_1646 = arith.constant 2 : i32
      %swap3A_1647 = arith.constant 1 : i32
      %swap3A_1648 = arith.index_cast %swap3A_1646 : i32 to index
      %swap3A_1649 = arith.index_cast %swap3A_1647 : i32 to index
      %swap3A_1650 = arith.constant 80 : index
      %swap3A_1651 = tpu.vector_load %arg6[%swap3A_1648, %swap3A_1649, %swap3A_1650] {strides = array<i32>} : memref<4x3x128xi32, #tpu.memory_space<vmem>>, vector<1x1x16xi32>,
      %swap3A_1652 = vector.shape_cast %swap3A_1651 : vector<1x1x16xi32> to vector<16xi32>
      %swap3A_1653 = vector.shape_cast %add3A_1645 : vector<16xi32> to vector<1x1x16xi32>
      tpu.vector_store %arg6[%swap3A_1648, %swap3A_1649, %swap3A_1650], %swap3A_1653 {strides = array<i32>} : memref<4x3x128xi32, #tpu.memory_space<vmem>>, vector<1x1x16xi32>,
      %add3A_1654 = arith.constant 224 : i32
      %add3A_1655 = vector.broadcast %add3A_1654 : i32 to vector<16xi32>
      %add3A_1656 = arith.addi %iota3A, %add3A_1655 : vector<16xi32>
      %rem3A_1657 = arith.constant 12 : i32
      %rem3A_1658 = vector.broadcast %rem3A_1657 : i32 to vector<16xi32>
      %rem3A_1659 = arith.remsi %add3A_1656, %rem3A_1658 : vector<16xi32>
      %broadcast_in_dim3A_1660 = vector.shape_cast %rem3A_1659 : vector<16xi32> to vector<16x1xi32>
      %gather3A_1661 = vector.shape_cast %broadcast_in_dim3A_1660 : vector<16x1xi32> to vector<16xi32>
      %gather3A_1662 = tpu.dynamic_gather %get3A_1359[%gather3A_1661] in [0] : vector<16xi32>, vector<16xi32> -> vector<16xi32>
      %sub3A_1663 = arith.subi %add3A_1656, %rem3A_1659 : vector<16xi32>
      %add3A_1664 = arith.addi %gather3A_1662, %sub3A_1663 : vector<16xi32>
      %add3A_1665 = vector.broadcast %mul3A_1356 : i32 to vector<16xi32>
      %add3A_1666 = arith.addi %add3A_1664, %add3A_1665 : vector<16xi32>
      %swap3A_1667 = arith.constant 2 : i32
      %swap3A_1668 = arith.constant 1 : i32
      %swap3A_1669 = arith.index_cast %swap3A_1667 : i32 to index
      %swap3A_1670 = arith.index_cast %swap3A_1668 : i32 to index
      %swap3A_1671 = arith.constant 96 : index
      %swap3A_1672 = tpu.vector_load %arg6[%swap3A_1669, %swap3A_1670, %swap3A_1671] {strides = array<i32>} : memref<4x3x128xi32, #tpu.memory_space<vmem>>, vector<1x1x16xi32>,
      %swap3A_1673 = vector.shape_cast %swap3A_1672 : vector<1x1x16xi32> to vector<16xi32>
      %swap3A_1674 = vector.shape_cast %add3A_1666 : vector<16xi32> to vector<1x1x16xi32>
      tpu.vector_store %arg6[%swap3A_1669, %swap3A_1670, %swap3A_1671], %swap3A_1674 {strides = array<i32>} : memref<4x3x128xi32, #tpu.memory_space<vmem>>, vector<1x1x16xi32>,
      %add3A_1675 = arith.constant 240 : i32
      %add3A_1676 = vector.broadcast %add3A_1675 : i32 to vector<16xi32>
      %add3A_1677 = arith.addi %iota3A, %add3A_1676 : vector<16xi32>
      %rem3A_1678 = arith.constant 12 : i32
      %rem3A_1679 = vector.broadcast %rem3A_1678 : i32 to vector<16xi32>
      %rem3A_1680 = arith.remsi %add3A_1677, %rem3A_1679 : vector<16xi32>
      %broadcast_in_dim3A_1681 = vector.shape_cast %rem3A_1680 : vector<16xi32> to vector<16x1xi32>
      %gather3A_1682 = vector.shape_cast %broadcast_in_dim3A_1681 : vector<16x1xi32> to vector<16xi32>
      %gather3A_1683 = tpu.dynamic_gather %get3A_1359[%gather3A_1682] in [0] : vector<16xi32>, vector<16xi32> -> vector<16xi32>
      %sub3A_1684 = arith.subi %add3A_1677, %rem3A_1680 : vector<16xi32>
      %add3A_1685 = arith.addi %gather3A_1683, %sub3A_1684 : vector<16xi32>
      %add3A_1686 = vector.broadcast %mul3A_1356 : i32 to vector<16xi32>
      %add3A_1687 = arith.addi %add3A_1685, %add3A_1686 : vector<16xi32>
      %swap3A_1688 = arith.constant 2 : i32
      %swap3A_1689 = arith.constant 1 : i32
      %swap3A_1690 = arith.index_cast %swap3A_1688 : i32 to index
      %swap3A_1691 = arith.index_cast %swap3A_1689 : i32 to index
      %swap3A_1692 = arith.constant 112 : index
      %swap3A_1693 = tpu.vector_load %arg6[%swap3A_1690, %swap3A_1691, %swap3A_1692] {strides = array<i32>} : memref<4x3x128xi32, #tpu.memory_space<vmem>>, vector<1x1x16xi32>,
      %swap3A_1694 = vector.shape_cast %swap3A_1693 : vector<1x1x16xi32> to vector<16xi32>
      %swap3A_1695 = vector.shape_cast %add3A_1687 : vector<16xi32> to vector<1x1x16xi32>
      tpu.vector_store %arg6[%swap3A_1690, %swap3A_1691, %swap3A_1692], %swap3A_1695 {strides = array<i32>} : memref<4x3x128xi32, #tpu.memory_space<vmem>>, vector<1x1x16xi32>,
      %add3A_1696 = arith.constant 256 : i32
      %add3A_1697 = vector.broadcast %add3A_1696 : i32 to vector<16xi32>
      %add3A_1698 = arith.addi %iota3A, %add3A_1697 : vector<16xi32>
      %rem3A_1699 = arith.constant 12 : i32
      %rem3A_1700 = vector.broadcast %rem3A_1699 : i32 to vector<16xi32>
      %rem3A_1701 = arith.remsi %add3A_1698, %rem3A_1700 : vector<16xi32>
      %broadcast_in_dim3A_1702 = vector.shape_cast %rem3A_1701 : vector<16xi32> to vector<16x1xi32>
      %gather3A_1703 = vector.shape_cast %broadcast_in_dim3A_1702 : vector<16x1xi32> to vector<16xi32>
      %gather3A_1704 = tpu.dynamic_gather %get3A_1359[%gather3A_1703] in [0] : vector<16xi32>, vector<16xi32> -> vector<16xi32>
      %sub3A_1705 = arith.subi %add3A_1698, %rem3A_1701 : vector<16xi32>
      %add3A_1706 = arith.addi %gather3A_1704, %sub3A_1705 : vector<16xi32>
      %add3A_1707 = vector.broadcast %mul3A_1356 : i32 to vector<16xi32>
      %add3A_1708 = arith.addi %add3A_1706, %add3A_1707 : vector<16xi32>
      %swap3A_1709 = arith.constant 2 : i32
      %swap3A_1710 = arith.constant 2 : i32
      %swap3A_1711 = arith.index_cast %swap3A_1709 : i32 to index
      %swap3A_1712 = arith.index_cast %swap3A_1710 : i32 to index
      %swap3A_1713 = arith.constant 0 : index
      %swap3A_1714 = tpu.vector_load %arg6[%swap3A_1711, %swap3A_1712, %swap3A_1713] {strides = array<i32>} : memref<4x3x128xi32, #tpu.memory_space<vmem>>, vector<1x1x16xi32>,
      %swap3A_1715 = vector.shape_cast %swap3A_1714 : vector<1x1x16xi32> to vector<16xi32>
      %swap3A_1716 = vector.shape_cast %add3A_1708 : vector<16xi32> to vector<1x1x16xi32>
      tpu.vector_store %arg6[%swap3A_1711, %swap3A_1712, %swap3A_1713], %swap3A_1716 {strides = array<i32>} : memref<4x3x128xi32, #tpu.memory_space<vmem>>, vector<1x1x16xi32>,
      %add3A_1717 = arith.constant 272 : i32
      %add3A_1718 = vector.broadcast %add3A_1717 : i32 to vector<16xi32>
      %add3A_1719 = arith.addi %iota3A, %add3A_1718 : vector<16xi32>
      %rem3A_1720 = arith.constant 12 : i32
      %rem3A_1721 = vector.broadcast %rem3A_1720 : i32 to vector<16xi32>
      %rem3A_1722 = arith.remsi %add3A_1719, %rem3A_1721 : vector<16xi32>
      %broadcast_in_dim3A_1723 = vector.shape_cast %rem3A_1722 : vector<16xi32> to vector<16x1xi32>
      %gather3A_1724 = vector.shape_cast %broadcast_in_dim3A_1723 : vector<16x1xi32> to vector<16xi32>
      %gather3A_1725 = tpu.dynamic_gather %get3A_1359[%gather3A_1724] in [0] : vector<16xi32>, vector<16xi32> -> vector<16xi32>
      %sub3A_1726 = arith.subi %add3A_1719, %rem3A_1722 : vector<16xi32>
      %add3A_1727 = arith.addi %gather3A_1725, %sub3A_1726 : vector<16xi32>
      %add3A_1728 = vector.broadcast %mul3A_1356 : i32 to vector<16xi32>
      %add3A_1729 = arith.addi %add3A_1727, %add3A_1728 : vector<16xi32>
      %swap3A_1730 = arith.constant 2 : i32
      %swap3A_1731 = arith.constant 2 : i32
      %swap3A_1732 = arith.index_cast %swap3A_1730 : i32 to index
      %swap3A_1733 = arith.index_cast %swap3A_1731 : i32 to index
      %swap3A_1734 = arith.constant 16 : index
      %swap3A_1735 = tpu.vector_load %arg6[%swap3A_1732, %swap3A_1733, %swap3A_1734] {strides = array<i32>} : memref<4x3x128xi32, #tpu.memory_space<vmem>>, vector<1x1x16xi32>,
      %swap3A_1736 = vector.shape_cast %swap3A_1735 : vector<1x1x16xi32> to vector<16xi32>
      %swap3A_1737 = vector.shape_cast %add3A_1729 : vector<16xi32> to vector<1x1x16xi32>
      tpu.vector_store %arg6[%swap3A_1732, %swap3A_1733, %swap3A_1734], %swap3A_1737 {strides = array<i32>} : memref<4x3x128xi32, #tpu.memory_space<vmem>>, vector<1x1x16xi32>,
      %add3A_1738 = arith.constant 288 : i32
      %add3A_1739 = vector.broadcast %add3A_1738 : i32 to vector<16xi32>
      %add3A_1740 = arith.addi %iota3A, %add3A_1739 : vector<16xi32>
      %rem3A_1741 = arith.constant 12 : i32
      %rem3A_1742 = vector.broadcast %rem3A_1741 : i32 to vector<16xi32>
      %rem3A_1743 = arith.remsi %add3A_1740, %rem3A_1742 : vector<16xi32>
      %broadcast_in_dim3A_1744 = vector.shape_cast %rem3A_1743 : vector<16xi32> to vector<16x1xi32>
      %gather3A_1745 = vector.shape_cast %broadcast_in_dim3A_1744 : vector<16x1xi32> to vector<16xi32>
      %gather3A_1746 = tpu.dynamic_gather %get3A_1359[%gather3A_1745] in [0] : vector<16xi32>, vector<16xi32> -> vector<16xi32>
      %sub3A_1747 = arith.subi %add3A_1740, %rem3A_1743 : vector<16xi32>
      %add3A_1748 = arith.addi %gather3A_1746, %sub3A_1747 : vector<16xi32>
      %add3A_1749 = vector.broadcast %mul3A_1356 : i32 to vector<16xi32>
      %add3A_1750 = arith.addi %add3A_1748, %add3A_1749 : vector<16xi32>
      %swap3A_1751 = arith.constant 2 : i32
      %swap3A_1752 = arith.constant 2 : i32
      %swap3A_1753 = arith.index_cast %swap3A_1751 : i32 to index
      %swap3A_1754 = arith.index_cast %swap3A_1752 : i32 to index
      %swap3A_1755 = arith.constant 32 : index
      %swap3A_1756 = tpu.vector_load %arg6[%swap3A_1753, %swap3A_1754, %swap3A_1755] {strides = array<i32>} : memref<4x3x128xi32, #tpu.memory_space<vmem>>, vector<1x1x16xi32>,
      %swap3A_1757 = vector.shape_cast %swap3A_1756 : vector<1x1x16xi32> to vector<16xi32>
      %swap3A_1758 = vector.shape_cast %add3A_1750 : vector<16xi32> to vector<1x1x16xi32>
      tpu.vector_store %arg6[%swap3A_1753, %swap3A_1754, %swap3A_1755], %swap3A_1758 {strides = array<i32>} : memref<4x3x128xi32, #tpu.memory_space<vmem>>, vector<1x1x16xi32>,
      %add3A_1759 = arith.constant 304 : i32
      %add3A_1760 = vector.broadcast %add3A_1759 : i32 to vector<16xi32>
      %add3A_1761 = arith.addi %iota3A, %add3A_1760 : vector<16xi32>
      %rem3A_1762 = arith.constant 12 : i32
      %rem3A_1763 = vector.broadcast %rem3A_1762 : i32 to vector<16xi32>
      %rem3A_1764 = arith.remsi %add3A_1761, %rem3A_1763 : vector<16xi32>
      %broadcast_in_dim3A_1765 = vector.shape_cast %rem3A_1764 : vector<16xi32> to vector<16x1xi32>
      %gather3A_1766 = vector.shape_cast %broadcast_in_dim3A_1765 : vector<16x1xi32> to vector<16xi32>
      %gather3A_1767 = tpu.dynamic_gather %get3A_1359[%gather3A_1766] in [0] : vector<16xi32>, vector<16xi32> -> vector<16xi32>
      %sub3A_1768 = arith.subi %add3A_1761, %rem3A_1764 : vector<16xi32>
      %add3A_1769 = arith.addi %gather3A_1767, %sub3A_1768 : vector<16xi32>
      %add3A_1770 = vector.broadcast %mul3A_1356 : i32 to vector<16xi32>
      %add3A_1771 = arith.addi %add3A_1769, %add3A_1770 : vector<16xi32>
      %swap3A_1772 = arith.constant 2 : i32
      %swap3A_1773 = arith.constant 2 : i32
      %swap3A_1774 = arith.index_cast %swap3A_1772 : i32 to index
      %swap3A_1775 = arith.index_cast %swap3A_1773 : i32 to index
      %swap3A_1776 = arith.constant 48 : index
      %swap3A_1777 = tpu.vector_load %arg6[%swap3A_1774, %swap3A_1775, %swap3A_1776] {strides = array<i32>} : memref<4x3x128xi32, #tpu.memory_space<vmem>>, vector<1x1x16xi32>,
      %swap3A_1778 = vector.shape_cast %swap3A_1777 : vector<1x1x16xi32> to vector<16xi32>
      %swap3A_1779 = vector.shape_cast %add3A_1771 : vector<16xi32> to vector<1x1x16xi32>
      tpu.vector_store %arg6[%swap3A_1774, %swap3A_1775, %swap3A_1776], %swap3A_1779 {strides = array<i32>} : memref<4x3x128xi32, #tpu.memory_space<vmem>>, vector<1x1x16xi32>,
      %add3A_1780 = arith.constant 320 : i32
      %add3A_1781 = vector.broadcast %add3A_1780 : i32 to vector<16xi32>
      %add3A_1782 = arith.addi %iota3A, %add3A_1781 : vector<16xi32>
      %rem3A_1783 = arith.constant 12 : i32
      %rem3A_1784 = vector.broadcast %rem3A_1783 : i32 to vector<16xi32>
      %rem3A_1785 = arith.remsi %add3A_1782, %rem3A_1784 : vector<16xi32>
      %broadcast_in_dim3A_1786 = vector.shape_cast %rem3A_1785 : vector<16xi32> to vector<16x1xi32>
      %gather3A_1787 = vector.shape_cast %broadcast_in_dim3A_1786 : vector<16x1xi32> to vector<16xi32>
      %gather3A_1788 = tpu.dynamic_gather %get3A_1359[%gather3A_1787] in [0] : vector<16xi32>, vector<16xi32> -> vector<16xi32>
      %sub3A_1789 = arith.subi %add3A_1782, %rem3A_1785 : vector<16xi32>
      %add3A_1790 = arith.addi %gather3A_1788, %sub3A_1789 : vector<16xi32>
      %add3A_1791 = vector.broadcast %mul3A_1356 : i32 to vector<16xi32>
      %add3A_1792 = arith.addi %add3A_1790, %add3A_1791 : vector<16xi32>
      %swap3A_1793 = arith.constant 2 : i32
      %swap3A_1794 = arith.constant 2 : i32
      %swap3A_1795 = arith.index_cast %swap3A_1793 : i32 to index
      %swap3A_1796 = arith.index_cast %swap3A_1794 : i32 to index
      %swap3A_1797 = arith.constant 64 : index
      %swap3A_1798 = tpu.vector_load %arg6[%swap3A_1795, %swap3A_1796, %swap3A_1797] {strides = array<i32>} : memref<4x3x128xi32, #tpu.memory_space<vmem>>, vector<1x1x16xi32>,
      %swap3A_1799 = vector.shape_cast %swap3A_1798 : vector<1x1x16xi32> to vector<16xi32>
      %swap3A_1800 = vector.shape_cast %add3A_1792 : vector<16xi32> to vector<1x1x16xi32>
      tpu.vector_store %arg6[%swap3A_1795, %swap3A_1796, %swap3A_1797], %swap3A_1800 {strides = array<i32>} : memref<4x3x128xi32, #tpu.memory_space<vmem>>, vector<1x1x16xi32>,
      %add3A_1801 = arith.constant 336 : i32
      %add3A_1802 = vector.broadcast %add3A_1801 : i32 to vector<16xi32>
      %add3A_1803 = arith.addi %iota3A, %add3A_1802 : vector<16xi32>
      %rem3A_1804 = arith.constant 12 : i32
      %rem3A_1805 = vector.broadcast %rem3A_1804 : i32 to vector<16xi32>
      %rem3A_1806 = arith.remsi %add3A_1803, %rem3A_1805 : vector<16xi32>
      %broadcast_in_dim3A_1807 = vector.shape_cast %rem3A_1806 : vector<16xi32> to vector<16x1xi32>
      %gather3A_1808 = vector.shape_cast %broadcast_in_dim3A_1807 : vector<16x1xi32> to vector<16xi32>
      %gather3A_1809 = tpu.dynamic_gather %get3A_1359[%gather3A_1808] in [0] : vector<16xi32>, vector<16xi32> -> vector<16xi32>
      %sub3A_1810 = arith.subi %add3A_1803, %rem3A_1806 : vector<16xi32>
      %add3A_1811 = arith.addi %gather3A_1809, %sub3A_1810 : vector<16xi32>
      %add3A_1812 = vector.broadcast %mul3A_1356 : i32 to vector<16xi32>
      %add3A_1813 = arith.addi %add3A_1811, %add3A_1812 : vector<16xi32>
      %swap3A_1814 = arith.constant 2 : i32
      %swap3A_1815 = arith.constant 2 : i32
      %swap3A_1816 = arith.index_cast %swap3A_1814 : i32 to index
      %swap3A_1817 = arith.index_cast %swap3A_1815 : i32 to index
      %swap3A_1818 = arith.constant 80 : index
      %swap3A_1819 = tpu.vector_load %arg6[%swap3A_1816, %swap3A_1817, %swap3A_1818] {strides = array<i32>} : memref<4x3x128xi32, #tpu.memory_space<vmem>>, vector<1x1x16xi32>,
      %swap3A_1820 = vector.shape_cast %swap3A_1819 : vector<1x1x16xi32> to vector<16xi32>
      %swap3A_1821 = vector.shape_cast %add3A_1813 : vector<16xi32> to vector<1x1x16xi32>
      tpu.vector_store %arg6[%swap3A_1816, %swap3A_1817, %swap3A_1818], %swap3A_1821 {strides = array<i32>} : memref<4x3x128xi32, #tpu.memory_space<vmem>>, vector<1x1x16xi32>,
      %add3A_1822 = arith.constant 352 : i32
      %add3A_1823 = vector.broadcast %add3A_1822 : i32 to vector<16xi32>
      %add3A_1824 = arith.addi %iota3A, %add3A_1823 : vector<16xi32>
      %rem3A_1825 = arith.constant 12 : i32
      %rem3A_1826 = vector.broadcast %rem3A_1825 : i32 to vector<16xi32>
      %rem3A_1827 = arith.remsi %add3A_1824, %rem3A_1826 : vector<16xi32>
      %broadcast_in_dim3A_1828 = vector.shape_cast %rem3A_1827 : vector<16xi32> to vector<16x1xi32>
      %gather3A_1829 = vector.shape_cast %broadcast_in_dim3A_1828 : vector<16x1xi32> to vector<16xi32>
      %gather3A_1830 = tpu.dynamic_gather %get3A_1359[%gather3A_1829] in [0] : vector<16xi32>, vector<16xi32> -> vector<16xi32>
      %sub3A_1831 = arith.subi %add3A_1824, %rem3A_1827 : vector<16xi32>
      %add3A_1832 = arith.addi %gather3A_1830, %sub3A_1831 : vector<16xi32>
      %add3A_1833 = vector.broadcast %mul3A_1356 : i32 to vector<16xi32>
      %add3A_1834 = arith.addi %add3A_1832, %add3A_1833 : vector<16xi32>
      %swap3A_1835 = arith.constant 2 : i32
      %swap3A_1836 = arith.constant 2 : i32
      %swap3A_1837 = arith.index_cast %swap3A_1835 : i32 to index
      %swap3A_1838 = arith.index_cast %swap3A_1836 : i32 to index
      %swap3A_1839 = arith.constant 96 : index
      %swap3A_1840 = tpu.vector_load %arg6[%swap3A_1837, %swap3A_1838, %swap3A_1839] {strides = array<i32>} : memref<4x3x128xi32, #tpu.memory_space<vmem>>, vector<1x1x16xi32>,
      %swap3A_1841 = vector.shape_cast %swap3A_1840 : vector<1x1x16xi32> to vector<16xi32>
      %swap3A_1842 = vector.shape_cast %add3A_1834 : vector<16xi32> to vector<1x1x16xi32>
      tpu.vector_store %arg6[%swap3A_1837, %swap3A_1838, %swap3A_1839], %swap3A_1842 {strides = array<i32>} : memref<4x3x128xi32, #tpu.memory_space<vmem>>, vector<1x1x16xi32>,
      %add3A_1843 = arith.constant 368 : i32
      %add3A_1844 = vector.broadcast %add3A_1843 : i32 to vector<16xi32>
      %add3A_1845 = arith.addi %iota3A, %add3A_1844 : vector<16xi32>
      %rem3A_1846 = arith.constant 12 : i32
      %rem3A_1847 = vector.broadcast %rem3A_1846 : i32 to vector<16xi32>
      %rem3A_1848 = arith.remsi %add3A_1845, %rem3A_1847 : vector<16xi32>
      %broadcast_in_dim3A_1849 = vector.shape_cast %rem3A_1848 : vector<16xi32> to vector<16x1xi32>
      %gather3A_1850 = vector.shape_cast %broadcast_in_dim3A_1849 : vector<16x1xi32> to vector<16xi32>
      %gather3A_1851 = tpu.dynamic_gather %get3A_1359[%gather3A_1850] in [0] : vector<16xi32>, vector<16xi32> -> vector<16xi32>
      %sub3A_1852 = arith.subi %add3A_1845, %rem3A_1848 : vector<16xi32>
      %add3A_1853 = arith.addi %gather3A_1851, %sub3A_1852 : vector<16xi32>
      %add3A_1854 = vector.broadcast %mul3A_1356 : i32 to vector<16xi32>
      %add3A_1855 = arith.addi %add3A_1853, %add3A_1854 : vector<16xi32>
      %swap3A_1856 = arith.constant 2 : i32
      %swap3A_1857 = arith.constant 2 : i32
      %swap3A_1858 = arith.index_cast %swap3A_1856 : i32 to index
      %swap3A_1859 = arith.index_cast %swap3A_1857 : i32 to index
      %swap3A_1860 = arith.constant 112 : index
      %swap3A_1861 = tpu.vector_load %arg6[%swap3A_1858, %swap3A_1859, %swap3A_1860] {strides = array<i32>} : memref<4x3x128xi32, #tpu.memory_space<vmem>>, vector<1x1x16xi32>,
      %swap3A_1862 = vector.shape_cast %swap3A_1861 : vector<1x1x16xi32> to vector<16xi32>
      %swap3A_1863 = vector.shape_cast %add3A_1855 : vector<16xi32> to vector<1x1x16xi32>
      tpu.vector_store %arg6[%swap3A_1858, %swap3A_1859, %swap3A_1860], %swap3A_1863 {strides = array<i32>} : memref<4x3x128xi32, #tpu.memory_space<vmem>>, vector<1x1x16xi32>,
      %dma_start3A_1864 = arith.constant 2 : i32
      %dma_start3A_1865 = arith.constant 0 : i32
      %dma_start3A_1866 = arith.constant 2 : i32
      %dma_start3A_1867 = arith.constant 0 : i32
      %dma_start3A_1868 = arith.constant 0 : i32
      %dma_start3A_1869 = tpu.memref_slice %arg7[%dma_start3A_1866, %dma_start3A_1867, %dma_start3A_1868] : memref<4x384x32xf32, #tpu.memory_space<vmem>> -> memref<1x128x32xf32, #tpu.memory_space<vmem>>
      %dma_start3A_1870 = tpu.memref_squeeze %dma_start3A_1869 : memref<1x128x32xf32, #tpu.memory_space<vmem>> -> memref<128x32xf32, #tpu.memory_space<vmem>>
      %dma_start3A_1871 = arith.constant 0 : i32
      %dma_start3A_1872 = tpu.memref_slice %arg6[%dma_start3A_1864, %dma_start3A_1865, %dma_start3A_1871] : memref<4x3x128xi32, #tpu.memory_space<vmem>> -> memref<1x1x128xi32, #tpu.memory_space<vmem>>
      %dma_start3A_1873 = tpu.memref_squeeze %dma_start3A_1872 : memref<1x1x128xi32, #tpu.memory_space<vmem>> -> memref<128xi32, #tpu.memory_space<vmem>>
      %dma_start3A_1874 = arith.constant 0 : i32
      %dma_start3A_1875 = arith.constant 0 : i32
      %dma_start3A_1876 = tpu.memref_slice %arg3[%dma_start3A_1874, %dma_start3A_1875] : memref<1769472x32xf32, #tpu.memory_space<hbm>> -> memref<1769472x32xf32, #tpu.memory_space<hbm>>
      tpu.enqueue_indirect_dma source(%dma_start3A_1876 : memref<1769472x32xf32, #tpu.memory_space<hbm>>) target(%dma_start3A_1870 : memref<128x32xf32, #tpu.memory_space<vmem>>) offsets(%dma_start3A_1873 : memref<128xi32, #tpu.memory_space<vmem>>) semaphore(%arg10 : memref<!tpu.dma_semaphore, #tpu.memory_space<semaphore_mem>>)
      %dma_start3A_1877 = arith.constant 2 : i32
      %dma_start3A_1878 = arith.constant 1 : i32
      %dma_start3A_1879 = arith.constant 2 : i32
      %dma_start3A_1880 = arith.constant 128 : i32
      %dma_start3A_1881 = arith.constant 0 : i32
      %dma_start3A_1882 = tpu.memref_slice %arg7[%dma_start3A_1879, %dma_start3A_1880, %dma_start3A_1881] : memref<4x384x32xf32, #tpu.memory_space<vmem>> -> memref<1x128x32xf32, #tpu.memory_space<vmem>>
      %dma_start3A_1883 = tpu.memref_squeeze %dma_start3A_1882 : memref<1x128x32xf32, #tpu.memory_space<vmem>> -> memref<128x32xf32, #tpu.memory_space<vmem>>
      %dma_start3A_1884 = arith.constant 0 : i32
      %dma_start3A_1885 = tpu.memref_slice %arg6[%dma_start3A_1877, %dma_start3A_1878, %dma_start3A_1884] : memref<4x3x128xi32, #tpu.memory_space<vmem>> -> memref<1x1x128xi32, #tpu.memory_space<vmem>>
      %dma_start3A_1886 = tpu.memref_squeeze %dma_start3A_1885 : memref<1x1x128xi32, #tpu.memory_space<vmem>> -> memref<128xi32, #tpu.memory_space<vmem>>
      %dma_start3A_1887 = arith.constant 0 : i32
      %dma_start3A_1888 = arith.constant 0 : i32
      %dma_start3A_1889 = tpu.memref_slice %arg3[%dma_start3A_1887, %dma_start3A_1888] : memref<1769472x32xf32, #tpu.memory_space<hbm>> -> memref<1769472x32xf32, #tpu.memory_space<hbm>>
      tpu.enqueue_indirect_dma source(%dma_start3A_1889 : memref<1769472x32xf32, #tpu.memory_space<hbm>>) target(%dma_start3A_1883 : memref<128x32xf32, #tpu.memory_space<vmem>>) offsets(%dma_start3A_1886 : memref<128xi32, #tpu.memory_space<vmem>>) semaphore(%arg10 : memref<!tpu.dma_semaphore, #tpu.memory_space<semaphore_mem>>)
      %dma_start3A_1890 = arith.constant 2 : i32
      %dma_start3A_1891 = arith.constant 2 : i32
      %dma_start3A_1892 = arith.constant 2 : i32
      %dma_start3A_1893 = arith.constant 256 : i32
      %dma_start3A_1894 = arith.constant 0 : i32
      %dma_start3A_1895 = tpu.memref_slice %arg7[%dma_start3A_1892, %dma_start3A_1893, %dma_start3A_1894] : memref<4x384x32xf32, #tpu.memory_space<vmem>> -> memref<1x128x32xf32, #tpu.memory_space<vmem>>
      %dma_start3A_1896 = tpu.memref_squeeze %dma_start3A_1895 : memref<1x128x32xf32, #tpu.memory_space<vmem>> -> memref<128x32xf32, #tpu.memory_space<vmem>>
      %dma_start3A_1897 = arith.constant 0 : i32
      %dma_start3A_1898 = tpu.memref_slice %arg6[%dma_start3A_1890, %dma_start3A_1891, %dma_start3A_1897] : memref<4x3x128xi32, #tpu.memory_space<vmem>> -> memref<1x1x128xi32, #tpu.memory_space<vmem>>
      %dma_start3A_1899 = tpu.memref_squeeze %dma_start3A_1898 : memref<1x1x128xi32, #tpu.memory_space<vmem>> -> memref<128xi32, #tpu.memory_space<vmem>>
      %dma_start3A_1900 = arith.constant 0 : i32
      %dma_start3A_1901 = arith.constant 0 : i32
      %dma_start3A_1902 = tpu.memref_slice %arg3[%dma_start3A_1900, %dma_start3A_1901] : memref<1769472x32xf32, #tpu.memory_space<hbm>> -> memref<1769472x32xf32, #tpu.memory_space<hbm>>
      tpu.enqueue_indirect_dma source(%dma_start3A_1902 : memref<1769472x32xf32, #tpu.memory_space<hbm>>) target(%dma_start3A_1896 : memref<128x32xf32, #tpu.memory_space<vmem>>) offsets(%dma_start3A_1899 : memref<128xi32, #tpu.memory_space<vmem>>) semaphore(%arg10 : memref<!tpu.dma_semaphore, #tpu.memory_space<semaphore_mem>>)
      %dma_wait3A_1903 = arith.constant 0 : i32
      %dma_wait3A_1904 = arith.constant 0 : i32
      %dma_wait3A_1905 = arith.constant 0 : i32
      %dma_wait3A_1906 = arith.constant 0 : i32
      %dma_wait3A_1907 = arith.constant 0 : i32
      %dma_wait3A_1908 = tpu.memref_slice %arg7[%dma_wait3A_1905, %dma_wait3A_1906, %dma_wait3A_1907] : memref<4x384x32xf32, #tpu.memory_space<vmem>> -> memref<1x128x32xf32, #tpu.memory_space<vmem>>
      %dma_wait3A_1909 = tpu.memref_squeeze %dma_wait3A_1908 : memref<1x128x32xf32, #tpu.memory_space<vmem>> -> memref<128x32xf32, #tpu.memory_space<vmem>>
      %dma_wait3A_1910 = arith.constant 0 : i32
      %dma_wait3A_1911 = tpu.memref_slice %arg6[%dma_wait3A_1903, %dma_wait3A_1904, %dma_wait3A_1910] : memref<4x3x128xi32, #tpu.memory_space<vmem>> -> memref<1x1x128xi32, #tpu.memory_space<vmem>>
      %dma_wait3A_1912 = tpu.memref_squeeze %dma_wait3A_1911 : memref<1x1x128xi32, #tpu.memory_space<vmem>> -> memref<128xi32, #tpu.memory_space<vmem>>
      %dma_wait3A_1913 = arith.constant 0 : i32
      %dma_wait3A_1914 = arith.constant 0 : i32
      %dma_wait3A_1915 = tpu.memref_slice %arg3[%dma_wait3A_1913, %dma_wait3A_1914] : memref<1769472x32xf32, #tpu.memory_space<hbm>> -> memref<1769472x32xf32, #tpu.memory_space<hbm>>
      tpu.wait_indirect_dma semaphore(%arg8 : memref<!tpu.dma_semaphore, #tpu.memory_space<semaphore_mem>>) src(%dma_wait3A_1915 : memref<1769472x32xf32, #tpu.memory_space<hbm>>) dst(%dma_wait3A_1909 : memref<128x32xf32, #tpu.memory_space<vmem>>)
      %dma_wait3A_1916 = arith.constant 0 : i32
      %dma_wait3A_1917 = arith.constant 1 : i32
      %dma_wait3A_1918 = arith.constant 0 : i32
      %dma_wait3A_1919 = arith.constant 128 : i32
      %dma_wait3A_1920 = arith.constant 0 : i32
      %dma_wait3A_1921 = tpu.memref_slice %arg7[%dma_wait3A_1918, %dma_wait3A_1919, %dma_wait3A_1920] : memref<4x384x32xf32, #tpu.memory_space<vmem>> -> memref<1x128x32xf32, #tpu.memory_space<vmem>>
      %dma_wait3A_1922 = tpu.memref_squeeze %dma_wait3A_1921 : memref<1x128x32xf32, #tpu.memory_space<vmem>> -> memref<128x32xf32, #tpu.memory_space<vmem>>
      %dma_wait3A_1923 = arith.constant 0 : i32
      %dma_wait3A_1924 = tpu.memref_slice %arg6[%dma_wait3A_1916, %dma_wait3A_1917, %dma_wait3A_1923] : memref<4x3x128xi32, #tpu.memory_space<vmem>> -> memref<1x1x128xi32, #tpu.memory_space<vmem>>
      %dma_wait3A_1925 = tpu.memref_squeeze %dma_wait3A_1924 : memref<1x1x128xi32, #tpu.memory_space<vmem>> -> memref<128xi32, #tpu.memory_space<vmem>>
      %dma_wait3A_1926 = arith.constant 0 : i32
      %dma_wait3A_1927 = arith.constant 0 : i32
      %dma_wait3A_1928 = tpu.memref_slice %arg3[%dma_wait3A_1926, %dma_wait3A_1927] : memref<1769472x32xf32, #tpu.memory_space<hbm>> -> memref<1769472x32xf32, #tpu.memory_space<hbm>>
      tpu.wait_indirect_dma semaphore(%arg8 : memref<!tpu.dma_semaphore, #tpu.memory_space<semaphore_mem>>) src(%dma_wait3A_1928 : memref<1769472x32xf32, #tpu.memory_space<hbm>>) dst(%dma_wait3A_1922 : memref<128x32xf32, #tpu.memory_space<vmem>>)
      %dma_wait3A_1929 = arith.constant 0 : i32
      %dma_wait3A_1930 = arith.constant 2 : i32
      %dma_wait3A_1931 = arith.constant 0 : i32
      %dma_wait3A_1932 = arith.constant 256 : i32
      %dma_wait3A_1933 = arith.constant 0 : i32
      %dma_wait3A_1934 = tpu.memref_slice %arg7[%dma_wait3A_1931, %dma_wait3A_1932, %dma_wait3A_1933] : memref<4x384x32xf32, #tpu.memory_space<vmem>> -> memref<1x128x32xf32, #tpu.memory_space<vmem>>
      %dma_wait3A_1935 = tpu.memref_squeeze %dma_wait3A_1934 : memref<1x128x32xf32, #tpu.memory_space<vmem>> -> memref<128x32xf32, #tpu.memory_space<vmem>>
      %dma_wait3A_1936 = arith.constant 0 : i32
      %dma_wait3A_1937 = tpu.memref_slice %arg6[%dma_wait3A_1929, %dma_wait3A_1930, %dma_wait3A_1936] : memref<4x3x128xi32, #tpu.memory_space<vmem>> -> memref<1x1x128xi32, #tpu.memory_space<vmem>>
      %dma_wait3A_1938 = tpu.memref_squeeze %dma_wait3A_1937 : memref<1x1x128xi32, #tpu.memory_space<vmem>> -> memref<128xi32, #tpu.memory_space<vmem>>
      %dma_wait3A_1939 = arith.constant 0 : i32
      %dma_wait3A_1940 = arith.constant 0 : i32
      %dma_wait3A_1941 = tpu.memref_slice %arg3[%dma_wait3A_1939, %dma_wait3A_1940] : memref<1769472x32xf32, #tpu.memory_space<hbm>> -> memref<1769472x32xf32, #tpu.memory_space<hbm>>
      tpu.wait_indirect_dma semaphore(%arg8 : memref<!tpu.dma_semaphore, #tpu.memory_space<semaphore_mem>>) src(%dma_wait3A_1941 : memref<1769472x32xf32, #tpu.memory_space<hbm>>) dst(%dma_wait3A_1935 : memref<128x32xf32, #tpu.memory_space<vmem>>)
      %add3A_1942 = arith.addi %mul3A_2, %add3A_79 : i32
      %mul3A_1943 = arith.constant 384 : i32
      %mul3A_1944 = arith.muli %add3A_1942, %mul3A_1943 : i32
      %dma_start3A_1945 = arith.constant 0 : i32
      %dma_start3A_1946 = arith.constant 0 : i32
      %dma_start3A_1947 = arith.constant 0 : i32
      %dma_start3A_1948 = tpu.memref_slice %arg7[%dma_start3A_1945, %dma_start3A_1946, %dma_start3A_1947] : memref<4x384x32xf32, #tpu.memory_space<vmem>> -> memref<1x384x32xf32, #tpu.memory_space<vmem>>
      %dma_start3A_1949 = tpu.memref_squeeze %dma_start3A_1948 : memref<1x384x32xf32, #tpu.memory_space<vmem>> -> memref<384x32xf32, #tpu.memory_space<vmem>>
      %dma_start3A_1950 = arith.constant 0 : i32
      %dma_start3A_1951 = tpu.memref_slice %arg4[%mul3A_1944, %dma_start3A_1950] : memref<1769472x32xf32, #tpu.memory_space<hbm>> -> memref<384x32xf32, #tpu.memory_space<hbm>>
      %dma_start3A_1952 = arith.constant 0 : i32
      %dma_start3A_1953 = tpu.memref_slice %arg4[%mul3A_1944, %dma_start3A_1952] : memref<1769472x32xf32, #tpu.memory_space<hbm>> -> memref<384x32xf32, #tpu.memory_space<hbm>>
      %dma_start3A_1954 = arith.constant 0 : i32
      %dma_start3A_1955 = arith.constant 0 : i32
      %dma_start3A_1956 = tpu.memref_slice %arg7[%dma_start3A_1945, %dma_start3A_1954, %dma_start3A_1955] : memref<4x384x32xf32, #tpu.memory_space<vmem>> -> memref<1x384x32xf32, #tpu.memory_space<vmem>>
      %dma_start3A_1957 = tpu.memref_squeeze %dma_start3A_1956 : memref<1x384x32xf32, #tpu.memory_space<vmem>> -> memref<384x32xf32, #tpu.memory_space<vmem>>
      tpu.enqueue_dma source(%dma_start3A_1957 : memref<384x32xf32, #tpu.memory_space<vmem>>) target(%dma_start3A_1953 : memref<384x32xf32, #tpu.memory_space<hbm>>) target_semaphore(%arg12 : memref<!tpu.dma_semaphore, #tpu.memory_space<semaphore_mem>>)
      %gt3A_1958 = arith.constant 0 : i32
      %gt3A_1959 = arith.cmpi sgt, %scan3A_75, %gt3A_1958 : i32
      %convert_element_type3A_1960 = arith.extui %gt3A_1959 : i1 to i32
      %cond3A_1961 = arith.constant 0 : i32
      %cond3A_1962 = arith.cmpi ne, %convert_element_type3A_1960, %cond3A_1961 : i32
      scf.if %cond3A_1962 {
        %sub3A_2732 = arith.constant 4 : i32
        %sub3A_2733 = arith.subi %add3A_91, %sub3A_2732 : i32
        %add3A_2734 = arith.addi %mul3A_2, %sub3A_2733 : i32
        %mul3A_2735 = arith.constant 384 : i32
        %mul3A_2736 = arith.muli %add3A_2734, %mul3A_2735 : i32
        %dma_wait3A_2737 = arith.constant 3 : i32
        %dma_wait3A_2738 = arith.constant 0 : i32
        %dma_wait3A_2739 = arith.constant 0 : i32
        %dma_wait3A_2740 = tpu.memref_slice %arg7[%dma_wait3A_2737, %dma_wait3A_2738, %dma_wait3A_2739] : memref<4x384x32xf32, #tpu.memory_space<vmem>> -> memref<1x384x32xf32, #tpu.memory_space<vmem>>
        %dma_wait3A_2741 = tpu.memref_squeeze %dma_wait3A_2740 : memref<1x384x32xf32, #tpu.memory_space<vmem>> -> memref<384x32xf32, #tpu.memory_space<vmem>>
        %dma_wait3A_2742 = arith.constant 0 : i32
        %dma_wait3A_2743 = tpu.memref_slice %arg4[%mul3A_2736, %dma_wait3A_2742] : memref<1769472x32xf32, #tpu.memory_space<hbm>> -> memref<384x32xf32, #tpu.memory_space<hbm>>
        %dma_wait3A_2744 = arith.constant 0 : i32
        %dma_wait3A_2745 = tpu.memref_slice %arg4[%mul3A_2736, %dma_wait3A_2744] : memref<1769472x32xf32, #tpu.memory_space<hbm>> -> memref<384x32xf32, #tpu.memory_space<hbm>>
        %dma_wait3A_2746 = arith.constant 0 : i32
        %dma_wait3A_2747 = arith.constant 0 : i32
        %dma_wait3A_2748 = tpu.memref_slice %arg7[%dma_wait3A_2737, %dma_wait3A_2746, %dma_wait3A_2747] : memref<4x384x32xf32, #tpu.memory_space<vmem>> -> memref<1x384x32xf32, #tpu.memory_space<vmem>>
        %dma_wait3A_2749 = tpu.memref_squeeze %dma_wait3A_2748 : memref<1x384x32xf32, #tpu.memory_space<vmem>> -> memref<384x32xf32, #tpu.memory_space<vmem>>
        tpu.wait_dma2 semaphore(%arg15 : memref<!tpu.dma_semaphore, #tpu.memory_space<semaphore_mem>>) src(%dma_wait3A_2749 : memref<384x32xf32, #tpu.memory_space<vmem>>) dst(%dma_wait3A_2745 : memref<384x32xf32, #tpu.memory_space<hbm>>)
      } else {
      }
      %add3A_1963 = arith.addi %mul3A_2, %add3A_91 : i32
      %jit3A_1964 = arith.constant 1152 : i32
      %div3A_1965 = arith.divsi %add3A_1963, %jit3A_1964 : i32
      %sign3A_1966 = arith.constant 0 : i32
      %sign3A_1967 = arith.cmpi sgt, %add3A_1963, %sign3A_1966 : i32
      %sign3A_1968 = arith.extui %sign3A_1967 : i1 to i32
      %sign3A_1969 = arith.constant 0 : i32
      %sign3A_1970 = arith.cmpi slt, %add3A_1963, %sign3A_1969 : i32
      %sign3A_1971 = arith.extui %sign3A_1970 : i1 to i32
      %sign3A_1972 = arith.subi %sign3A_1968, %sign3A_1971 : i32
      %sign3A_1973 = arith.constant 0 : i32
      %sign3A_1974 = arith.cmpi sgt, %jit3A_1964, %sign3A_1973 : i32
      %sign3A_1975 = arith.extui %sign3A_1974 : i1 to i32
      %sign3A_1976 = arith.constant 0 : i32
      %sign3A_1977 = arith.cmpi slt, %jit3A_1964, %sign3A_1976 : i32
      %sign3A_1978 = arith.extui %sign3A_1977 : i1 to i32
      %sign3A_1979 = arith.subi %sign3A_1975, %sign3A_1978 : i32
      %ne3A_1980 = arith.cmpi ne, %sign3A_1972, %sign3A_1979 : i32
      %rem3A_1981 = arith.remsi %add3A_1963, %jit3A_1964 : i32
      %ne3A_1982 = arith.constant 0 : i32
      %ne3A_1983 = arith.cmpi ne, %rem3A_1981, %ne3A_1982 : i32
      %and3A_1984 = arith.andi %ne3A_1980, %ne3A_1983 : i1
      %sub3A_1985 = arith.constant 1 : i32
      %sub3A_1986 = arith.subi %div3A_1965, %sub3A_1985 : i32
      %select_n3A_1987 = arith.select %and3A_1984, %sub3A_1986, %div3A_1965 : i32
      %rem3A_1988 = arith.constant 12 : i32
      %rem3A_1989 = arith.remsi %add3A_1963, %rem3A_1988 : i32
      %mul3A_1990 = arith.constant 144 : i32
      %mul3A_1991 = arith.muli %select_n3A_1987, %mul3A_1990 : i32
      %mul3A_1992 = arith.constant 12 : i32
      %mul3A_1993 = arith.muli %rem3A_1989, %mul3A_1992 : i32
      %add3A_1994 = arith.addi %mul3A_1991, %mul3A_1993 : i32
      %jit3A_1995 = arith.constant 12 : i32
      %div3A_1996 = arith.divsi %add3A_1963, %jit3A_1995 : i32
      %sign3A_1997 = arith.constant 0 : i32
      %sign3A_1998 = arith.cmpi sgt, %add3A_1963, %sign3A_1997 : i32
      %sign3A_1999 = arith.extui %sign3A_1998 : i1 to i32
      %sign3A_2000 = arith.constant 0 : i32
      %sign3A_2001 = arith.cmpi slt, %add3A_1963, %sign3A_2000 : i32
      %sign3A_2002 = arith.extui %sign3A_2001 : i1 to i32
      %sign3A_2003 = arith.subi %sign3A_1999, %sign3A_2002 : i32
      %sign3A_2004 = arith.constant 0 : i32
      %sign3A_2005 = arith.cmpi sgt, %jit3A_1995, %sign3A_2004 : i32
      %sign3A_2006 = arith.extui %sign3A_2005 : i1 to i32
      %sign3A_2007 = arith.constant 0 : i32
      %sign3A_2008 = arith.cmpi slt, %jit3A_1995, %sign3A_2007 : i32
      %sign3A_2009 = arith.extui %sign3A_2008 : i1 to i32
      %sign3A_2010 = arith.subi %sign3A_2006, %sign3A_2009 : i32
      %ne3A_2011 = arith.cmpi ne, %sign3A_2003, %sign3A_2010 : i32
      %rem3A_2012 = arith.remsi %add3A_1963, %jit3A_1995 : i32
      %ne3A_2013 = arith.constant 0 : i32
      %ne3A_2014 = arith.cmpi ne, %rem3A_2012, %ne3A_2013 : i32
      %and3A_2015 = arith.andi %ne3A_2011, %ne3A_2014 : i1
      %sub3A_2016 = arith.constant 1 : i32
      %sub3A_2017 = arith.subi %div3A_1996, %sub3A_2016 : i32
      %select_n3A_2018 = arith.select %and3A_2015, %sub3A_2017, %div3A_1996 : i32
      %mul3A_2019 = arith.constant 4608 : i32
      %mul3A_2020 = arith.muli %select_n3A_2018, %mul3A_2019 : i32
      %get3A_2021 = arith.index_cast %add3A_1994 : i32 to index
      %get3A_2022 = tpu.vector_load %arg5[%get3A_2021] {strides = array<i32>} : memref<592xi32, #tpu.memory_space<vmem>>, vector<16xi32>,
      %get3A_2023 = vector.shape_cast %get3A_2022 : vector<16xi32> to vector<16xi32>
      %add3A_2024 = arith.constant 0 : i32
      %add3A_2025 = vector.broadcast %add3A_2024 : i32 to vector<16xi32>
      %add3A_2026 = arith.addi %iota3A, %add3A_2025 : vector<16xi32>
      %rem3A_2027 = arith.constant 12 : i32
      %rem3A_2028 = vector.broadcast %rem3A_2027 : i32 to vector<16xi32>
      %rem3A_2029 = arith.remsi %add3A_2026, %rem3A_2028 : vector<16xi32>
      %broadcast_in_dim3A_2030 = vector.shape_cast %rem3A_2029 : vector<16xi32> to vector<16x1xi32>
      %gather3A_2031 = vector.shape_cast %broadcast_in_dim3A_2030 : vector<16x1xi32> to vector<16xi32>
      %gather3A_2032 = tpu.dynamic_gather %get3A_2023[%gather3A_2031] in [0] : vector<16xi32>, vector<16xi32> -> vector<16xi32>
      %sub3A_2033 = arith.subi %add3A_2026, %rem3A_2029 : vector<16xi32>
      %add3A_2034 = arith.addi %gather3A_2032, %sub3A_2033 : vector<16xi32>
      %add3A_2035 = vector.broadcast %mul3A_2020 : i32 to vector<16xi32>
      %add3A_2036 = arith.addi %add3A_2034, %add3A_2035 : vector<16xi32>
      %swap3A_2037 = arith.constant 3 : i32
      %swap3A_2038 = arith.constant 0 : i32
      %swap3A_2039 = arith.index_cast %swap3A_2037 : i32 to index
      %swap3A_2040 = arith.index_cast %swap3A_2038 : i32 to index
      %swap3A_2041 = arith.constant 0 : index
      %swap3A_2042 = tpu.vector_load %arg6[%swap3A_2039, %swap3A_2040, %swap3A_2041] {strides = array<i32>} : memref<4x3x128xi32, #tpu.memory_space<vmem>>, vector<1x1x16xi32>,
      %swap3A_2043 = vector.shape_cast %swap3A_2042 : vector<1x1x16xi32> to vector<16xi32>
      %swap3A_2044 = vector.shape_cast %add3A_2036 : vector<16xi32> to vector<1x1x16xi32>
      tpu.vector_store %arg6[%swap3A_2039, %swap3A_2040, %swap3A_2041], %swap3A_2044 {strides = array<i32>} : memref<4x3x128xi32, #tpu.memory_space<vmem>>, vector<1x1x16xi32>,
      %add3A_2045 = arith.constant 16 : i32
      %add3A_2046 = vector.broadcast %add3A_2045 : i32 to vector<16xi32>
      %add3A_2047 = arith.addi %iota3A, %add3A_2046 : vector<16xi32>
      %rem3A_2048 = arith.constant 12 : i32
      %rem3A_2049 = vector.broadcast %rem3A_2048 : i32 to vector<16xi32>
      %rem3A_2050 = arith.remsi %add3A_2047, %rem3A_2049 : vector<16xi32>
      %broadcast_in_dim3A_2051 = vector.shape_cast %rem3A_2050 : vector<16xi32> to vector<16x1xi32>
      %gather3A_2052 = vector.shape_cast %broadcast_in_dim3A_2051 : vector<16x1xi32> to vector<16xi32>
      %gather3A_2053 = tpu.dynamic_gather %get3A_2023[%gather3A_2052] in [0] : vector<16xi32>, vector<16xi32> -> vector<16xi32>
      %sub3A_2054 = arith.subi %add3A_2047, %rem3A_2050 : vector<16xi32>
      %add3A_2055 = arith.addi %gather3A_2053, %sub3A_2054 : vector<16xi32>
      %add3A_2056 = vector.broadcast %mul3A_2020 : i32 to vector<16xi32>
      %add3A_2057 = arith.addi %add3A_2055, %add3A_2056 : vector<16xi32>
      %swap3A_2058 = arith.constant 3 : i32
      %swap3A_2059 = arith.constant 0 : i32
      %swap3A_2060 = arith.index_cast %swap3A_2058 : i32 to index
      %swap3A_2061 = arith.index_cast %swap3A_2059 : i32 to index
      %swap3A_2062 = arith.constant 16 : index
      %swap3A_2063 = tpu.vector_load %arg6[%swap3A_2060, %swap3A_2061, %swap3A_2062] {strides = array<i32>} : memref<4x3x128xi32, #tpu.memory_space<vmem>>, vector<1x1x16xi32>,
      %swap3A_2064 = vector.shape_cast %swap3A_2063 : vector<1x1x16xi32> to vector<16xi32>
      %swap3A_2065 = vector.shape_cast %add3A_2057 : vector<16xi32> to vector<1x1x16xi32>
      tpu.vector_store %arg6[%swap3A_2060, %swap3A_2061, %swap3A_2062], %swap3A_2065 {strides = array<i32>} : memref<4x3x128xi32, #tpu.memory_space<vmem>>, vector<1x1x16xi32>,
      %add3A_2066 = arith.constant 32 : i32
      %add3A_2067 = vector.broadcast %add3A_2066 : i32 to vector<16xi32>
      %add3A_2068 = arith.addi %iota3A, %add3A_2067 : vector<16xi32>
      %rem3A_2069 = arith.constant 12 : i32
      %rem3A_2070 = vector.broadcast %rem3A_2069 : i32 to vector<16xi32>
      %rem3A_2071 = arith.remsi %add3A_2068, %rem3A_2070 : vector<16xi32>
      %broadcast_in_dim3A_2072 = vector.shape_cast %rem3A_2071 : vector<16xi32> to vector<16x1xi32>
      %gather3A_2073 = vector.shape_cast %broadcast_in_dim3A_2072 : vector<16x1xi32> to vector<16xi32>
      %gather3A_2074 = tpu.dynamic_gather %get3A_2023[%gather3A_2073] in [0] : vector<16xi32>, vector<16xi32> -> vector<16xi32>
      %sub3A_2075 = arith.subi %add3A_2068, %rem3A_2071 : vector<16xi32>
      %add3A_2076 = arith.addi %gather3A_2074, %sub3A_2075 : vector<16xi32>
      %add3A_2077 = vector.broadcast %mul3A_2020 : i32 to vector<16xi32>
      %add3A_2078 = arith.addi %add3A_2076, %add3A_2077 : vector<16xi32>
      %swap3A_2079 = arith.constant 3 : i32
      %swap3A_2080 = arith.constant 0 : i32
      %swap3A_2081 = arith.index_cast %swap3A_2079 : i32 to index
      %swap3A_2082 = arith.index_cast %swap3A_2080 : i32 to index
      %swap3A_2083 = arith.constant 32 : index
      %swap3A_2084 = tpu.vector_load %arg6[%swap3A_2081, %swap3A_2082, %swap3A_2083] {strides = array<i32>} : memref<4x3x128xi32, #tpu.memory_space<vmem>>, vector<1x1x16xi32>,
      %swap3A_2085 = vector.shape_cast %swap3A_2084 : vector<1x1x16xi32> to vector<16xi32>
      %swap3A_2086 = vector.shape_cast %add3A_2078 : vector<16xi32> to vector<1x1x16xi32>
      tpu.vector_store %arg6[%swap3A_2081, %swap3A_2082, %swap3A_2083], %swap3A_2086 {strides = array<i32>} : memref<4x3x128xi32, #tpu.memory_space<vmem>>, vector<1x1x16xi32>,
      %add3A_2087 = arith.constant 48 : i32
      %add3A_2088 = vector.broadcast %add3A_2087 : i32 to vector<16xi32>
      %add3A_2089 = arith.addi %iota3A, %add3A_2088 : vector<16xi32>
      %rem3A_2090 = arith.constant 12 : i32
      %rem3A_2091 = vector.broadcast %rem3A_2090 : i32 to vector<16xi32>
      %rem3A_2092 = arith.remsi %add3A_2089, %rem3A_2091 : vector<16xi32>
      %broadcast_in_dim3A_2093 = vector.shape_cast %rem3A_2092 : vector<16xi32> to vector<16x1xi32>
      %gather3A_2094 = vector.shape_cast %broadcast_in_dim3A_2093 : vector<16x1xi32> to vector<16xi32>
      %gather3A_2095 = tpu.dynamic_gather %get3A_2023[%gather3A_2094] in [0] : vector<16xi32>, vector<16xi32> -> vector<16xi32>
      %sub3A_2096 = arith.subi %add3A_2089, %rem3A_2092 : vector<16xi32>
      %add3A_2097 = arith.addi %gather3A_2095, %sub3A_2096 : vector<16xi32>
      %add3A_2098 = vector.broadcast %mul3A_2020 : i32 to vector<16xi32>
      %add3A_2099 = arith.addi %add3A_2097, %add3A_2098 : vector<16xi32>
      %swap3A_2100 = arith.constant 3 : i32
      %swap3A_2101 = arith.constant 0 : i32
      %swap3A_2102 = arith.index_cast %swap3A_2100 : i32 to index
      %swap3A_2103 = arith.index_cast %swap3A_2101 : i32 to index
      %swap3A_2104 = arith.constant 48 : index
      %swap3A_2105 = tpu.vector_load %arg6[%swap3A_2102, %swap3A_2103, %swap3A_2104] {strides = array<i32>} : memref<4x3x128xi32, #tpu.memory_space<vmem>>, vector<1x1x16xi32>,
      %swap3A_2106 = vector.shape_cast %swap3A_2105 : vector<1x1x16xi32> to vector<16xi32>
      %swap3A_2107 = vector.shape_cast %add3A_2099 : vector<16xi32> to vector<1x1x16xi32>
      tpu.vector_store %arg6[%swap3A_2102, %swap3A_2103, %swap3A_2104], %swap3A_2107 {strides = array<i32>} : memref<4x3x128xi32, #tpu.memory_space<vmem>>, vector<1x1x16xi32>,
      %add3A_2108 = arith.constant 64 : i32
      %add3A_2109 = vector.broadcast %add3A_2108 : i32 to vector<16xi32>
      %add3A_2110 = arith.addi %iota3A, %add3A_2109 : vector<16xi32>
      %rem3A_2111 = arith.constant 12 : i32
      %rem3A_2112 = vector.broadcast %rem3A_2111 : i32 to vector<16xi32>
      %rem3A_2113 = arith.remsi %add3A_2110, %rem3A_2112 : vector<16xi32>
      %broadcast_in_dim3A_2114 = vector.shape_cast %rem3A_2113 : vector<16xi32> to vector<16x1xi32>
      %gather3A_2115 = vector.shape_cast %broadcast_in_dim3A_2114 : vector<16x1xi32> to vector<16xi32>
      %gather3A_2116 = tpu.dynamic_gather %get3A_2023[%gather3A_2115] in [0] : vector<16xi32>, vector<16xi32> -> vector<16xi32>
      %sub3A_2117 = arith.subi %add3A_2110, %rem3A_2113 : vector<16xi32>
      %add3A_2118 = arith.addi %gather3A_2116, %sub3A_2117 : vector<16xi32>
      %add3A_2119 = vector.broadcast %mul3A_2020 : i32 to vector<16xi32>
      %add3A_2120 = arith.addi %add3A_2118, %add3A_2119 : vector<16xi32>
      %swap3A_2121 = arith.constant 3 : i32
      %swap3A_2122 = arith.constant 0 : i32
      %swap3A_2123 = arith.index_cast %swap3A_2121 : i32 to index
      %swap3A_2124 = arith.index_cast %swap3A_2122 : i32 to index
      %swap3A_2125 = arith.constant 64 : index
      %swap3A_2126 = tpu.vector_load %arg6[%swap3A_2123, %swap3A_2124, %swap3A_2125] {strides = array<i32>} : memref<4x3x128xi32, #tpu.memory_space<vmem>>, vector<1x1x16xi32>,
      %swap3A_2127 = vector.shape_cast %swap3A_2126 : vector<1x1x16xi32> to vector<16xi32>
      %swap3A_2128 = vector.shape_cast %add3A_2120 : vector<16xi32> to vector<1x1x16xi32>
      tpu.vector_store %arg6[%swap3A_2123, %swap3A_2124, %swap3A_2125], %swap3A_2128 {strides = array<i32>} : memref<4x3x128xi32, #tpu.memory_space<vmem>>, vector<1x1x16xi32>,
      %add3A_2129 = arith.constant 80 : i32
      %add3A_2130 = vector.broadcast %add3A_2129 : i32 to vector<16xi32>
      %add3A_2131 = arith.addi %iota3A, %add3A_2130 : vector<16xi32>
      %rem3A_2132 = arith.constant 12 : i32
      %rem3A_2133 = vector.broadcast %rem3A_2132 : i32 to vector<16xi32>
      %rem3A_2134 = arith.remsi %add3A_2131, %rem3A_2133 : vector<16xi32>
      %broadcast_in_dim3A_2135 = vector.shape_cast %rem3A_2134 : vector<16xi32> to vector<16x1xi32>
      %gather3A_2136 = vector.shape_cast %broadcast_in_dim3A_2135 : vector<16x1xi32> to vector<16xi32>
      %gather3A_2137 = tpu.dynamic_gather %get3A_2023[%gather3A_2136] in [0] : vector<16xi32>, vector<16xi32> -> vector<16xi32>
      %sub3A_2138 = arith.subi %add3A_2131, %rem3A_2134 : vector<16xi32>
      %add3A_2139 = arith.addi %gather3A_2137, %sub3A_2138 : vector<16xi32>
      %add3A_2140 = vector.broadcast %mul3A_2020 : i32 to vector<16xi32>
      %add3A_2141 = arith.addi %add3A_2139, %add3A_2140 : vector<16xi32>
      %swap3A_2142 = arith.constant 3 : i32
      %swap3A_2143 = arith.constant 0 : i32
      %swap3A_2144 = arith.index_cast %swap3A_2142 : i32 to index
      %swap3A_2145 = arith.index_cast %swap3A_2143 : i32 to index
      %swap3A_2146 = arith.constant 80 : index
      %swap3A_2147 = tpu.vector_load %arg6[%swap3A_2144, %swap3A_2145, %swap3A_2146] {strides = array<i32>} : memref<4x3x128xi32, #tpu.memory_space<vmem>>, vector<1x1x16xi32>,
      %swap3A_2148 = vector.shape_cast %swap3A_2147 : vector<1x1x16xi32> to vector<16xi32>
      %swap3A_2149 = vector.shape_cast %add3A_2141 : vector<16xi32> to vector<1x1x16xi32>
      tpu.vector_store %arg6[%swap3A_2144, %swap3A_2145, %swap3A_2146], %swap3A_2149 {strides = array<i32>} : memref<4x3x128xi32, #tpu.memory_space<vmem>>, vector<1x1x16xi32>,
      %add3A_2150 = arith.constant 96 : i32
      %add3A_2151 = vector.broadcast %add3A_2150 : i32 to vector<16xi32>
      %add3A_2152 = arith.addi %iota3A, %add3A_2151 : vector<16xi32>
      %rem3A_2153 = arith.constant 12 : i32
      %rem3A_2154 = vector.broadcast %rem3A_2153 : i32 to vector<16xi32>
      %rem3A_2155 = arith.remsi %add3A_2152, %rem3A_2154 : vector<16xi32>
      %broadcast_in_dim3A_2156 = vector.shape_cast %rem3A_2155 : vector<16xi32> to vector<16x1xi32>
      %gather3A_2157 = vector.shape_cast %broadcast_in_dim3A_2156 : vector<16x1xi32> to vector<16xi32>
      %gather3A_2158 = tpu.dynamic_gather %get3A_2023[%gather3A_2157] in [0] : vector<16xi32>, vector<16xi32> -> vector<16xi32>
      %sub3A_2159 = arith.subi %add3A_2152, %rem3A_2155 : vector<16xi32>
      %add3A_2160 = arith.addi %gather3A_2158, %sub3A_2159 : vector<16xi32>
      %add3A_2161 = vector.broadcast %mul3A_2020 : i32 to vector<16xi32>
      %add3A_2162 = arith.addi %add3A_2160, %add3A_2161 : vector<16xi32>
      %swap3A_2163 = arith.constant 3 : i32
      %swap3A_2164 = arith.constant 0 : i32
      %swap3A_2165 = arith.index_cast %swap3A_2163 : i32 to index
      %swap3A_2166 = arith.index_cast %swap3A_2164 : i32 to index
      %swap3A_2167 = arith.constant 96 : index
      %swap3A_2168 = tpu.vector_load %arg6[%swap3A_2165, %swap3A_2166, %swap3A_2167] {strides = array<i32>} : memref<4x3x128xi32, #tpu.memory_space<vmem>>, vector<1x1x16xi32>,
      %swap3A_2169 = vector.shape_cast %swap3A_2168 : vector<1x1x16xi32> to vector<16xi32>
      %swap3A_2170 = vector.shape_cast %add3A_2162 : vector<16xi32> to vector<1x1x16xi32>
      tpu.vector_store %arg6[%swap3A_2165, %swap3A_2166, %swap3A_2167], %swap3A_2170 {strides = array<i32>} : memref<4x3x128xi32, #tpu.memory_space<vmem>>, vector<1x1x16xi32>,
      %add3A_2171 = arith.constant 112 : i32
      %add3A_2172 = vector.broadcast %add3A_2171 : i32 to vector<16xi32>
      %add3A_2173 = arith.addi %iota3A, %add3A_2172 : vector<16xi32>
      %rem3A_2174 = arith.constant 12 : i32
      %rem3A_2175 = vector.broadcast %rem3A_2174 : i32 to vector<16xi32>
      %rem3A_2176 = arith.remsi %add3A_2173, %rem3A_2175 : vector<16xi32>
      %broadcast_in_dim3A_2177 = vector.shape_cast %rem3A_2176 : vector<16xi32> to vector<16x1xi32>
      %gather3A_2178 = vector.shape_cast %broadcast_in_dim3A_2177 : vector<16x1xi32> to vector<16xi32>
      %gather3A_2179 = tpu.dynamic_gather %get3A_2023[%gather3A_2178] in [0] : vector<16xi32>, vector<16xi32> -> vector<16xi32>
      %sub3A_2180 = arith.subi %add3A_2173, %rem3A_2176 : vector<16xi32>
      %add3A_2181 = arith.addi %gather3A_2179, %sub3A_2180 : vector<16xi32>
      %add3A_2182 = vector.broadcast %mul3A_2020 : i32 to vector<16xi32>
      %add3A_2183 = arith.addi %add3A_2181, %add3A_2182 : vector<16xi32>
      %swap3A_2184 = arith.constant 3 : i32
      %swap3A_2185 = arith.constant 0 : i32
      %swap3A_2186 = arith.index_cast %swap3A_2184 : i32 to index
      %swap3A_2187 = arith.index_cast %swap3A_2185 : i32 to index
      %swap3A_2188 = arith.constant 112 : index
      %swap3A_2189 = tpu.vector_load %arg6[%swap3A_2186, %swap3A_2187, %swap3A_2188] {strides = array<i32>} : memref<4x3x128xi32, #tpu.memory_space<vmem>>, vector<1x1x16xi32>,
      %swap3A_2190 = vector.shape_cast %swap3A_2189 : vector<1x1x16xi32> to vector<16xi32>
      %swap3A_2191 = vector.shape_cast %add3A_2183 : vector<16xi32> to vector<1x1x16xi32>
      tpu.vector_store %arg6[%swap3A_2186, %swap3A_2187, %swap3A_2188], %swap3A_2191 {strides = array<i32>} : memref<4x3x128xi32, #tpu.memory_space<vmem>>, vector<1x1x16xi32>,
      %add3A_2192 = arith.constant 128 : i32
      %add3A_2193 = vector.broadcast %add3A_2192 : i32 to vector<16xi32>
      %add3A_2194 = arith.addi %iota3A, %add3A_2193 : vector<16xi32>
      %rem3A_2195 = arith.constant 12 : i32
      %rem3A_2196 = vector.broadcast %rem3A_2195 : i32 to vector<16xi32>
      %rem3A_2197 = arith.remsi %add3A_2194, %rem3A_2196 : vector<16xi32>
      %broadcast_in_dim3A_2198 = vector.shape_cast %rem3A_2197 : vector<16xi32> to vector<16x1xi32>
      %gather3A_2199 = vector.shape_cast %broadcast_in_dim3A_2198 : vector<16x1xi32> to vector<16xi32>
      %gather3A_2200 = tpu.dynamic_gather %get3A_2023[%gather3A_2199] in [0] : vector<16xi32>, vector<16xi32> -> vector<16xi32>
      %sub3A_2201 = arith.subi %add3A_2194, %rem3A_2197 : vector<16xi32>
      %add3A_2202 = arith.addi %gather3A_2200, %sub3A_2201 : vector<16xi32>
      %add3A_2203 = vector.broadcast %mul3A_2020 : i32 to vector<16xi32>
      %add3A_2204 = arith.addi %add3A_2202, %add3A_2203 : vector<16xi32>
      %swap3A_2205 = arith.constant 3 : i32
      %swap3A_2206 = arith.constant 1 : i32
      %swap3A_2207 = arith.index_cast %swap3A_2205 : i32 to index
      %swap3A_2208 = arith.index_cast %swap3A_2206 : i32 to index
      %swap3A_2209 = arith.constant 0 : index
      %swap3A_2210 = tpu.vector_load %arg6[%swap3A_2207, %swap3A_2208, %swap3A_2209] {strides = array<i32>} : memref<4x3x128xi32, #tpu.memory_space<vmem>>, vector<1x1x16xi32>,
      %swap3A_2211 = vector.shape_cast %swap3A_2210 : vector<1x1x16xi32> to vector<16xi32>
      %swap3A_2212 = vector.shape_cast %add3A_2204 : vector<16xi32> to vector<1x1x16xi32>
      tpu.vector_store %arg6[%swap3A_2207, %swap3A_2208, %swap3A_2209], %swap3A_2212 {strides = array<i32>} : memref<4x3x128xi32, #tpu.memory_space<vmem>>, vector<1x1x16xi32>,
      %add3A_2213 = arith.constant 144 : i32
      %add3A_2214 = vector.broadcast %add3A_2213 : i32 to vector<16xi32>
      %add3A_2215 = arith.addi %iota3A, %add3A_2214 : vector<16xi32>
      %rem3A_2216 = arith.constant 12 : i32
      %rem3A_2217 = vector.broadcast %rem3A_2216 : i32 to vector<16xi32>
      %rem3A_2218 = arith.remsi %add3A_2215, %rem3A_2217 : vector<16xi32>
      %broadcast_in_dim3A_2219 = vector.shape_cast %rem3A_2218 : vector<16xi32> to vector<16x1xi32>
      %gather3A_2220 = vector.shape_cast %broadcast_in_dim3A_2219 : vector<16x1xi32> to vector<16xi32>
      %gather3A_2221 = tpu.dynamic_gather %get3A_2023[%gather3A_2220] in [0] : vector<16xi32>, vector<16xi32> -> vector<16xi32>
      %sub3A_2222 = arith.subi %add3A_2215, %rem3A_2218 : vector<16xi32>
      %add3A_2223 = arith.addi %gather3A_2221, %sub3A_2222 : vector<16xi32>
      %add3A_2224 = vector.broadcast %mul3A_2020 : i32 to vector<16xi32>
      %add3A_2225 = arith.addi %add3A_2223, %add3A_2224 : vector<16xi32>
      %swap3A_2226 = arith.constant 3 : i32
      %swap3A_2227 = arith.constant 1 : i32
      %swap3A_2228 = arith.index_cast %swap3A_2226 : i32 to index
      %swap3A_2229 = arith.index_cast %swap3A_2227 : i32 to index
      %swap3A_2230 = arith.constant 16 : index
      %swap3A_2231 = tpu.vector_load %arg6[%swap3A_2228, %swap3A_2229, %swap3A_2230] {strides = array<i32>} : memref<4x3x128xi32, #tpu.memory_space<vmem>>, vector<1x1x16xi32>,
      %swap3A_2232 = vector.shape_cast %swap3A_2231 : vector<1x1x16xi32> to vector<16xi32>
      %swap3A_2233 = vector.shape_cast %add3A_2225 : vector<16xi32> to vector<1x1x16xi32>
      tpu.vector_store %arg6[%swap3A_2228, %swap3A_2229, %swap3A_2230], %swap3A_2233 {strides = array<i32>} : memref<4x3x128xi32, #tpu.memory_space<vmem>>, vector<1x1x16xi32>,
      %add3A_2234 = arith.constant 160 : i32
      %add3A_2235 = vector.broadcast %add3A_2234 : i32 to vector<16xi32>
      %add3A_2236 = arith.addi %iota3A, %add3A_2235 : vector<16xi32>
      %rem3A_2237 = arith.constant 12 : i32
      %rem3A_2238 = vector.broadcast %rem3A_2237 : i32 to vector<16xi32>
      %rem3A_2239 = arith.remsi %add3A_2236, %rem3A_2238 : vector<16xi32>
      %broadcast_in_dim3A_2240 = vector.shape_cast %rem3A_2239 : vector<16xi32> to vector<16x1xi32>
      %gather3A_2241 = vector.shape_cast %broadcast_in_dim3A_2240 : vector<16x1xi32> to vector<16xi32>
      %gather3A_2242 = tpu.dynamic_gather %get3A_2023[%gather3A_2241] in [0] : vector<16xi32>, vector<16xi32> -> vector<16xi32>
      %sub3A_2243 = arith.subi %add3A_2236, %rem3A_2239 : vector<16xi32>
      %add3A_2244 = arith.addi %gather3A_2242, %sub3A_2243 : vector<16xi32>
      %add3A_2245 = vector.broadcast %mul3A_2020 : i32 to vector<16xi32>
      %add3A_2246 = arith.addi %add3A_2244, %add3A_2245 : vector<16xi32>
      %swap3A_2247 = arith.constant 3 : i32
      %swap3A_2248 = arith.constant 1 : i32
      %swap3A_2249 = arith.index_cast %swap3A_2247 : i32 to index
      %swap3A_2250 = arith.index_cast %swap3A_2248 : i32 to index
      %swap3A_2251 = arith.constant 32 : index
      %swap3A_2252 = tpu.vector_load %arg6[%swap3A_2249, %swap3A_2250, %swap3A_2251] {strides = array<i32>} : memref<4x3x128xi32, #tpu.memory_space<vmem>>, vector<1x1x16xi32>,
      %swap3A_2253 = vector.shape_cast %swap3A_2252 : vector<1x1x16xi32> to vector<16xi32>
      %swap3A_2254 = vector.shape_cast %add3A_2246 : vector<16xi32> to vector<1x1x16xi32>
      tpu.vector_store %arg6[%swap3A_2249, %swap3A_2250, %swap3A_2251], %swap3A_2254 {strides = array<i32>} : memref<4x3x128xi32, #tpu.memory_space<vmem>>, vector<1x1x16xi32>,
      %add3A_2255 = arith.constant 176 : i32
      %add3A_2256 = vector.broadcast %add3A_2255 : i32 to vector<16xi32>
      %add3A_2257 = arith.addi %iota3A, %add3A_2256 : vector<16xi32>
      %rem3A_2258 = arith.constant 12 : i32
      %rem3A_2259 = vector.broadcast %rem3A_2258 : i32 to vector<16xi32>
      %rem3A_2260 = arith.remsi %add3A_2257, %rem3A_2259 : vector<16xi32>
      %broadcast_in_dim3A_2261 = vector.shape_cast %rem3A_2260 : vector<16xi32> to vector<16x1xi32>
      %gather3A_2262 = vector.shape_cast %broadcast_in_dim3A_2261 : vector<16x1xi32> to vector<16xi32>
      %gather3A_2263 = tpu.dynamic_gather %get3A_2023[%gather3A_2262] in [0] : vector<16xi32>, vector<16xi32> -> vector<16xi32>
      %sub3A_2264 = arith.subi %add3A_2257, %rem3A_2260 : vector<16xi32>
      %add3A_2265 = arith.addi %gather3A_2263, %sub3A_2264 : vector<16xi32>
      %add3A_2266 = vector.broadcast %mul3A_2020 : i32 to vector<16xi32>
      %add3A_2267 = arith.addi %add3A_2265, %add3A_2266 : vector<16xi32>
      %swap3A_2268 = arith.constant 3 : i32
      %swap3A_2269 = arith.constant 1 : i32
      %swap3A_2270 = arith.index_cast %swap3A_2268 : i32 to index
      %swap3A_2271 = arith.index_cast %swap3A_2269 : i32 to index
      %swap3A_2272 = arith.constant 48 : index
      %swap3A_2273 = tpu.vector_load %arg6[%swap3A_2270, %swap3A_2271, %swap3A_2272] {strides = array<i32>} : memref<4x3x128xi32, #tpu.memory_space<vmem>>, vector<1x1x16xi32>,
      %swap3A_2274 = vector.shape_cast %swap3A_2273 : vector<1x1x16xi32> to vector<16xi32>
      %swap3A_2275 = vector.shape_cast %add3A_2267 : vector<16xi32> to vector<1x1x16xi32>
      tpu.vector_store %arg6[%swap3A_2270, %swap3A_2271, %swap3A_2272], %swap3A_2275 {strides = array<i32>} : memref<4x3x128xi32, #tpu.memory_space<vmem>>, vector<1x1x16xi32>,
      %add3A_2276 = arith.constant 192 : i32
      %add3A_2277 = vector.broadcast %add3A_2276 : i32 to vector<16xi32>
      %add3A_2278 = arith.addi %iota3A, %add3A_2277 : vector<16xi32>
      %rem3A_2279 = arith.constant 12 : i32
      %rem3A_2280 = vector.broadcast %rem3A_2279 : i32 to vector<16xi32>
      %rem3A_2281 = arith.remsi %add3A_2278, %rem3A_2280 : vector<16xi32>
      %broadcast_in_dim3A_2282 = vector.shape_cast %rem3A_2281 : vector<16xi32> to vector<16x1xi32>
      %gather3A_2283 = vector.shape_cast %broadcast_in_dim3A_2282 : vector<16x1xi32> to vector<16xi32>
      %gather3A_2284 = tpu.dynamic_gather %get3A_2023[%gather3A_2283] in [0] : vector<16xi32>, vector<16xi32> -> vector<16xi32>
      %sub3A_2285 = arith.subi %add3A_2278, %rem3A_2281 : vector<16xi32>
      %add3A_2286 = arith.addi %gather3A_2284, %sub3A_2285 : vector<16xi32>
      %add3A_2287 = vector.broadcast %mul3A_2020 : i32 to vector<16xi32>
      %add3A_2288 = arith.addi %add3A_2286, %add3A_2287 : vector<16xi32>
      %swap3A_2289 = arith.constant 3 : i32
      %swap3A_2290 = arith.constant 1 : i32
      %swap3A_2291 = arith.index_cast %swap3A_2289 : i32 to index
      %swap3A_2292 = arith.index_cast %swap3A_2290 : i32 to index
      %swap3A_2293 = arith.constant 64 : index
      %swap3A_2294 = tpu.vector_load %arg6[%swap3A_2291, %swap3A_2292, %swap3A_2293] {strides = array<i32>} : memref<4x3x128xi32, #tpu.memory_space<vmem>>, vector<1x1x16xi32>,
      %swap3A_2295 = vector.shape_cast %swap3A_2294 : vector<1x1x16xi32> to vector<16xi32>
      %swap3A_2296 = vector.shape_cast %add3A_2288 : vector<16xi32> to vector<1x1x16xi32>
      tpu.vector_store %arg6[%swap3A_2291, %swap3A_2292, %swap3A_2293], %swap3A_2296 {strides = array<i32>} : memref<4x3x128xi32, #tpu.memory_space<vmem>>, vector<1x1x16xi32>,
      %add3A_2297 = arith.constant 208 : i32
      %add3A_2298 = vector.broadcast %add3A_2297 : i32 to vector<16xi32>
      %add3A_2299 = arith.addi %iota3A, %add3A_2298 : vector<16xi32>
      %rem3A_2300 = arith.constant 12 : i32
      %rem3A_2301 = vector.broadcast %rem3A_2300 : i32 to vector<16xi32>
      %rem3A_2302 = arith.remsi %add3A_2299, %rem3A_2301 : vector<16xi32>
      %broadcast_in_dim3A_2303 = vector.shape_cast %rem3A_2302 : vector<16xi32> to vector<16x1xi32>
      %gather3A_2304 = vector.shape_cast %broadcast_in_dim3A_2303 : vector<16x1xi32> to vector<16xi32>
      %gather3A_2305 = tpu.dynamic_gather %get3A_2023[%gather3A_2304] in [0] : vector<16xi32>, vector<16xi32> -> vector<16xi32>
      %sub3A_2306 = arith.subi %add3A_2299, %rem3A_2302 : vector<16xi32>
      %add3A_2307 = arith.addi %gather3A_2305, %sub3A_2306 : vector<16xi32>
      %add3A_2308 = vector.broadcast %mul3A_2020 : i32 to vector<16xi32>
      %add3A_2309 = arith.addi %add3A_2307, %add3A_2308 : vector<16xi32>
      %swap3A_2310 = arith.constant 3 : i32
      %swap3A_2311 = arith.constant 1 : i32
      %swap3A_2312 = arith.index_cast %swap3A_2310 : i32 to index
      %swap3A_2313 = arith.index_cast %swap3A_2311 : i32 to index
      %swap3A_2314 = arith.constant 80 : index
      %swap3A_2315 = tpu.vector_load %arg6[%swap3A_2312, %swap3A_2313, %swap3A_2314] {strides = array<i32>} : memref<4x3x128xi32, #tpu.memory_space<vmem>>, vector<1x1x16xi32>,
      %swap3A_2316 = vector.shape_cast %swap3A_2315 : vector<1x1x16xi32> to vector<16xi32>
      %swap3A_2317 = vector.shape_cast %add3A_2309 : vector<16xi32> to vector<1x1x16xi32>
      tpu.vector_store %arg6[%swap3A_2312, %swap3A_2313, %swap3A_2314], %swap3A_2317 {strides = array<i32>} : memref<4x3x128xi32, #tpu.memory_space<vmem>>, vector<1x1x16xi32>,
      %add3A_2318 = arith.constant 224 : i32
      %add3A_2319 = vector.broadcast %add3A_2318 : i32 to vector<16xi32>
      %add3A_2320 = arith.addi %iota3A, %add3A_2319 : vector<16xi32>
      %rem3A_2321 = arith.constant 12 : i32
      %rem3A_2322 = vector.broadcast %rem3A_2321 : i32 to vector<16xi32>
      %rem3A_2323 = arith.remsi %add3A_2320, %rem3A_2322 : vector<16xi32>
      %broadcast_in_dim3A_2324 = vector.shape_cast %rem3A_2323 : vector<16xi32> to vector<16x1xi32>
      %gather3A_2325 = vector.shape_cast %broadcast_in_dim3A_2324 : vector<16x1xi32> to vector<16xi32>
      %gather3A_2326 = tpu.dynamic_gather %get3A_2023[%gather3A_2325] in [0] : vector<16xi32>, vector<16xi32> -> vector<16xi32>
      %sub3A_2327 = arith.subi %add3A_2320, %rem3A_2323 : vector<16xi32>
      %add3A_2328 = arith.addi %gather3A_2326, %sub3A_2327 : vector<16xi32>
      %add3A_2329 = vector.broadcast %mul3A_2020 : i32 to vector<16xi32>
      %add3A_2330 = arith.addi %add3A_2328, %add3A_2329 : vector<16xi32>
      %swap3A_2331 = arith.constant 3 : i32
      %swap3A_2332 = arith.constant 1 : i32
      %swap3A_2333 = arith.index_cast %swap3A_2331 : i32 to index
      %swap3A_2334 = arith.index_cast %swap3A_2332 : i32 to index
      %swap3A_2335 = arith.constant 96 : index
      %swap3A_2336 = tpu.vector_load %arg6[%swap3A_2333, %swap3A_2334, %swap3A_2335] {strides = array<i32>} : memref<4x3x128xi32, #tpu.memory_space<vmem>>, vector<1x1x16xi32>,
      %swap3A_2337 = vector.shape_cast %swap3A_2336 : vector<1x1x16xi32> to vector<16xi32>
      %swap3A_2338 = vector.shape_cast %add3A_2330 : vector<16xi32> to vector<1x1x16xi32>
      tpu.vector_store %arg6[%swap3A_2333, %swap3A_2334, %swap3A_2335], %swap3A_2338 {strides = array<i32>} : memref<4x3x128xi32, #tpu.memory_space<vmem>>, vector<1x1x16xi32>,
      %add3A_2339 = arith.constant 240 : i32
      %add3A_2340 = vector.broadcast %add3A_2339 : i32 to vector<16xi32>
      %add3A_2341 = arith.addi %iota3A, %add3A_2340 : vector<16xi32>
      %rem3A_2342 = arith.constant 12 : i32
      %rem3A_2343 = vector.broadcast %rem3A_2342 : i32 to vector<16xi32>
      %rem3A_2344 = arith.remsi %add3A_2341, %rem3A_2343 : vector<16xi32>
      %broadcast_in_dim3A_2345 = vector.shape_cast %rem3A_2344 : vector<16xi32> to vector<16x1xi32>
      %gather3A_2346 = vector.shape_cast %broadcast_in_dim3A_2345 : vector<16x1xi32> to vector<16xi32>
      %gather3A_2347 = tpu.dynamic_gather %get3A_2023[%gather3A_2346] in [0] : vector<16xi32>, vector<16xi32> -> vector<16xi32>
      %sub3A_2348 = arith.subi %add3A_2341, %rem3A_2344 : vector<16xi32>
      %add3A_2349 = arith.addi %gather3A_2347, %sub3A_2348 : vector<16xi32>
      %add3A_2350 = vector.broadcast %mul3A_2020 : i32 to vector<16xi32>
      %add3A_2351 = arith.addi %add3A_2349, %add3A_2350 : vector<16xi32>
      %swap3A_2352 = arith.constant 3 : i32
      %swap3A_2353 = arith.constant 1 : i32
      %swap3A_2354 = arith.index_cast %swap3A_2352 : i32 to index
      %swap3A_2355 = arith.index_cast %swap3A_2353 : i32 to index
      %swap3A_2356 = arith.constant 112 : index
      %swap3A_2357 = tpu.vector_load %arg6[%swap3A_2354, %swap3A_2355, %swap3A_2356] {strides = array<i32>} : memref<4x3x128xi32, #tpu.memory_space<vmem>>, vector<1x1x16xi32>,
      %swap3A_2358 = vector.shape_cast %swap3A_2357 : vector<1x1x16xi32> to vector<16xi32>
      %swap3A_2359 = vector.shape_cast %add3A_2351 : vector<16xi32> to vector<1x1x16xi32>
      tpu.vector_store %arg6[%swap3A_2354, %swap3A_2355, %swap3A_2356], %swap3A_2359 {strides = array<i32>} : memref<4x3x128xi32, #tpu.memory_space<vmem>>, vector<1x1x16xi32>,
      %add3A_2360 = arith.constant 256 : i32
      %add3A_2361 = vector.broadcast %add3A_2360 : i32 to vector<16xi32>
      %add3A_2362 = arith.addi %iota3A, %add3A_2361 : vector<16xi32>
      %rem3A_2363 = arith.constant 12 : i32
      %rem3A_2364 = vector.broadcast %rem3A_2363 : i32 to vector<16xi32>
      %rem3A_2365 = arith.remsi %add3A_2362, %rem3A_2364 : vector<16xi32>
      %broadcast_in_dim3A_2366 = vector.shape_cast %rem3A_2365 : vector<16xi32> to vector<16x1xi32>
      %gather3A_2367 = vector.shape_cast %broadcast_in_dim3A_2366 : vector<16x1xi32> to vector<16xi32>
      %gather3A_2368 = tpu.dynamic_gather %get3A_2023[%gather3A_2367] in [0] : vector<16xi32>, vector<16xi32> -> vector<16xi32>
      %sub3A_2369 = arith.subi %add3A_2362, %rem3A_2365 : vector<16xi32>
      %add3A_2370 = arith.addi %gather3A_2368, %sub3A_2369 : vector<16xi32>
      %add3A_2371 = vector.broadcast %mul3A_2020 : i32 to vector<16xi32>
      %add3A_2372 = arith.addi %add3A_2370, %add3A_2371 : vector<16xi32>
      %swap3A_2373 = arith.constant 3 : i32
      %swap3A_2374 = arith.constant 2 : i32
      %swap3A_2375 = arith.index_cast %swap3A_2373 : i32 to index
      %swap3A_2376 = arith.index_cast %swap3A_2374 : i32 to index
      %swap3A_2377 = arith.constant 0 : index
      %swap3A_2378 = tpu.vector_load %arg6[%swap3A_2375, %swap3A_2376, %swap3A_2377] {strides = array<i32>} : memref<4x3x128xi32, #tpu.memory_space<vmem>>, vector<1x1x16xi32>,
      %swap3A_2379 = vector.shape_cast %swap3A_2378 : vector<1x1x16xi32> to vector<16xi32>
      %swap3A_2380 = vector.shape_cast %add3A_2372 : vector<16xi32> to vector<1x1x16xi32>
      tpu.vector_store %arg6[%swap3A_2375, %swap3A_2376, %swap3A_2377], %swap3A_2380 {strides = array<i32>} : memref<4x3x128xi32, #tpu.memory_space<vmem>>, vector<1x1x16xi32>,
      %add3A_2381 = arith.constant 272 : i32
      %add3A_2382 = vector.broadcast %add3A_2381 : i32 to vector<16xi32>
      %add3A_2383 = arith.addi %iota3A, %add3A_2382 : vector<16xi32>
      %rem3A_2384 = arith.constant 12 : i32
      %rem3A_2385 = vector.broadcast %rem3A_2384 : i32 to vector<16xi32>
      %rem3A_2386 = arith.remsi %add3A_2383, %rem3A_2385 : vector<16xi32>
      %broadcast_in_dim3A_2387 = vector.shape_cast %rem3A_2386 : vector<16xi32> to vector<16x1xi32>
      %gather3A_2388 = vector.shape_cast %broadcast_in_dim3A_2387 : vector<16x1xi32> to vector<16xi32>
      %gather3A_2389 = tpu.dynamic_gather %get3A_2023[%gather3A_2388] in [0] : vector<16xi32>, vector<16xi32> -> vector<16xi32>
      %sub3A_2390 = arith.subi %add3A_2383, %rem3A_2386 : vector<16xi32>
      %add3A_2391 = arith.addi %gather3A_2389, %sub3A_2390 : vector<16xi32>
      %add3A_2392 = vector.broadcast %mul3A_2020 : i32 to vector<16xi32>
      %add3A_2393 = arith.addi %add3A_2391, %add3A_2392 : vector<16xi32>
      %swap3A_2394 = arith.constant 3 : i32
      %swap3A_2395 = arith.constant 2 : i32
      %swap3A_2396 = arith.index_cast %swap3A_2394 : i32 to index
      %swap3A_2397 = arith.index_cast %swap3A_2395 : i32 to index
      %swap3A_2398 = arith.constant 16 : index
      %swap3A_2399 = tpu.vector_load %arg6[%swap3A_2396, %swap3A_2397, %swap3A_2398] {strides = array<i32>} : memref<4x3x128xi32, #tpu.memory_space<vmem>>, vector<1x1x16xi32>,
      %swap3A_2400 = vector.shape_cast %swap3A_2399 : vector<1x1x16xi32> to vector<16xi32>
      %swap3A_2401 = vector.shape_cast %add3A_2393 : vector<16xi32> to vector<1x1x16xi32>
      tpu.vector_store %arg6[%swap3A_2396, %swap3A_2397, %swap3A_2398], %swap3A_2401 {strides = array<i32>} : memref<4x3x128xi32, #tpu.memory_space<vmem>>, vector<1x1x16xi32>,
      %add3A_2402 = arith.constant 288 : i32
      %add3A_2403 = vector.broadcast %add3A_2402 : i32 to vector<16xi32>
      %add3A_2404 = arith.addi %iota3A, %add3A_2403 : vector<16xi32>
      %rem3A_2405 = arith.constant 12 : i32
      %rem3A_2406 = vector.broadcast %rem3A_2405 : i32 to vector<16xi32>
      %rem3A_2407 = arith.remsi %add3A_2404, %rem3A_2406 : vector<16xi32>
      %broadcast_in_dim3A_2408 = vector.shape_cast %rem3A_2407 : vector<16xi32> to vector<16x1xi32>
      %gather3A_2409 = vector.shape_cast %broadcast_in_dim3A_2408 : vector<16x1xi32> to vector<16xi32>
      %gather3A_2410 = tpu.dynamic_gather %get3A_2023[%gather3A_2409] in [0] : vector<16xi32>, vector<16xi32> -> vector<16xi32>
      %sub3A_2411 = arith.subi %add3A_2404, %rem3A_2407 : vector<16xi32>
      %add3A_2412 = arith.addi %gather3A_2410, %sub3A_2411 : vector<16xi32>
      %add3A_2413 = vector.broadcast %mul3A_2020 : i32 to vector<16xi32>
      %add3A_2414 = arith.addi %add3A_2412, %add3A_2413 : vector<16xi32>
      %swap3A_2415 = arith.constant 3 : i32
      %swap3A_2416 = arith.constant 2 : i32
      %swap3A_2417 = arith.index_cast %swap3A_2415 : i32 to index
      %swap3A_2418 = arith.index_cast %swap3A_2416 : i32 to index
      %swap3A_2419 = arith.constant 32 : index
      %swap3A_2420 = tpu.vector_load %arg6[%swap3A_2417, %swap3A_2418, %swap3A_2419] {strides = array<i32>} : memref<4x3x128xi32, #tpu.memory_space<vmem>>, vector<1x1x16xi32>,
      %swap3A_2421 = vector.shape_cast %swap3A_2420 : vector<1x1x16xi32> to vector<16xi32>
      %swap3A_2422 = vector.shape_cast %add3A_2414 : vector<16xi32> to vector<1x1x16xi32>
      tpu.vector_store %arg6[%swap3A_2417, %swap3A_2418, %swap3A_2419], %swap3A_2422 {strides = array<i32>} : memref<4x3x128xi32, #tpu.memory_space<vmem>>, vector<1x1x16xi32>,
      %add3A_2423 = arith.constant 304 : i32
      %add3A_2424 = vector.broadcast %add3A_2423 : i32 to vector<16xi32>
      %add3A_2425 = arith.addi %iota3A, %add3A_2424 : vector<16xi32>
      %rem3A_2426 = arith.constant 12 : i32
      %rem3A_2427 = vector.broadcast %rem3A_2426 : i32 to vector<16xi32>
      %rem3A_2428 = arith.remsi %add3A_2425, %rem3A_2427 : vector<16xi32>
      %broadcast_in_dim3A_2429 = vector.shape_cast %rem3A_2428 : vector<16xi32> to vector<16x1xi32>
      %gather3A_2430 = vector.shape_cast %broadcast_in_dim3A_2429 : vector<16x1xi32> to vector<16xi32>
      %gather3A_2431 = tpu.dynamic_gather %get3A_2023[%gather3A_2430] in [0] : vector<16xi32>, vector<16xi32> -> vector<16xi32>
      %sub3A_2432 = arith.subi %add3A_2425, %rem3A_2428 : vector<16xi32>
      %add3A_2433 = arith.addi %gather3A_2431, %sub3A_2432 : vector<16xi32>
      %add3A_2434 = vector.broadcast %mul3A_2020 : i32 to vector<16xi32>
      %add3A_2435 = arith.addi %add3A_2433, %add3A_2434 : vector<16xi32>
      %swap3A_2436 = arith.constant 3 : i32
      %swap3A_2437 = arith.constant 2 : i32
      %swap3A_2438 = arith.index_cast %swap3A_2436 : i32 to index
      %swap3A_2439 = arith.index_cast %swap3A_2437 : i32 to index
      %swap3A_2440 = arith.constant 48 : index
      %swap3A_2441 = tpu.vector_load %arg6[%swap3A_2438, %swap3A_2439, %swap3A_2440] {strides = array<i32>} : memref<4x3x128xi32, #tpu.memory_space<vmem>>, vector<1x1x16xi32>,
      %swap3A_2442 = vector.shape_cast %swap3A_2441 : vector<1x1x16xi32> to vector<16xi32>
      %swap3A_2443 = vector.shape_cast %add3A_2435 : vector<16xi32> to vector<1x1x16xi32>
      tpu.vector_store %arg6[%swap3A_2438, %swap3A_2439, %swap3A_2440], %swap3A_2443 {strides = array<i32>} : memref<4x3x128xi32, #tpu.memory_space<vmem>>, vector<1x1x16xi32>,
      %add3A_2444 = arith.constant 320 : i32
      %add3A_2445 = vector.broadcast %add3A_2444 : i32 to vector<16xi32>
      %add3A_2446 = arith.addi %iota3A, %add3A_2445 : vector<16xi32>
      %rem3A_2447 = arith.constant 12 : i32
      %rem3A_2448 = vector.broadcast %rem3A_2447 : i32 to vector<16xi32>
      %rem3A_2449 = arith.remsi %add3A_2446, %rem3A_2448 : vector<16xi32>
      %broadcast_in_dim3A_2450 = vector.shape_cast %rem3A_2449 : vector<16xi32> to vector<16x1xi32>
      %gather3A_2451 = vector.shape_cast %broadcast_in_dim3A_2450 : vector<16x1xi32> to vector<16xi32>
      %gather3A_2452 = tpu.dynamic_gather %get3A_2023[%gather3A_2451] in [0] : vector<16xi32>, vector<16xi32> -> vector<16xi32>
      %sub3A_2453 = arith.subi %add3A_2446, %rem3A_2449 : vector<16xi32>
      %add3A_2454 = arith.addi %gather3A_2452, %sub3A_2453 : vector<16xi32>
      %add3A_2455 = vector.broadcast %mul3A_2020 : i32 to vector<16xi32>
      %add3A_2456 = arith.addi %add3A_2454, %add3A_2455 : vector<16xi32>
      %swap3A_2457 = arith.constant 3 : i32
      %swap3A_2458 = arith.constant 2 : i32
      %swap3A_2459 = arith.index_cast %swap3A_2457 : i32 to index
      %swap3A_2460 = arith.index_cast %swap3A_2458 : i32 to index
      %swap3A_2461 = arith.constant 64 : index
      %swap3A_2462 = tpu.vector_load %arg6[%swap3A_2459, %swap3A_2460, %swap3A_2461] {strides = array<i32>} : memref<4x3x128xi32, #tpu.memory_space<vmem>>, vector<1x1x16xi32>,
      %swap3A_2463 = vector.shape_cast %swap3A_2462 : vector<1x1x16xi32> to vector<16xi32>
      %swap3A_2464 = vector.shape_cast %add3A_2456 : vector<16xi32> to vector<1x1x16xi32>
      tpu.vector_store %arg6[%swap3A_2459, %swap3A_2460, %swap3A_2461], %swap3A_2464 {strides = array<i32>} : memref<4x3x128xi32, #tpu.memory_space<vmem>>, vector<1x1x16xi32>,
      %add3A_2465 = arith.constant 336 : i32
      %add3A_2466 = vector.broadcast %add3A_2465 : i32 to vector<16xi32>
      %add3A_2467 = arith.addi %iota3A, %add3A_2466 : vector<16xi32>
      %rem3A_2468 = arith.constant 12 : i32
      %rem3A_2469 = vector.broadcast %rem3A_2468 : i32 to vector<16xi32>
      %rem3A_2470 = arith.remsi %add3A_2467, %rem3A_2469 : vector<16xi32>
      %broadcast_in_dim3A_2471 = vector.shape_cast %rem3A_2470 : vector<16xi32> to vector<16x1xi32>
      %gather3A_2472 = vector.shape_cast %broadcast_in_dim3A_2471 : vector<16x1xi32> to vector<16xi32>
      %gather3A_2473 = tpu.dynamic_gather %get3A_2023[%gather3A_2472] in [0] : vector<16xi32>, vector<16xi32> -> vector<16xi32>
      %sub3A_2474 = arith.subi %add3A_2467, %rem3A_2470 : vector<16xi32>
      %add3A_2475 = arith.addi %gather3A_2473, %sub3A_2474 : vector<16xi32>
      %add3A_2476 = vector.broadcast %mul3A_2020 : i32 to vector<16xi32>
      %add3A_2477 = arith.addi %add3A_2475, %add3A_2476 : vector<16xi32>
      %swap3A_2478 = arith.constant 3 : i32
      %swap3A_2479 = arith.constant 2 : i32
      %swap3A_2480 = arith.index_cast %swap3A_2478 : i32 to index
      %swap3A_2481 = arith.index_cast %swap3A_2479 : i32 to index
      %swap3A_2482 = arith.constant 80 : index
      %swap3A_2483 = tpu.vector_load %arg6[%swap3A_2480, %swap3A_2481, %swap3A_2482] {strides = array<i32>} : memref<4x3x128xi32, #tpu.memory_space<vmem>>, vector<1x1x16xi32>,
      %swap3A_2484 = vector.shape_cast %swap3A_2483 : vector<1x1x16xi32> to vector<16xi32>
      %swap3A_2485 = vector.shape_cast %add3A_2477 : vector<16xi32> to vector<1x1x16xi32>
      tpu.vector_store %arg6[%swap3A_2480, %swap3A_2481, %swap3A_2482], %swap3A_2485 {strides = array<i32>} : memref<4x3x128xi32, #tpu.memory_space<vmem>>, vector<1x1x16xi32>,
      %add3A_2486 = arith.constant 352 : i32
      %add3A_2487 = vector.broadcast %add3A_2486 : i32 to vector<16xi32>
      %add3A_2488 = arith.addi %iota3A, %add3A_2487 : vector<16xi32>
      %rem3A_2489 = arith.constant 12 : i32
      %rem3A_2490 = vector.broadcast %rem3A_2489 : i32 to vector<16xi32>
      %rem3A_2491 = arith.remsi %add3A_2488, %rem3A_2490 : vector<16xi32>
      %broadcast_in_dim3A_2492 = vector.shape_cast %rem3A_2491 : vector<16xi32> to vector<16x1xi32>
      %gather3A_2493 = vector.shape_cast %broadcast_in_dim3A_2492 : vector<16x1xi32> to vector<16xi32>
      %gather3A_2494 = tpu.dynamic_gather %get3A_2023[%gather3A_2493] in [0] : vector<16xi32>, vector<16xi32> -> vector<16xi32>
      %sub3A_2495 = arith.subi %add3A_2488, %rem3A_2491 : vector<16xi32>
      %add3A_2496 = arith.addi %gather3A_2494, %sub3A_2495 : vector<16xi32>
      %add3A_2497 = vector.broadcast %mul3A_2020 : i32 to vector<16xi32>
      %add3A_2498 = arith.addi %add3A_2496, %add3A_2497 : vector<16xi32>
      %swap3A_2499 = arith.constant 3 : i32
      %swap3A_2500 = arith.constant 2 : i32
      %swap3A_2501 = arith.index_cast %swap3A_2499 : i32 to index
      %swap3A_2502 = arith.index_cast %swap3A_2500 : i32 to index
      %swap3A_2503 = arith.constant 96 : index
      %swap3A_2504 = tpu.vector_load %arg6[%swap3A_2501, %swap3A_2502, %swap3A_2503] {strides = array<i32>} : memref<4x3x128xi32, #tpu.memory_space<vmem>>, vector<1x1x16xi32>,
      %swap3A_2505 = vector.shape_cast %swap3A_2504 : vector<1x1x16xi32> to vector<16xi32>
      %swap3A_2506 = vector.shape_cast %add3A_2498 : vector<16xi32> to vector<1x1x16xi32>
      tpu.vector_store %arg6[%swap3A_2501, %swap3A_2502, %swap3A_2503], %swap3A_2506 {strides = array<i32>} : memref<4x3x128xi32, #tpu.memory_space<vmem>>, vector<1x1x16xi32>,
      %add3A_2507 = arith.constant 368 : i32
      %add3A_2508 = vector.broadcast %add3A_2507 : i32 to vector<16xi32>
      %add3A_2509 = arith.addi %iota3A, %add3A_2508 : vector<16xi32>
      %rem3A_2510 = arith.constant 12 : i32
      %rem3A_2511 = vector.broadcast %rem3A_2510 : i32 to vector<16xi32>
      %rem3A_2512 = arith.remsi %add3A_2509, %rem3A_2511 : vector<16xi32>
      %broadcast_in_dim3A_2513 = vector.shape_cast %rem3A_2512 : vector<16xi32> to vector<16x1xi32>
      %gather3A_2514 = vector.shape_cast %broadcast_in_dim3A_2513 : vector<16x1xi32> to vector<16xi32>
      %gather3A_2515 = tpu.dynamic_gather %get3A_2023[%gather3A_2514] in [0] : vector<16xi32>, vector<16xi32> -> vector<16xi32>
      %sub3A_2516 = arith.subi %add3A_2509, %rem3A_2512 : vector<16xi32>
      %add3A_2517 = arith.addi %gather3A_2515, %sub3A_2516 : vector<16xi32>
      %add3A_2518 = vector.broadcast %mul3A_2020 : i32 to vector<16xi32>
      %add3A_2519 = arith.addi %add3A_2517, %add3A_2518 : vector<16xi32>
      %swap3A_2520 = arith.constant 3 : i32
      %swap3A_2521 = arith.constant 2 : i32
      %swap3A_2522 = arith.index_cast %swap3A_2520 : i32 to index
      %swap3A_2523 = arith.index_cast %swap3A_2521 : i32 to index
      %swap3A_2524 = arith.constant 112 : index
      %swap3A_2525 = tpu.vector_load %arg6[%swap3A_2522, %swap3A_2523, %swap3A_2524] {strides = array<i32>} : memref<4x3x128xi32, #tpu.memory_space<vmem>>, vector<1x1x16xi32>,
      %swap3A_2526 = vector.shape_cast %swap3A_2525 : vector<1x1x16xi32> to vector<16xi32>
      %swap3A_2527 = vector.shape_cast %add3A_2519 : vector<16xi32> to vector<1x1x16xi32>
      tpu.vector_store %arg6[%swap3A_2522, %swap3A_2523, %swap3A_2524], %swap3A_2527 {strides = array<i32>} : memref<4x3x128xi32, #tpu.memory_space<vmem>>, vector<1x1x16xi32>,
      %dma_start3A_2528 = arith.constant 3 : i32
      %dma_start3A_2529 = arith.constant 0 : i32
      %dma_start3A_2530 = arith.constant 3 : i32
      %dma_start3A_2531 = arith.constant 0 : i32
      %dma_start3A_2532 = arith.constant 0 : i32
      %dma_start3A_2533 = tpu.memref_slice %arg7[%dma_start3A_2530, %dma_start3A_2531, %dma_start3A_2532] : memref<4x384x32xf32, #tpu.memory_space<vmem>> -> memref<1x128x32xf32, #tpu.memory_space<vmem>>
      %dma_start3A_2534 = tpu.memref_squeeze %dma_start3A_2533 : memref<1x128x32xf32, #tpu.memory_space<vmem>> -> memref<128x32xf32, #tpu.memory_space<vmem>>
      %dma_start3A_2535 = arith.constant 0 : i32
      %dma_start3A_2536 = tpu.memref_slice %arg6[%dma_start3A_2528, %dma_start3A_2529, %dma_start3A_2535] : memref<4x3x128xi32, #tpu.memory_space<vmem>> -> memref<1x1x128xi32, #tpu.memory_space<vmem>>
      %dma_start3A_2537 = tpu.memref_squeeze %dma_start3A_2536 : memref<1x1x128xi32, #tpu.memory_space<vmem>> -> memref<128xi32, #tpu.memory_space<vmem>>
      %dma_start3A_2538 = arith.constant 0 : i32
      %dma_start3A_2539 = arith.constant 0 : i32
      %dma_start3A_2540 = tpu.memref_slice %arg3[%dma_start3A_2538, %dma_start3A_2539] : memref<1769472x32xf32, #tpu.memory_space<hbm>> -> memref<1769472x32xf32, #tpu.memory_space<hbm>>
      tpu.enqueue_indirect_dma source(%dma_start3A_2540 : memref<1769472x32xf32, #tpu.memory_space<hbm>>) target(%dma_start3A_2534 : memref<128x32xf32, #tpu.memory_space<vmem>>) offsets(%dma_start3A_2537 : memref<128xi32, #tpu.memory_space<vmem>>) semaphore(%arg11 : memref<!tpu.dma_semaphore, #tpu.memory_space<semaphore_mem>>)
      %dma_start3A_2541 = arith.constant 3 : i32
      %dma_start3A_2542 = arith.constant 1 : i32
      %dma_start3A_2543 = arith.constant 3 : i32
      %dma_start3A_2544 = arith.constant 128 : i32
      %dma_start3A_2545 = arith.constant 0 : i32
      %dma_start3A_2546 = tpu.memref_slice %arg7[%dma_start3A_2543, %dma_start3A_2544, %dma_start3A_2545] : memref<4x384x32xf32, #tpu.memory_space<vmem>> -> memref<1x128x32xf32, #tpu.memory_space<vmem>>
      %dma_start3A_2547 = tpu.memref_squeeze %dma_start3A_2546 : memref<1x128x32xf32, #tpu.memory_space<vmem>> -> memref<128x32xf32, #tpu.memory_space<vmem>>
      %dma_start3A_2548 = arith.constant 0 : i32
      %dma_start3A_2549 = tpu.memref_slice %arg6[%dma_start3A_2541, %dma_start3A_2542, %dma_start3A_2548] : memref<4x3x128xi32, #tpu.memory_space<vmem>> -> memref<1x1x128xi32, #tpu.memory_space<vmem>>
      %dma_start3A_2550 = tpu.memref_squeeze %dma_start3A_2549 : memref<1x1x128xi32, #tpu.memory_space<vmem>> -> memref<128xi32, #tpu.memory_space<vmem>>
      %dma_start3A_2551 = arith.constant 0 : i32
      %dma_start3A_2552 = arith.constant 0 : i32
      %dma_start3A_2553 = tpu.memref_slice %arg3[%dma_start3A_2551, %dma_start3A_2552] : memref<1769472x32xf32, #tpu.memory_space<hbm>> -> memref<1769472x32xf32, #tpu.memory_space<hbm>>
      tpu.enqueue_indirect_dma source(%dma_start3A_2553 : memref<1769472x32xf32, #tpu.memory_space<hbm>>) target(%dma_start3A_2547 : memref<128x32xf32, #tpu.memory_space<vmem>>) offsets(%dma_start3A_2550 : memref<128xi32, #tpu.memory_space<vmem>>) semaphore(%arg11 : memref<!tpu.dma_semaphore, #tpu.memory_space<semaphore_mem>>)
      %dma_start3A_2554 = arith.constant 3 : i32
      %dma_start3A_2555 = arith.constant 2 : i32
      %dma_start3A_2556 = arith.constant 3 : i32
      %dma_start3A_2557 = arith.constant 256 : i32
      %dma_start3A_2558 = arith.constant 0 : i32
      %dma_start3A_2559 = tpu.memref_slice %arg7[%dma_start3A_2556, %dma_start3A_2557, %dma_start3A_2558] : memref<4x384x32xf32, #tpu.memory_space<vmem>> -> memref<1x128x32xf32, #tpu.memory_space<vmem>>
      %dma_start3A_2560 = tpu.memref_squeeze %dma_start3A_2559 : memref<1x128x32xf32, #tpu.memory_space<vmem>> -> memref<128x32xf32, #tpu.memory_space<vmem>>
      %dma_start3A_2561 = arith.constant 0 : i32
      %dma_start3A_2562 = tpu.memref_slice %arg6[%dma_start3A_2554, %dma_start3A_2555, %dma_start3A_2561] : memref<4x3x128xi32, #tpu.memory_space<vmem>> -> memref<1x1x128xi32, #tpu.memory_space<vmem>>
      %dma_start3A_2563 = tpu.memref_squeeze %dma_start3A_2562 : memref<1x1x128xi32, #tpu.memory_space<vmem>> -> memref<128xi32, #tpu.memory_space<vmem>>
      %dma_start3A_2564 = arith.constant 0 : i32
      %dma_start3A_2565 = arith.constant 0 : i32
      %dma_start3A_2566 = tpu.memref_slice %arg3[%dma_start3A_2564, %dma_start3A_2565] : memref<1769472x32xf32, #tpu.memory_space<hbm>> -> memref<1769472x32xf32, #tpu.memory_space<hbm>>
      tpu.enqueue_indirect_dma source(%dma_start3A_2566 : memref<1769472x32xf32, #tpu.memory_space<hbm>>) target(%dma_start3A_2560 : memref<128x32xf32, #tpu.memory_space<vmem>>) offsets(%dma_start3A_2563 : memref<128xi32, #tpu.memory_space<vmem>>) semaphore(%arg11 : memref<!tpu.dma_semaphore, #tpu.memory_space<semaphore_mem>>)
      %dma_wait3A_2567 = arith.constant 1 : i32
      %dma_wait3A_2568 = arith.constant 0 : i32
      %dma_wait3A_2569 = arith.constant 1 : i32
      %dma_wait3A_2570 = arith.constant 0 : i32
      %dma_wait3A_2571 = arith.constant 0 : i32
      %dma_wait3A_2572 = tpu.memref_slice %arg7[%dma_wait3A_2569, %dma_wait3A_2570, %dma_wait3A_2571] : memref<4x384x32xf32, #tpu.memory_space<vmem>> -> memref<1x128x32xf32, #tpu.memory_space<vmem>>
      %dma_wait3A_2573 = tpu.memref_squeeze %dma_wait3A_2572 : memref<1x128x32xf32, #tpu.memory_space<vmem>> -> memref<128x32xf32, #tpu.memory_space<vmem>>
      %dma_wait3A_2574 = arith.constant 0 : i32
      %dma_wait3A_2575 = tpu.memref_slice %arg6[%dma_wait3A_2567, %dma_wait3A_2568, %dma_wait3A_2574] : memref<4x3x128xi32, #tpu.memory_space<vmem>> -> memref<1x1x128xi32, #tpu.memory_space<vmem>>
      %dma_wait3A_2576 = tpu.memref_squeeze %dma_wait3A_2575 : memref<1x1x128xi32, #tpu.memory_space<vmem>> -> memref<128xi32, #tpu.memory_space<vmem>>
      %dma_wait3A_2577 = arith.constant 0 : i32
      %dma_wait3A_2578 = arith.constant 0 : i32
      %dma_wait3A_2579 = tpu.memref_slice %arg3[%dma_wait3A_2577, %dma_wait3A_2578] : memref<1769472x32xf32, #tpu.memory_space<hbm>> -> memref<1769472x32xf32, #tpu.memory_space<hbm>>
      tpu.wait_indirect_dma semaphore(%arg9 : memref<!tpu.dma_semaphore, #tpu.memory_space<semaphore_mem>>) src(%dma_wait3A_2579 : memref<1769472x32xf32, #tpu.memory_space<hbm>>) dst(%dma_wait3A_2573 : memref<128x32xf32, #tpu.memory_space<vmem>>)
      %dma_wait3A_2580 = arith.constant 1 : i32
      %dma_wait3A_2581 = arith.constant 1 : i32
      %dma_wait3A_2582 = arith.constant 1 : i32
      %dma_wait3A_2583 = arith.constant 128 : i32
      %dma_wait3A_2584 = arith.constant 0 : i32
      %dma_wait3A_2585 = tpu.memref_slice %arg7[%dma_wait3A_2582, %dma_wait3A_2583, %dma_wait3A_2584] : memref<4x384x32xf32, #tpu.memory_space<vmem>> -> memref<1x128x32xf32, #tpu.memory_space<vmem>>
      %dma_wait3A_2586 = tpu.memref_squeeze %dma_wait3A_2585 : memref<1x128x32xf32, #tpu.memory_space<vmem>> -> memref<128x32xf32, #tpu.memory_space<vmem>>
      %dma_wait3A_2587 = arith.constant 0 : i32
      %dma_wait3A_2588 = tpu.memref_slice %arg6[%dma_wait3A_2580, %dma_wait3A_2581, %dma_wait3A_2587] : memref<4x3x128xi32, #tpu.memory_space<vmem>> -> memref<1x1x128xi32, #tpu.memory_space<vmem>>
      %dma_wait3A_2589 = tpu.memref_squeeze %dma_wait3A_2588 : memref<1x1x128xi32, #tpu.memory_space<vmem>> -> memref<128xi32, #tpu.memory_space<vmem>>
      %dma_wait3A_2590 = arith.constant 0 : i32
      %dma_wait3A_2591 = arith.constant 0 : i32
      %dma_wait3A_2592 = tpu.memref_slice %arg3[%dma_wait3A_2590, %dma_wait3A_2591] : memref<1769472x32xf32, #tpu.memory_space<hbm>> -> memref<1769472x32xf32, #tpu.memory_space<hbm>>
      tpu.wait_indirect_dma semaphore(%arg9 : memref<!tpu.dma_semaphore, #tpu.memory_space<semaphore_mem>>) src(%dma_wait3A_2592 : memref<1769472x32xf32, #tpu.memory_space<hbm>>) dst(%dma_wait3A_2586 : memref<128x32xf32, #tpu.memory_space<vmem>>)
      %dma_wait3A_2593 = arith.constant 1 : i32
      %dma_wait3A_2594 = arith.constant 2 : i32
      %dma_wait3A_2595 = arith.constant 1 : i32
      %dma_wait3A_2596 = arith.constant 256 : i32
      %dma_wait3A_2597 = arith.constant 0 : i32
      %dma_wait3A_2598 = tpu.memref_slice %arg7[%dma_wait3A_2595, %dma_wait3A_2596, %dma_wait3A_2597] : memref<4x384x32xf32, #tpu.memory_space<vmem>> -> memref<1x128x32xf32, #tpu.memory_space<vmem>>
      %dma_wait3A_2599 = tpu.memref_squeeze %dma_wait3A_2598 : memref<1x128x32xf32, #tpu.memory_space<vmem>> -> memref<128x32xf32, #tpu.memory_space<vmem>>
      %dma_wait3A_2600 = arith.constant 0 : i32
      %dma_wait3A_2601 = tpu.memref_slice %arg6[%dma_wait3A_2593, %dma_wait3A_2594, %dma_wait3A_2600] : memref<4x3x128xi32, #tpu.memory_space<vmem>> -> memref<1x1x128xi32, #tpu.memory_space<vmem>>
      %dma_wait3A_2602 = tpu.memref_squeeze %dma_wait3A_2601 : memref<1x1x128xi32, #tpu.memory_space<vmem>> -> memref<128xi32, #tpu.memory_space<vmem>>
      %dma_wait3A_2603 = arith.constant 0 : i32
      %dma_wait3A_2604 = arith.constant 0 : i32
      %dma_wait3A_2605 = tpu.memref_slice %arg3[%dma_wait3A_2603, %dma_wait3A_2604] : memref<1769472x32xf32, #tpu.memory_space<hbm>> -> memref<1769472x32xf32, #tpu.memory_space<hbm>>
      tpu.wait_indirect_dma semaphore(%arg9 : memref<!tpu.dma_semaphore, #tpu.memory_space<semaphore_mem>>) src(%dma_wait3A_2605 : memref<1769472x32xf32, #tpu.memory_space<hbm>>) dst(%dma_wait3A_2599 : memref<128x32xf32, #tpu.memory_space<vmem>>)
      %add3A_2606 = arith.addi %mul3A_2, %add3A_83 : i32
      %mul3A_2607 = arith.constant 384 : i32
      %mul3A_2608 = arith.muli %add3A_2606, %mul3A_2607 : i32
      %dma_start3A_2609 = arith.constant 1 : i32
      %dma_start3A_2610 = arith.constant 0 : i32
      %dma_start3A_2611 = arith.constant 0 : i32
      %dma_start3A_2612 = tpu.memref_slice %arg7[%dma_start3A_2609, %dma_start3A_2610, %dma_start3A_2611] : memref<4x384x32xf32, #tpu.memory_space<vmem>> -> memref<1x384x32xf32, #tpu.memory_space<vmem>>
      %dma_start3A_2613 = tpu.memref_squeeze %dma_start3A_2612 : memref<1x384x32xf32, #tpu.memory_space<vmem>> -> memref<384x32xf32, #tpu.memory_space<vmem>>
      %dma_start3A_2614 = arith.constant 0 : i32
      %dma_start3A_2615 = tpu.memref_slice %arg4[%mul3A_2608, %dma_start3A_2614] : memref<1769472x32xf32, #tpu.memory_space<hbm>> -> memref<384x32xf32, #tpu.memory_space<hbm>>
      %dma_start3A_2616 = arith.constant 0 : i32
      %dma_start3A_2617 = tpu.memref_slice %arg4[%mul3A_2608, %dma_start3A_2616] : memref<1769472x32xf32, #tpu.memory_space<hbm>> -> memref<384x32xf32, #tpu.memory_space<hbm>>
      %dma_start3A_2618 = arith.constant 0 : i32
      %dma_start3A_2619 = arith.constant 0 : i32
      %dma_start3A_2620 = tpu.memref_slice %arg7[%dma_start3A_2609, %dma_start3A_2618, %dma_start3A_2619] : memref<4x384x32xf32, #tpu.memory_space<vmem>> -> memref<1x384x32xf32, #tpu.memory_space<vmem>>
      %dma_start3A_2621 = tpu.memref_squeeze %dma_start3A_2620 : memref<1x384x32xf32, #tpu.memory_space<vmem>> -> memref<384x32xf32, #tpu.memory_space<vmem>>
      tpu.enqueue_dma source(%dma_start3A_2621 : memref<384x32xf32, #tpu.memory_space<vmem>>) target(%dma_start3A_2617 : memref<384x32xf32, #tpu.memory_space<hbm>>) target_semaphore(%arg13 : memref<!tpu.dma_semaphore, #tpu.memory_space<semaphore_mem>>)
      %dma_wait3A_2622 = arith.constant 2 : i32
      %dma_wait3A_2623 = arith.constant 0 : i32
      %dma_wait3A_2624 = arith.constant 2 : i32
      %dma_wait3A_2625 = arith.constant 0 : i32
      %dma_wait3A_2626 = arith.constant 0 : i32
      %dma_wait3A_2627 = tpu.memref_slice %arg7[%dma_wait3A_2624, %dma_wait3A_2625, %dma_wait3A_2626] : memref<4x384x32xf32, #tpu.memory_space<vmem>> -> memref<1x128x32xf32, #tpu.memory_space<vmem>>
      %dma_wait3A_2628 = tpu.memref_squeeze %dma_wait3A_2627 : memref<1x128x32xf32, #tpu.memory_space<vmem>> -> memref<128x32xf32, #tpu.memory_space<vmem>>
      %dma_wait3A_2629 = arith.constant 0 : i32
      %dma_wait3A_2630 = tpu.memref_slice %arg6[%dma_wait3A_2622, %dma_wait3A_2623, %dma_wait3A_2629] : memref<4x3x128xi32, #tpu.memory_space<vmem>> -> memref<1x1x128xi32, #tpu.memory_space<vmem>>
      %dma_wait3A_2631 = tpu.memref_squeeze %dma_wait3A_2630 : memref<1x1x128xi32, #tpu.memory_space<vmem>> -> memref<128xi32, #tpu.memory_space<vmem>>
      %dma_wait3A_2632 = arith.constant 0 : i32
      %dma_wait3A_2633 = arith.constant 0 : i32
      %dma_wait3A_2634 = tpu.memref_slice %arg3[%dma_wait3A_2632, %dma_wait3A_2633] : memref<1769472x32xf32, #tpu.memory_space<hbm>> -> memref<1769472x32xf32, #tpu.memory_space<hbm>>
      tpu.wait_indirect_dma semaphore(%arg10 : memref<!tpu.dma_semaphore, #tpu.memory_space<semaphore_mem>>) src(%dma_wait3A_2634 : memref<1769472x32xf32, #tpu.memory_space<hbm>>) dst(%dma_wait3A_2628 : memref<128x32xf32, #tpu.memory_space<vmem>>)
      %dma_wait3A_2635 = arith.constant 2 : i32
      %dma_wait3A_2636 = arith.constant 1 : i32
      %dma_wait3A_2637 = arith.constant 2 : i32
      %dma_wait3A_2638 = arith.constant 128 : i32
      %dma_wait3A_2639 = arith.constant 0 : i32
      %dma_wait3A_2640 = tpu.memref_slice %arg7[%dma_wait3A_2637, %dma_wait3A_2638, %dma_wait3A_2639] : memref<4x384x32xf32, #tpu.memory_space<vmem>> -> memref<1x128x32xf32, #tpu.memory_space<vmem>>
      %dma_wait3A_2641 = tpu.memref_squeeze %dma_wait3A_2640 : memref<1x128x32xf32, #tpu.memory_space<vmem>> -> memref<128x32xf32, #tpu.memory_space<vmem>>
      %dma_wait3A_2642 = arith.constant 0 : i32
      %dma_wait3A_2643 = tpu.memref_slice %arg6[%dma_wait3A_2635, %dma_wait3A_2636, %dma_wait3A_2642] : memref<4x3x128xi32, #tpu.memory_space<vmem>> -> memref<1x1x128xi32, #tpu.memory_space<vmem>>
      %dma_wait3A_2644 = tpu.memref_squeeze %dma_wait3A_2643 : memref<1x1x128xi32, #tpu.memory_space<vmem>> -> memref<128xi32, #tpu.memory_space<vmem>>
      %dma_wait3A_2645 = arith.constant 0 : i32
      %dma_wait3A_2646 = arith.constant 0 : i32
      %dma_wait3A_2647 = tpu.memref_slice %arg3[%dma_wait3A_2645, %dma_wait3A_2646] : memref<1769472x32xf32, #tpu.memory_space<hbm>> -> memref<1769472x32xf32, #tpu.memory_space<hbm>>
      tpu.wait_indirect_dma semaphore(%arg10 : memref<!tpu.dma_semaphore, #tpu.memory_space<semaphore_mem>>) src(%dma_wait3A_2647 : memref<1769472x32xf32, #tpu.memory_space<hbm>>) dst(%dma_wait3A_2641 : memref<128x32xf32, #tpu.memory_space<vmem>>)
      %dma_wait3A_2648 = arith.constant 2 : i32
      %dma_wait3A_2649 = arith.constant 2 : i32
      %dma_wait3A_2650 = arith.constant 2 : i32
      %dma_wait3A_2651 = arith.constant 256 : i32
      %dma_wait3A_2652 = arith.constant 0 : i32
      %dma_wait3A_2653 = tpu.memref_slice %arg7[%dma_wait3A_2650, %dma_wait3A_2651, %dma_wait3A_2652] : memref<4x384x32xf32, #tpu.memory_space<vmem>> -> memref<1x128x32xf32, #tpu.memory_space<vmem>>
      %dma_wait3A_2654 = tpu.memref_squeeze %dma_wait3A_2653 : memref<1x128x32xf32, #tpu.memory_space<vmem>> -> memref<128x32xf32, #tpu.memory_space<vmem>>
      %dma_wait3A_2655 = arith.constant 0 : i32
      %dma_wait3A_2656 = tpu.memref_slice %arg6[%dma_wait3A_2648, %dma_wait3A_2649, %dma_wait3A_2655] : memref<4x3x128xi32, #tpu.memory_space<vmem>> -> memref<1x1x128xi32, #tpu.memory_space<vmem>>
      %dma_wait3A_2657 = tpu.memref_squeeze %dma_wait3A_2656 : memref<1x1x128xi32, #tpu.memory_space<vmem>> -> memref<128xi32, #tpu.memory_space<vmem>>
      %dma_wait3A_2658 = arith.constant 0 : i32
      %dma_wait3A_2659 = arith.constant 0 : i32
      %dma_wait3A_2660 = tpu.memref_slice %arg3[%dma_wait3A_2658, %dma_wait3A_2659] : memref<1769472x32xf32, #tpu.memory_space<hbm>> -> memref<1769472x32xf32, #tpu.memory_space<hbm>>
      tpu.wait_indirect_dma semaphore(%arg10 : memref<!tpu.dma_semaphore, #tpu.memory_space<semaphore_mem>>) src(%dma_wait3A_2660 : memref<1769472x32xf32, #tpu.memory_space<hbm>>) dst(%dma_wait3A_2654 : memref<128x32xf32, #tpu.memory_space<vmem>>)
      %add3A_2661 = arith.addi %mul3A_2, %add3A_87 : i32
      %mul3A_2662 = arith.constant 384 : i32
      %mul3A_2663 = arith.muli %add3A_2661, %mul3A_2662 : i32
      %dma_start3A_2664 = arith.constant 2 : i32
      %dma_start3A_2665 = arith.constant 0 : i32
      %dma_start3A_2666 = arith.constant 0 : i32
      %dma_start3A_2667 = tpu.memref_slice %arg7[%dma_start3A_2664, %dma_start3A_2665, %dma_start3A_2666] : memref<4x384x32xf32, #tpu.memory_space<vmem>> -> memref<1x384x32xf32, #tpu.memory_space<vmem>>
      %dma_start3A_2668 = tpu.memref_squeeze %dma_start3A_2667 : memref<1x384x32xf32, #tpu.memory_space<vmem>> -> memref<384x32xf32, #tpu.memory_space<vmem>>
      %dma_start3A_2669 = arith.constant 0 : i32
      %dma_start3A_2670 = tpu.memref_slice %arg4[%mul3A_2663, %dma_start3A_2669] : memref<1769472x32xf32, #tpu.memory_space<hbm>> -> memref<384x32xf32, #tpu.memory_space<hbm>>
      %dma_start3A_2671 = arith.constant 0 : i32
      %dma_start3A_2672 = tpu.memref_slice %arg4[%mul3A_2663, %dma_start3A_2671] : memref<1769472x32xf32, #tpu.memory_space<hbm>> -> memref<384x32xf32, #tpu.memory_space<hbm>>
      %dma_start3A_2673 = arith.constant 0 : i32
      %dma_start3A_2674 = arith.constant 0 : i32
      %dma_start3A_2675 = tpu.memref_slice %arg7[%dma_start3A_2664, %dma_start3A_2673, %dma_start3A_2674] : memref<4x384x32xf32, #tpu.memory_space<vmem>> -> memref<1x384x32xf32, #tpu.memory_space<vmem>>
      %dma_start3A_2676 = tpu.memref_squeeze %dma_start3A_2675 : memref<1x384x32xf32, #tpu.memory_space<vmem>> -> memref<384x32xf32, #tpu.memory_space<vmem>>
      tpu.enqueue_dma source(%dma_start3A_2676 : memref<384x32xf32, #tpu.memory_space<vmem>>) target(%dma_start3A_2672 : memref<384x32xf32, #tpu.memory_space<hbm>>) target_semaphore(%arg14 : memref<!tpu.dma_semaphore, #tpu.memory_space<semaphore_mem>>)
      %dma_wait3A_2677 = arith.constant 3 : i32
      %dma_wait3A_2678 = arith.constant 0 : i32
      %dma_wait3A_2679 = arith.constant 3 : i32
      %dma_wait3A_2680 = arith.constant 0 : i32
      %dma_wait3A_2681 = arith.constant 0 : i32
      %dma_wait3A_2682 = tpu.memref_slice %arg7[%dma_wait3A_2679, %dma_wait3A_2680, %dma_wait3A_2681] : memref<4x384x32xf32, #tpu.memory_space<vmem>> -> memref<1x128x32xf32, #tpu.memory_space<vmem>>
      %dma_wait3A_2683 = tpu.memref_squeeze %dma_wait3A_2682 : memref<1x128x32xf32, #tpu.memory_space<vmem>> -> memref<128x32xf32, #tpu.memory_space<vmem>>
      %dma_wait3A_2684 = arith.constant 0 : i32
      %dma_wait3A_2685 = tpu.memref_slice %arg6[%dma_wait3A_2677, %dma_wait3A_2678, %dma_wait3A_2684] : memref<4x3x128xi32, #tpu.memory_space<vmem>> -> memref<1x1x128xi32, #tpu.memory_space<vmem>>
      %dma_wait3A_2686 = tpu.memref_squeeze %dma_wait3A_2685 : memref<1x1x128xi32, #tpu.memory_space<vmem>> -> memref<128xi32, #tpu.memory_space<vmem>>
      %dma_wait3A_2687 = arith.constant 0 : i32
      %dma_wait3A_2688 = arith.constant 0 : i32
      %dma_wait3A_2689 = tpu.memref_slice %arg3[%dma_wait3A_2687, %dma_wait3A_2688] : memref<1769472x32xf32, #tpu.memory_space<hbm>> -> memref<1769472x32xf32, #tpu.memory_space<hbm>>
      tpu.wait_indirect_dma semaphore(%arg11 : memref<!tpu.dma_semaphore, #tpu.memory_space<semaphore_mem>>) src(%dma_wait3A_2689 : memref<1769472x32xf32, #tpu.memory_space<hbm>>) dst(%dma_wait3A_2683 : memref<128x32xf32, #tpu.memory_space<vmem>>)
      %dma_wait3A_2690 = arith.constant 3 : i32
      %dma_wait3A_2691 = arith.constant 1 : i32
      %dma_wait3A_2692 = arith.constant 3 : i32
      %dma_wait3A_2693 = arith.constant 128 : i32
      %dma_wait3A_2694 = arith.constant 0 : i32
      %dma_wait3A_2695 = tpu.memref_slice %arg7[%dma_wait3A_2692, %dma_wait3A_2693, %dma_wait3A_2694] : memref<4x384x32xf32, #tpu.memory_space<vmem>> -> memref<1x128x32xf32, #tpu.memory_space<vmem>>
      %dma_wait3A_2696 = tpu.memref_squeeze %dma_wait3A_2695 : memref<1x128x32xf32, #tpu.memory_space<vmem>> -> memref<128x32xf32, #tpu.memory_space<vmem>>
      %dma_wait3A_2697 = arith.constant 0 : i32
      %dma_wait3A_2698 = tpu.memref_slice %arg6[%dma_wait3A_2690, %dma_wait3A_2691, %dma_wait3A_2697] : memref<4x3x128xi32, #tpu.memory_space<vmem>> -> memref<1x1x128xi32, #tpu.memory_space<vmem>>
      %dma_wait3A_2699 = tpu.memref_squeeze %dma_wait3A_2698 : memref<1x1x128xi32, #tpu.memory_space<vmem>> -> memref<128xi32, #tpu.memory_space<vmem>>
      %dma_wait3A_2700 = arith.constant 0 : i32
      %dma_wait3A_2701 = arith.constant 0 : i32
      %dma_wait3A_2702 = tpu.memref_slice %arg3[%dma_wait3A_2700, %dma_wait3A_2701] : memref<1769472x32xf32, #tpu.memory_space<hbm>> -> memref<1769472x32xf32, #tpu.memory_space<hbm>>
      tpu.wait_indirect_dma semaphore(%arg11 : memref<!tpu.dma_semaphore, #tpu.memory_space<semaphore_mem>>) src(%dma_wait3A_2702 : memref<1769472x32xf32, #tpu.memory_space<hbm>>) dst(%dma_wait3A_2696 : memref<128x32xf32, #tpu.memory_space<vmem>>)
      %dma_wait3A_2703 = arith.constant 3 : i32
      %dma_wait3A_2704 = arith.constant 2 : i32
      %dma_wait3A_2705 = arith.constant 3 : i32
      %dma_wait3A_2706 = arith.constant 256 : i32
      %dma_wait3A_2707 = arith.constant 0 : i32
      %dma_wait3A_2708 = tpu.memref_slice %arg7[%dma_wait3A_2705, %dma_wait3A_2706, %dma_wait3A_2707] : memref<4x384x32xf32, #tpu.memory_space<vmem>> -> memref<1x128x32xf32, #tpu.memory_space<vmem>>
      %dma_wait3A_2709 = tpu.memref_squeeze %dma_wait3A_2708 : memref<1x128x32xf32, #tpu.memory_space<vmem>> -> memref<128x32xf32, #tpu.memory_space<vmem>>
      %dma_wait3A_2710 = arith.constant 0 : i32
      %dma_wait3A_2711 = tpu.memref_slice %arg6[%dma_wait3A_2703, %dma_wait3A_2704, %dma_wait3A_2710] : memref<4x3x128xi32, #tpu.memory_space<vmem>> -> memref<1x1x128xi32, #tpu.memory_space<vmem>>
      %dma_wait3A_2712 = tpu.memref_squeeze %dma_wait3A_2711 : memref<1x1x128xi32, #tpu.memory_space<vmem>> -> memref<128xi32, #tpu.memory_space<vmem>>
      %dma_wait3A_2713 = arith.constant 0 : i32
      %dma_wait3A_2714 = arith.constant 0 : i32
      %dma_wait3A_2715 = tpu.memref_slice %arg3[%dma_wait3A_2713, %dma_wait3A_2714] : memref<1769472x32xf32, #tpu.memory_space<hbm>> -> memref<1769472x32xf32, #tpu.memory_space<hbm>>
      tpu.wait_indirect_dma semaphore(%arg11 : memref<!tpu.dma_semaphore, #tpu.memory_space<semaphore_mem>>) src(%dma_wait3A_2715 : memref<1769472x32xf32, #tpu.memory_space<hbm>>) dst(%dma_wait3A_2709 : memref<128x32xf32, #tpu.memory_space<vmem>>)
      %add3A_2716 = arith.addi %mul3A_2, %add3A_91 : i32
      %mul3A_2717 = arith.constant 384 : i32
      %mul3A_2718 = arith.muli %add3A_2716, %mul3A_2717 : i32
      %dma_start3A_2719 = arith.constant 3 : i32
      %dma_start3A_2720 = arith.constant 0 : i32
      %dma_start3A_2721 = arith.constant 0 : i32
      %dma_start3A_2722 = tpu.memref_slice %arg7[%dma_start3A_2719, %dma_start3A_2720, %dma_start3A_2721] : memref<4x384x32xf32, #tpu.memory_space<vmem>> -> memref<1x384x32xf32, #tpu.memory_space<vmem>>
      %dma_start3A_2723 = tpu.memref_squeeze %dma_start3A_2722 : memref<1x384x32xf32, #tpu.memory_space<vmem>> -> memref<384x32xf32, #tpu.memory_space<vmem>>
      %dma_start3A_2724 = arith.constant 0 : i32
      %dma_start3A_2725 = tpu.memref_slice %arg4[%mul3A_2718, %dma_start3A_2724] : memref<1769472x32xf32, #tpu.memory_space<hbm>> -> memref<384x32xf32, #tpu.memory_space<hbm>>
      %dma_start3A_2726 = arith.constant 0 : i32
      %dma_start3A_2727 = tpu.memref_slice %arg4[%mul3A_2718, %dma_start3A_2726] : memref<1769472x32xf32, #tpu.memory_space<hbm>> -> memref<384x32xf32, #tpu.memory_space<hbm>>
      %dma_start3A_2728 = arith.constant 0 : i32
      %dma_start3A_2729 = arith.constant 0 : i32
      %dma_start3A_2730 = tpu.memref_slice %arg7[%dma_start3A_2719, %dma_start3A_2728, %dma_start3A_2729] : memref<4x384x32xf32, #tpu.memory_space<vmem>> -> memref<1x384x32xf32, #tpu.memory_space<vmem>>
      %dma_start3A_2731 = tpu.memref_squeeze %dma_start3A_2730 : memref<1x384x32xf32, #tpu.memory_space<vmem>> -> memref<384x32xf32, #tpu.memory_space<vmem>>
      tpu.enqueue_dma source(%dma_start3A_2731 : memref<384x32xf32, #tpu.memory_space<vmem>>) target(%dma_start3A_2727 : memref<384x32xf32, #tpu.memory_space<hbm>>) target_semaphore(%arg15 : memref<!tpu.dma_semaphore, #tpu.memory_space<semaphore_mem>>)
    }
    %scan3A_7 = arith.constant 36 : i32
    %add3A_8 = arith.constant 140 : i32
    %add3A_9 = arith.addi %mul3A_2, %add3A_8 : i32
    %mul3A_10 = arith.constant 384 : i32
    %mul3A_11 = arith.muli %add3A_9, %mul3A_10 : i32
    %dma_wait3A = arith.constant 0 : i32
    %dma_wait3A_12 = arith.constant 0 : i32
    %dma_wait3A_13 = arith.constant 0 : i32
    %dma_wait3A_14 = tpu.memref_slice %arg7[%dma_wait3A, %dma_wait3A_12, %dma_wait3A_13] : memref<4x384x32xf32, #tpu.memory_space<vmem>> -> memref<1x384x32xf32, #tpu.memory_space<vmem>>
    %dma_wait3A_15 = tpu.memref_squeeze %dma_wait3A_14 : memref<1x384x32xf32, #tpu.memory_space<vmem>> -> memref<384x32xf32, #tpu.memory_space<vmem>>
    %dma_wait3A_16 = arith.constant 0 : i32
    %dma_wait3A_17 = tpu.memref_slice %arg4[%mul3A_11, %dma_wait3A_16] : memref<1769472x32xf32, #tpu.memory_space<hbm>> -> memref<384x32xf32, #tpu.memory_space<hbm>>
    %dma_wait3A_18 = arith.constant 0 : i32
    %dma_wait3A_19 = tpu.memref_slice %arg4[%mul3A_11, %dma_wait3A_18] : memref<1769472x32xf32, #tpu.memory_space<hbm>> -> memref<384x32xf32, #tpu.memory_space<hbm>>
    %dma_wait3A_20 = arith.constant 0 : i32
    %dma_wait3A_21 = arith.constant 0 : i32
    %dma_wait3A_22 = tpu.memref_slice %arg7[%dma_wait3A, %dma_wait3A_20, %dma_wait3A_21] : memref<4x384x32xf32, #tpu.memory_space<vmem>> -> memref<1x384x32xf32, #tpu.memory_space<vmem>>
    %dma_wait3A_23 = tpu.memref_squeeze %dma_wait3A_22 : memref<1x384x32xf32, #tpu.memory_space<vmem>> -> memref<384x32xf32, #tpu.memory_space<vmem>>
    tpu.wait_dma2 semaphore(%arg12 : memref<!tpu.dma_semaphore, #tpu.memory_space<semaphore_mem>>) src(%dma_wait3A_23 : memref<384x32xf32, #tpu.memory_space<vmem>>) dst(%dma_wait3A_19 : memref<384x32xf32, #tpu.memory_space<hbm>>)
    %add3A_24 = arith.constant 141 : i32
    %add3A_25 = arith.addi %mul3A_2, %add3A_24 : i32
    %mul3A_26 = arith.constant 384 : i32
    %mul3A_27 = arith.muli %add3A_25, %mul3A_26 : i32
    %dma_wait3A_28 = arith.constant 1 : i32
    %dma_wait3A_29 = arith.constant 0 : i32
    %dma_wait3A_30 = arith.constant 0 : i32
    %dma_wait3A_31 = tpu.memref_slice %arg7[%dma_wait3A_28, %dma_wait3A_29, %dma_wait3A_30] : memref<4x384x32xf32, #tpu.memory_space<vmem>> -> memref<1x384x32xf32, #tpu.memory_space<vmem>>
    %dma_wait3A_32 = tpu.memref_squeeze %dma_wait3A_31 : memref<1x384x32xf32, #tpu.memory_space<vmem>> -> memref<384x32xf32, #tpu.memory_space<vmem>>
    %dma_wait3A_33 = arith.constant 0 : i32
    %dma_wait3A_34 = tpu.memref_slice %arg4[%mul3A_27, %dma_wait3A_33] : memref<1769472x32xf32, #tpu.memory_space<hbm>> -> memref<384x32xf32, #tpu.memory_space<hbm>>
    %dma_wait3A_35 = arith.constant 0 : i32
    %dma_wait3A_36 = tpu.memref_slice %arg4[%mul3A_27, %dma_wait3A_35] : memref<1769472x32xf32, #tpu.memory_space<hbm>> -> memref<384x32xf32, #tpu.memory_space<hbm>>
    %dma_wait3A_37 = arith.constant 0 : i32
    %dma_wait3A_38 = arith.constant 0 : i32
    %dma_wait3A_39 = tpu.memref_slice %arg7[%dma_wait3A_28, %dma_wait3A_37, %dma_wait3A_38] : memref<4x384x32xf32, #tpu.memory_space<vmem>> -> memref<1x384x32xf32, #tpu.memory_space<vmem>>
    %dma_wait3A_40 = tpu.memref_squeeze %dma_wait3A_39 : memref<1x384x32xf32, #tpu.memory_space<vmem>> -> memref<384x32xf32, #tpu.memory_space<vmem>>
    tpu.wait_dma2 semaphore(%arg13 : memref<!tpu.dma_semaphore, #tpu.memory_space<semaphore_mem>>) src(%dma_wait3A_40 : memref<384x32xf32, #tpu.memory_space<vmem>>) dst(%dma_wait3A_36 : memref<384x32xf32, #tpu.memory_space<hbm>>)
    %add3A_41 = arith.constant 142 : i32
    %add3A_42 = arith.addi %mul3A_2, %add3A_41 : i32
    %mul3A_43 = arith.constant 384 : i32
    %mul3A_44 = arith.muli %add3A_42, %mul3A_43 : i32
    %dma_wait3A_45 = arith.constant 2 : i32
    %dma_wait3A_46 = arith.constant 0 : i32
    %dma_wait3A_47 = arith.constant 0 : i32
    %dma_wait3A_48 = tpu.memref_slice %arg7[%dma_wait3A_45, %dma_wait3A_46, %dma_wait3A_47] : memref<4x384x32xf32, #tpu.memory_space<vmem>> -> memref<1x384x32xf32, #tpu.memory_space<vmem>>
    %dma_wait3A_49 = tpu.memref_squeeze %dma_wait3A_48 : memref<1x384x32xf32, #tpu.memory_space<vmem>> -> memref<384x32xf32, #tpu.memory_space<vmem>>
    %dma_wait3A_50 = arith.constant 0 : i32
    %dma_wait3A_51 = tpu.memref_slice %arg4[%mul3A_44, %dma_wait3A_50] : memref<1769472x32xf32, #tpu.memory_space<hbm>> -> memref<384x32xf32, #tpu.memory_space<hbm>>
    %dma_wait3A_52 = arith.constant 0 : i32
    %dma_wait3A_53 = tpu.memref_slice %arg4[%mul3A_44, %dma_wait3A_52] : memref<1769472x32xf32, #tpu.memory_space<hbm>> -> memref<384x32xf32, #tpu.memory_space<hbm>>
    %dma_wait3A_54 = arith.constant 0 : i32
    %dma_wait3A_55 = arith.constant 0 : i32
    %dma_wait3A_56 = tpu.memref_slice %arg7[%dma_wait3A_45, %dma_wait3A_54, %dma_wait3A_55] : memref<4x384x32xf32, #tpu.memory_space<vmem>> -> memref<1x384x32xf32, #tpu.memory_space<vmem>>
    %dma_wait3A_57 = tpu.memref_squeeze %dma_wait3A_56 : memref<1x384x32xf32, #tpu.memory_space<vmem>> -> memref<384x32xf32, #tpu.memory_space<vmem>>
    tpu.wait_dma2 semaphore(%arg14 : memref<!tpu.dma_semaphore, #tpu.memory_space<semaphore_mem>>) src(%dma_wait3A_57 : memref<384x32xf32, #tpu.memory_space<vmem>>) dst(%dma_wait3A_53 : memref<384x32xf32, #tpu.memory_space<hbm>>)
    %add3A_58 = arith.constant 143 : i32
    %add3A_59 = arith.addi %mul3A_2, %add3A_58 : i32
    %mul3A_60 = arith.constant 384 : i32
    %mul3A_61 = arith.muli %add3A_59, %mul3A_60 : i32
    %dma_wait3A_62 = arith.constant 3 : i32
    %dma_wait3A_63 = arith.constant 0 : i32
    %dma_wait3A_64 = arith.constant 0 : i32
    %dma_wait3A_65 = tpu.memref_slice %arg7[%dma_wait3A_62, %dma_wait3A_63, %dma_wait3A_64] : memref<4x384x32xf32, #tpu.memory_space<vmem>> -> memref<1x384x32xf32, #tpu.memory_space<vmem>>
    %dma_wait3A_66 = tpu.memref_squeeze %dma_wait3A_65 : memref<1x384x32xf32, #tpu.memory_space<vmem>> -> memref<384x32xf32, #tpu.memory_space<vmem>>
    %dma_wait3A_67 = arith.constant 0 : i32
    %dma_wait3A_68 = tpu.memref_slice %arg4[%mul3A_61, %dma_wait3A_67] : memref<1769472x32xf32, #tpu.memory_space<hbm>> -> memref<384x32xf32, #tpu.memory_space<hbm>>
    %dma_wait3A_69 = arith.constant 0 : i32
    %dma_wait3A_70 = tpu.memref_slice %arg4[%mul3A_61, %dma_wait3A_69] : memref<1769472x32xf32, #tpu.memory_space<hbm>> -> memref<384x32xf32, #tpu.memory_space<hbm>>
    %dma_wait3A_71 = arith.constant 0 : i32
    %dma_wait3A_72 = arith.constant 0 : i32
    %dma_wait3A_73 = tpu.memref_slice %arg7[%dma_wait3A_62, %dma_wait3A_71, %dma_wait3A_72] : memref<4x384x32xf32, #tpu.memory_space<vmem>> -> memref<1x384x32xf32, #tpu.memory_space<vmem>>
    %dma_wait3A_74 = tpu.memref_squeeze %dma_wait3A_73 : memref<1x384x32xf32, #tpu.memory_space<vmem>> -> memref<384x32xf32, #tpu.memory_space<vmem>>
    tpu.wait_dma2 semaphore(%arg15 : memref<!tpu.dma_semaphore, #tpu.memory_space<semaphore_mem>>) src(%dma_wait3A_74 : memref<384x32xf32, #tpu.memory_space<vmem>>) dst(%dma_wait3A_70 : memref<384x32xf32, #tpu.memory_space<hbm>>)
    return
  }
}

</mosaic_0001>

<sc_bundles>
// kernel: kernel.3.cloned.1.call-start
scs
__scs_entry_jumppad:
0x0: {  	(pc) =	sbr.rel $0x88, $3  }
0x1: {  	(tag) =	ssettag $0x0;
	lr =	simm.s32 $0x1  }
0x2: {  	[smem:$0x3FA0] =	sst lr;
	_ =	strace $0xD0000000  }
0x3: {  	_ = 	snop  }
0x4: {  	_ = 	snop  }
0x5: {  	_ = 	snop  }
0x6: {  	_ = 	snop  }
0x7: {  	_ = 	snop  }
__scs_overlays_trampoline_lowered:
0x8: {  	[smem:$0x3FAF] =	sst s0  }
0x9: {  	[smem:$0x3FB0] =	sst s1  }
0xa: {  	[smem:$0x3FB1] =	sst s2  }
0xb: {  	[smem:$0x3FB2] =	sst s3  }
0xc: {  	[smem:$0x3FB3] =	sst s4  }
0xd: {  	[smem:$0x3FB4] =	sst s5  }
0xe: {  	[smem:$0x3FB5] =	sst s6  }
0xf: {  	[smem:$0x3FB6] =	sst s7  }
0x10: {  	[smem:$0x3FB7] =	sst s8  }
0x11: {  	[smem:$0x3FB8] =	sst s9;
	s0 =	simm.s32 @!p0 $0x0  }
0x12: {  	s1 =	sld [smem:$0x3F9E];
	s0 =	simm.s32 @p0 $0x1  }
0x13: {  	[smem:$0x3FB9] =	sst s0;
	s0 =	simm.s32 @!p1 $0x0  }
0x14: {  	s2 =	sld [smem:$0x3F9D];
	s0 =	simm.s32 @p1 $0x1  }
0x15: {  	[smem:$0x3FBA] =	sst s0;
	s0 =	simm.s32 @!p2 $0x0  }
0x16: {  	s3 =	sld [smem:$0x3FDB];
	s0 =	simm.s32 @p2 $0x1  }
0x17: {  	s4 =	simm.s32 $0x1BF5;
	[smem:$0x3FBC] =	sst s0  }
0x18: {  	s0 =	sld [smem:$0x3F9F];
	_ =	swait.ge [sflag:s4], $0x0  }
0x19: {  	s7 =	sld [smem:$0x3FA0]  }
0x1a: {  	s8 =	sadd.s32 $0xFFFFE003, lr  }
0x1b: {  	s9 =	sadd.s32 $0xFFFFFEF7, lr;
	s5 =	simm.s32 $0xFFFFFFFF;
	p2 =	slt.u32 s8, $0xFFFFF086  }
0x1c: {  	p1 =	slt.u32 s9, $0xF7A;
	s5 =	simm.s32 @!p2 $0x0  }
0x1d: {  	s5 =	simm.s32 @p1 $0x1;
	p0 =	seq.s32 s7, s2  }
0x1e: {  	s7 =	smul.u32 @!p0 $0xF7A, s2;
	p2 =	seq.s32 @!p0 s5, $0x0  }
0x1f: {  	s9 =	smul.u32 $0xF7A, s1;
	s8 =	simm.s32 @!p0 $0x1BF5;
	p2 =	por !p2, p0  }
0x20: {  	[sflag:s8] =	ssyncset.s32 @!p0 $0xFFFFF086;
	s6 =	sadd.s32 @!p0 s3, s7;
	s7 =	simm.s32 @!p0 $0x108  }
0x21: {  	s3 =	sadd.s32 s3, s9;
	s6 =	sadd.s32 @!p0 $0x88, s6;
	s7 =	simm.s32 @p2 $0x1082  }
0x22: {  	[simem:s7], [sflag:s8] =	dma.local @!p0 [hbm:s6], $0xF7A  }
0x23: {  	s9 =	sor.u32 $0xD0000000, s2;
	s6 =	simm.s32 $0x108;
	_ =	swait.ge @!p0 [sflag:s8], $0x0  }
0x24: {  	s3 =	sadd.s32 $0x88, s3;
	s6 =	simm.s32 @!p1 $0x1082;
	[sflag:s4] =	ssyncset.s32 $0xFFFFF086  }
0x25: {  	[simem:s6], [sflag:s4] =	dma.local [hbm:s3], $0xF7A  }
0x26: {  	[smem:$0x3FA0] =	sst s1;
	(tag) =	ssettag s2;
	_ =	strace s9  }
0x27: {  	s1 =	sld [smem:$0x3FB0]  }
0x28: {  	s2 =	sld [smem:$0x3FB1]  }
0x29: {  	s4 =	sld [smem:$0x3FB3]  }
0x2a: {  	p0 =	seq.s32 s5, $0x0;
	s5 =	sld [smem:$0x3FB4]  }
0x2b: {  	s6 =	sld [smem:$0x3FB5]  }
0x2c: {  	s7 =	sld [smem:$0x3FB6]  }
0x2d: {  	s3 =	simm.s32 $0x108;
	s8 =	sld [smem:$0x3FB7]  }
0x2e: {  	s3 =	simm.s32 @!p0 $0x1082;
	s9 =	sld [smem:$0x3FB8]  }
0x2f: {  	lr =	sadd.s32 s0, s3;
	s0 =	sld [smem:$0x3FAF]  }
0x30: {  	s3 =	sld [smem:$0x3FB2]  }
0x31: {  	[smem:$0x3FBB] =	sst s10  }
0x32: {  	s10 =	sld [smem:$0x3FB9];
	_ =	sdelay $0x3  }
0x33: {  	p0 =	seq.s32 s10, $0x1;
	s10 =	sld [smem:$0x3FBB];
	_ =	sdelay $0x3  }
0x34: {  	[smem:$0x3FBB] =	sst s10  }
0x35: {  	s10 =	sld [smem:$0x3FBA];
	_ =	sdelay $0x3  }
0x36: {  	p1 =	seq.s32 s10, $0x1;
	s10 =	sld [smem:$0x3FBB];
	_ =	sdelay $0x3  }
0x37: {  	[smem:$0x3FBB] =	sst s10  }
0x38: {  	s10 =	sld [smem:$0x3FBC]  }
0x39: {  	_ = 	snop;
	(pc) =	sbr.ind lr, $3  }
0x3a: {  	_ = 	snop  }
0x3b: {  	_ = 	snop  }
0x3c: {  	p2 =	seq.s32 s10, $0x1;
	s10 =	sld [smem:$0x3FBB]  }
0x3d: {  	_ =	shalt  }
0x3e: {  	_ =	shalt  }
0x3f: {  	_ =	shalt  }
0x40: {  	_ =	shalt  }
0x41: {  	_ =	shalt  }
0x42: {  	_ =	shalt  }
0x43: {  	_ =	shalt  }
0x44: {  	_ =	shalt  }
0x45: {  	_ =	shalt  }
0x46: {  	_ =	shalt  }
0x47: {  	_ =	shalt  }
0x48: {  	_ =	shalt  }
0x49: {  	_ =	shalt  }
0x4a: {  	_ =	shalt  }
0x4b: {  	_ =	shalt  }
0x4c: {  	_ =	shalt  }
0x4d: {  	_ =	shalt  }
0x4e: {  	_ =	shalt  }
0x4f: {  	_ =	shalt  }
0x50: {  	_ =	shalt  }
0x51: {  	_ =	shalt  }
0x52: {  	_ =	shalt  }
0x53: {  	_ =	shalt  }
0x54: {  	_ =	shalt  }
0x55: {  	_ =	shalt  }
0x56: {  	_ =	shalt  }
0x57: {  	_ =	shalt  }
0x58: {  	_ =	shalt  }
0x59: {  	_ =	shalt  }
0x5a: {  	_ =	shalt  }
0x5b: {  	_ =	shalt  }
0x5c: {  	_ =	shalt  }
0x5d: {  	_ =	shalt  }
0x5e: {  	_ =	shalt  }
0x5f: {  	_ =	shalt  }
0x60: {  	_ =	shalt  }
0x61: {  	_ =	shalt  }
0x62: {  	_ =	shalt  }
0x63: {  	_ =	shalt  }
0x64: {  	_ =	shalt  }
0x65: {  	_ =	shalt  }
0x66: {  	_ =	shalt  }
0x67: {  	_ =	shalt  }
0x68: {  	_ =	shalt  }
0x69: {  	_ =	shalt  }
0x6a: {  	_ =	shalt  }
0x6b: {  	_ =	shalt  }
0x6c: {  	_ =	shalt  }
0x6d: {  	_ =	shalt  }
0x6e: {  	_ =	shalt  }
0x6f: {  	_ =	shalt  }
0x70: {  	_ =	shalt  }
0x71: {  	_ =	shalt  }
0x72: {  	_ =	shalt  }
0x73: {  	_ =	shalt  }
0x74: {  	_ =	shalt  }
0x75: {  	_ =	shalt  }
0x76: {  	_ =	shalt  }
0x77: {  	_ =	shalt  }
0x78: {  	_ =	shalt  }
0x79: {  	_ =	shalt  }
0x7a: {  	_ =	shalt  }
0x7b: {  	_ =	shalt  }
0x7c: {  	_ =	shalt  }
0x7d: {  	_ =	shalt  }
0x7e: {  	_ =	shalt  }
0x7f: {  	_ =	shalt  }
0x80: {  	_ =	shalt  }
0x81: {  	_ =	shalt  }
0x82: {  	_ =	shalt  }
0x83: {  	_ =	shalt  }
0x84: {  	_ =	shalt  }
0x85: {  	_ =	shalt  }
0x86: {  	_ =	shalt  }
0x87: {  	_ =	shalt  }
.Lfunc_end0:
.L_simem_size_0:
called_computation_lowered:
.L_overlay_start_0:
0x88: {  	s2 =	sld [smem:$0x3FD9]  }
0x89: {  	s3 =	sld [smem:$0x3FFE];
	_ =	sdelay $0x1  }
0x8a: {  	s1 =	srdreg.scid  }
0x8b: {  	s0 =	sand.u32 $0x1, s1  }
0x8c: {  	s17 =	sshll.u32 s0, $0xA;
	s2 =	sadd.s32 s3, s2  }
0x8d: {  	s2 =	sadd.s32 s2, s17  }
0x8e: {  	[smem:$0x3FC7] =	sst s2  }
0x8f: {  	_ = 	snop  }
0x90: {  	s2 =	sld [smem:$0x3FD0];
	(tm) =	ssettm $0x1  }
0x91: {  	s18 =	sld [smem:$0x3FFB];
	_ =	sdelay $0x3  }
0x92: {  	_ =	strace s18  }
0x93: {  	s3 =	sld [smem:$0x3FFC];
	_ =	sdelay $0x3  }
0x94: {  	_ =	strace s3  }
0x95: {  	s3 =	sld [smem:$0x3FFD];
	_ =	sdelay $0x3  }
0x96: {  	_ =	strace s3  }
0x97: {  	_ =	strace $0x8FFFFFFF  }
0x98: {  	s19 =	sld [smem:$0x3FDB];
	_ =	sdelay $0x1  }
0x99: {  	s4 =	simm.s32 $_scs_section_size  }
0x9a: {  	s5 =	simm.s32 $_size__tile_overlayer_lowered;
	s6 =	simm.s32 $_tile_overlayer_lowered  }
0x9b: {  	s22 =	simm.s32 $0x1BFF;
	s21 =	sshll.u32 s6, $0x1;
	s3 =	sadd.s32 s4, s19  }
0x9c: {  	s7 =	simm.s32 $0x0;
	s20 =	sshll.u32 s5, $0x1;
	s5 =	sadd.s32 s21, s3  }
0x9d: {  	[timem:s7], [sflag:s22] =	dma.local [hbm:s5], s20  }
0x9e: {  	_ =	swait.ge [sflag:s22], s20  }
0x9f: {  	s4 =	ssub.s32 $0x0, s20;
	[sflag:s22] =	ssyncset.done $0x0  }
0xa0: {  	[sflag:s22] =	ssyncadd.s32 s4;
	_ =	sdelay $0x1  }
0xa1: {  	s23 =	simm.s32 $0x1B8B  }
0xa2: {  	_ =	swait.ge [sflag:s23], $0x1  }
0xa3: {  	[sflag:s23] =	ssyncset.done $0x0  }
0xa4: {  	s25 =	simm.s32 $0x1B8E;
	s24 =	sld [smem:$0x3FFE];
	[sflag:s23] =	ssyncadd.s32 $0xFFFFFFFF  }
0xa5: {  	s26 =	simm.s32 $execute0_lowered;
	[smem:$0x3FD2] =	sst s25  }
0xa6: {  	s5 =	sshll.u32 s26, $0x1;
	_ =	strace $0x80000046;
	[dreg:$0x1] =	wrdreg $0xFFFFFFFF  }
0xa7: {  	s28 =	simm.s32 $_size_execute0_lowered;
	s3 =	sadd.s32 s3, s5;
	[dreg:$0x0] =	wrdreg $0x0  }
0xa8: {  	s5 =	sshll.u32 s28, $0x1;
	[dreg:$0x2] =	wrdreg s3  }
0xa9: {  	[dreg:$0x3] =	wrdreg s5  }
0xaa: {  	[dreg:$0x4] =	wrdreg $0xC0  }
0xab: {  	_ =	task [dreg:s7], $0x5FFFF  }
0xac: {  	[dreg:$0x1] =	wrdreg $0xFFFFFFFF  }
0xad: {  	[dreg:$0x0] =	wrdreg $0x60  }
0xae: {  	[dreg:$0x2] =	wrdreg s24  }
0xaf: {  	[dreg:$0x3] =	wrdreg s2  }
0xb0: {  	[dreg:$0x4] =	wrdreg $0x9  }
0xb1: {  	_ =	task.clear_ibuf [dreg:s7], $0x5FFFF;
	_ =	strace $0x90000046  }
0xb2: {  	s29 =	simm.s32 $0x9;
	_ =	strace $0x80000048  }
0xb3: {  	_ =	swait.ge [sflag:s29], $0x1  }
0xb4: {  	[sflag:s29] =	ssyncadd.s32 $0xFFFFFFFF  }
0xb5: {  	_ =	strace $0x90000048  }
0xb6: {  	_ =	sfence  }
0xb7: {  	s30 =	sld [smem:$0x0];
	_ =	sdelay $0x2  }
0xb8: {  	s31 =	sshll.u32 s1, $0xD;
	s1 =	sshrl.u32 s1, $0x2  }
0xb9: {  	s3 =	sand.u32 $0x4000, s31;
	s1 =	sadd.s32 s1, s30  }
0xba: {  	s0 =	sor.u32 s3, s0;
	s1 =	sshll.u32 s1, $0x11  }
0xbb: {  	s0 =	sor.u32 s1, s0  }
0xbc: {  	s0 =	sadd.s32 $0x8F2B, s0  }
0xbd: {  	[sflag:s0] =	ssyncadd.remote.s32 $0x1  }
0xbe: {  	_ =	sfence.sel $0xFFFF  }
0xbf: {  	[dreg:$0x0] =	wrdreg $0xFFFFFFFF;
	(pc) =	sbr.abs _section_cstart, $3  }
0xc0: {  	[dreg:$0x1] =	wrdreg $0xFFFFFFFF  }
0xc1: {  	_ =	task.clear_ibuf [dreg:s7], $0x2FFFF;
	_ =	strace $0x9FFFFFFF  }
0xc2: {  	(tm) =	ssettm $0x7FFFFFFF  }
0xc3: {  	_ =	shalt  }
tec
execute0_lowered:
.L_overlay_start_1:
0x0: {  	(tag) =	ssettag $0x1  }
0x1: {  	s6 =	rddreg [dreg:$0x0]  }
0x2: {  	s3 =	rddreg [dreg:$0x1];
	s4 =	simm.s32 $0x0  }
0x3: {  	s9 =	simm.s32 $0x250;
	[smem:$0x7FF] =	sst s4  }
0x4: {  	s11 =	simm.s32 $0x2D0;
	_ =	strace $0x80000047;
	[dreg:$0x4] =	wrdreg s9  }
0x5: {  	s12 =	simm.s32 $0x1850;
	[dreg:$0x5] =	wrdreg s11  }
0x6: {  	s13 =	simm.s32 $0x350;
	[dreg:$0x6] =	wrdreg s12  }
0x7: {  	s14 =	simm.s32 $0x2850;
	[dreg:$0x7] =	wrdreg s13  }
0x8: {  	s15 =	simm.s32 $0x3D0;
	[dreg:$0x8] =	wrdreg s14  }
0x9: {  	s16 =	simm.s32 $0x450;
	[dreg:$0x9] =	wrdreg s15  }
0xa: {  	s2 =	stileid.u32;
	s18 =	simm.s32 $0x4850;
	[dreg:$0xa] =	wrdreg s16  }
0xb: {  	s0 =	srdreg.scid;
	s19 =	simm.s32 $0x4D0;
	[dreg:$0xb] =	wrdreg s18  }
0xc: {  	s20 =	simm.s32 $0x5850;
	s21 =	simm.s32 $0x550;
	[dreg:$0xc] =	wrdreg s19  }
0xd: {  	v0 =	vimm.s32 $0x76543210;
	v1 =	vimm.s32 $0x3210BA98;
	s22 =	simm.s32 $0x5D0;
	s23 =	simm.s32 $0x7850;
	[dreg:$0xd] =	wrdreg s20  }
0xe: {  	v2 =	vimm.s32 $0xBA987654;
	vm0 =	vcmask $0x2F00;
	s24 =	simm.s32 $0x650;
	s25 =	simm.s32 $0x8850;
	[dreg:$0xe] =	wrdreg s21  }
0xf: {  	v6 =	vimm.s32 $0x24;
	vm1 =	vcmask $0xF00;
	v7 =	vimm.s32 $0x3C;
	s26 =	simm.s32 $0x6D0;
	s28 =	simm.s32 $0x750;
	[dreg:$0xf] =	wrdreg s22  }
0x10: {  	v8 =	vimm.s32 $0x54;
	v9 =	vimm.s32 $0x6C;
	v11 =	vimm.s32 $0x84;
	s29 =	simm.s32 $0xA850;
	s30 =	simm.s32 $0x7D0;
	[dreg:$0x10] =	wrdreg s23  }
0x11: {  	v12 =	vimm.s32 $0x9C;
	v14 =	vimm.s32 $0xB4;
	v15 =	vimm.s32 $0xCC;
	s31 =	simm.s32 $0xB850;
	s1 =	smul.u32 $0x6C000, s2;
	[dreg:$0x11] =	wrdreg s24  }
0x12: {  	v17 =	vimm.s32 $0xE4;
	v18 =	vimm.s32 $0xFC;
	v20 =	vimm.s32 $0x114;
	s0 =	sand.u32 $0x1, s0;
	s10 =	smul.u32 $0x120, s2;
	[dreg:$0x12] =	wrdreg s25  }
0x13: {  	v21 =	vimm.s32 $0x12C;
	v23 =	vimm.s32 $0x15C;
	v24 =	vimm.s32 $0x144;
	s5 =	smul.u32 $0x36000, s0;
	s7 =	ssub.s32 $0x2, s0;
	[dreg:$0x13] =	wrdreg s26  }
0x14: {  	v26 =	vimm.s32 $0x174;
	v0 =	vunpack.c.l.s4.s8 v0;
	v1 =	vunpack.c.l.s4.s8 v1;
	s11 =	simm.s32 $0x9;
	s12 =	simm.s32 $0x80;
	[dreg:$0x14] =	wrdreg s28  }
0x15: {  	v2 =	vunpack.c.l.s4.s8 v2;
	v8 =	vsel vm1, $0x48, v8;
	v9 =	vsel vm0, $0x60, v9;
	s13 =	simm.s32 $0x850;
	s14 =	simm.s32 $0x3850;
	[dreg:$0x15] =	wrdreg s29  }
0x16: {  	v11 =	vsel vm1, $0x78, v11;
	v12 =	vsel vm0, $0x90, v12;
	v14 =	vsel vm1, $0xA8, v14;
	s15 =	simm.s32 $0x6850;
	s16 =	simm.s32 $0x1;
	[dreg:$0x16] =	wrdreg s30  }
0x17: {  	v15 =	vsel vm0, $0xC0, v15;
	v17 =	vsel vm1, $0xD8, v17;
	v18 =	vsel vm0, $0xF0, v18;
	[dreg:$0x17] =	wrdreg s31;
	s18 =	simm.s32 $0x2;
	s19 =	simm.s32 $0x3  }
0x18: {  	v20 =	vsel vm1, $0x108, v20;
	v21 =	vsel vm0, $0x120, v21;
	v23 =	vsel vm0, $0x150, v23;
	s20 =	simm.s32 $0x4;
	s1 =	sadd.s32 s1, s6;
	s8 =	sshrl.u32 s7, $0x1  }
0x19: {  	v3 =	vunpack.c.0.s8.s32 v0;
	v4 =	vunpack.c.0.s8.s32 v1;
	v0 =	vlaneseq.u32;
	s1 =	sadd.s32 s5, s1;
	s5 =	ssub.s32 s7, s8;
	s7 =	smul.u32 $0x90, s0  }
0x1a: {  	v24 =	vsel vm1, $0x138, v24;
	s21 =	simm.s32 $0x5;
	s22 =	simm.s32 $0x6;
	v5 =	vunpack.c.0.s8.s32 v2;
	s8 =	smul.u32 $0x3600, s2;
	v1 =	vshrl.u32 v0, $0x3  }
0x1b: {  	v26 =	vsel vm1, $0x168, v26;
	s23 =	simm.s32 $0x7;
	s24 =	simm.s32 $0x8;
	s0 =	smul.u32 $0x1B00, s0;
	v0 =	vcombine.low v3, v4;
	v25 =	vmul.u32 $0xC, v1  }
0x1c: {  	s25 =	simm.s32 $0x0;
	s1 =	sadd.s32 $0x200, s1;
	s5 =	smax.u32 s5, $0x1;
	v1 =	vimm.s32 $0xC;
	v2 =	vand.u32 $0xF, v5;
	v4 =	vcombine.low v4, v5  }
0x1d: {  	v5 =	vsel vm1, $0x18, v6;
	v6 =	vsel vm0, $0x30, v7;
	[dreg:$0x3] =	wrdreg s1;
	s6 =	sadd.s32 s7, s10;
	s0 =	sadd.s32 s0, s8;
	v1 =	vsel vm0, $0x0, v1  }
0x1e: {  	[dreg:$0x18] =	wrdreg s5;
	v2 =	vcombine.low v2, v3;
	s17 =	sor.u32 $0x3, s6;
	s0 =	sor.u32 $0x90, s0;
	v3 =	vadd.s32 $0xC, v25;
	v7 =	vadd.s32 $0x3C, v25  }
0x1f: {  	s9 =	sor.u32 $0x2, s6;
	v10 =	vadd.s32 $0x6C, v25;
	v13 =	vadd.s32 $0x9C, v25;
	v16 =	vadd.s32 $0xCC, v25;
	[dreg:$0x19] =	wrdreg s17;
	s0 =	sshrl.u32 s0, $0x2  }
0x20: {  	s10 =	sor.u32 $0x1, s6;
	v19 =	vadd.s32 $0xFC, v25;
	v22 =	vadd.s32 $0x12C, v25;
	v25 =	vadd.s32 $0x15C, v25;
	s17 =	simm.s32 $0x9850;
	[dreg:$0x1a] =	wrdreg s0  }
.LBB2_1:
0x21: {  	s0 =	rddreg [dreg:$0x0]  }
0x22: {  	[tilespmem:s4], [sflag:$0x9] =	stream.linear.gather [hbm4b:s0+s4], $0x250, $0x38;
	[tilespmem:$0xC850] =	vst v63  }
0x23: {  	s26 =	smov.u32 s6;
	s28 =	smov.u32 s10;
	_ =	swait.ge [sflag:s11], $0x250  }
0x24: {  	s29 =	smov.u32 s9;
	[sflag:s11] =	ssyncset.done $0x0;
	s30 =	rddreg [dreg:$0x1a]  }
0x25: {  	s1 =	simm.s32 $0x0;
	s31 =	rddreg [dreg:$0x19];
	[sflag:s11] =	ssyncadd.s32 $0xFFFFFDB0  }
.LBB2_2:
0x26: {  	s0 =	smulhi.u32 $0xAAAAAAAB, s26  }
0x27: {  	s2 =	smulhi.u32 $0x38E38E39, s26  }
0x28: {  	s0 =	sshrl.u32 s0, $0x3  }
0x29: {  	s2 =	sshrl.u32 s2, $0x8;
	s0 =	smul.u32 $0xFFFFFDC0, s0  }
0x2a: {  	p0 =	seq.s32 s1, $0x0;
	s2 =	smul.u32 $0x240, s2  }
0x2b: {  	s5 =	simm.s32 @!p0 $0x5  }
0x2c: {  	_ =	swait.ge @!p0 [sflag:s5], $0x3000;
	s0 =	sadd.s32 s2, s0  }
0x2d: {  	[sflag:s5] =	ssyncset.done @!p0 $0x0;
	s0 =	sshra.s32 s0, $0x2  }
0x2e: {  	[sflag:s5] =	ssyncadd.s32 @!p0 $0xFFFFD000;
	s0 =	sadd.s32 s0, s30  }
0x2f: {  	v27 =	vld [tilespmem:s0+$0xFFFFFFDC]  }
0x30: {  	s8 =	sadd.s32 $0xFFFFFFFD, s31  }
0x31: {  	s0 =	smulhi.u32 $0xAAAAAAAB, s8;
	_ =	sdelay $0x1  }
0x32: {  	s0 =	sshrl.u32 s0, $0x3  }
0x33: {  	s0 =	smul.u32 $0x1200, s0;
	v28 =	vperm.xlane v27, v0  }
0x34: {  	v29 =	vperm.xlane v27, v2  }
0x35: {  	v27 =	vperm.xlane v27, v4;
	v28 =	vadd.s32 s0, v28  }
0x36: {  	v29 =	vadd.s32 s0, v29;
	v30 =	vadd.s32 v1, v28  }
0x37: {  	v27 =	vadd.s32 s0, v27;
	v33 =	vadd.s32 v3, v29;
	[tilespmem:$0x250] =	vst v30  }
0x38: {  	v34 =	vadd.s32 v5, v27;
	[tilespmem:$0x260] =	vst v33  }
0x39: {  	v35 =	vadd.s32 v6, v28;
	[tilespmem:$0x270] =	vst v34  }
0x3a: {  	v36 =	vadd.s32 v7, v29;
	[tilespmem:$0x280] =	vst v35  }
0x3b: {  	v37 =	vadd.s32 v8, v27;
	[tilespmem:$0x290] =	vst v36  }
0x3c: {  	v38 =	vadd.s32 v9, v28;
	[tilespmem:$0x2A0] =	vst v37  }
0x3d: {  	v39 =	vadd.s32 v10, v29;
	[tilespmem:$0x2B0] =	vst v38  }
0x3e: {  	v40 =	vadd.s32 v11, v27;
	[tilespmem:$0x2C0] =	vst v39  }
0x3f: {  	v41 =	vadd.s32 v12, v28;
	[tilespmem:$0x2D0] =	vst v40  }
0x40: {  	v42 =	vadd.s32 v13, v29;
	[tilespmem:$0x2E0] =	vst v41  }
0x41: {  	v43 =	vadd.s32 v14, v27;
	[tilespmem:$0x2F0] =	vst v42  }
0x42: {  	v44 =	vadd.s32 v15, v28;
	[tilespmem:$0x300] =	vst v43  }
0x43: {  	v45 =	vadd.s32 v16, v29;
	[tilespmem:$0x310] =	vst v44  }
0x44: {  	v46 =	vadd.s32 v17, v27;
	[tilespmem:$0x320] =	vst v45  }
0x45: {  	v47 =	vadd.s32 v18, v28;
	[tilespmem:$0x330] =	vst v46  }
0x46: {  	v48 =	vadd.s32 v19, v29;
	[tilespmem:$0x340] =	vst v47  }
0x47: {  	v49 =	vadd.s32 v20, v27;
	[tilespmem:$0x350] =	vst v48  }
0x48: {  	v50 =	vadd.s32 v21, v28;
	[tilespmem:$0x360] =	vst v49  }
0x49: {  	v51 =	vadd.s32 v22, v29;
	[tilespmem:$0x370] =	vst v50  }
0x4a: {  	v52 =	vadd.s32 v24, v27;
	[tilespmem:$0x380] =	vst v51  }
0x4b: {  	v28 =	vadd.s32 v23, v28;
	[tilespmem:$0x390] =	vst v52  }
0x4c: {  	v53 =	vadd.s32 v25, v29;
	[tilespmem:$0x3A0] =	vst v28  }
0x4d: {  	s5 =	rddreg [dreg:$0x5];
	v27 =	vadd.s32 v26, v27;
	[tilespmem:$0x3B0] =	vst v53  }
0x4e: {  	s2 =	rddreg [dreg:$0x4];
	[tilespmem:$0x3C0] =	vst v27  }
0x4f: {  	[tilespmem:s13], [sflag:$0x1] =	stream.indirect.gather [hbm4b:s3+s12], $0x20, s2, s12, $0xb8;
	[tilespmem:$0xC850] =	vst v63  }
0x50: {  	s7 =	smulhi.u32 $0xAAAAAAAB, s28;
	s8 =	rddreg [dreg:$0x6]  }
0x51: {  	[tilespmem:s8], [sflag:$0x1] =	stream.indirect.gather [hbm4b:s3+s12], $0x20, s5, s12, $0xb8;
	[tilespmem:$0xC850] =	vst v63  }
0x52: {  	s5 =	smulhi.u32 $0x38E38E39, s28  }
0x53: {  	s0 =	sshrl.u32 s7, $0x3;
	s7 =	rddreg [dreg:$0x8]  }
0x54: {  	s0 =	smul.u32 $0xFFFFFDC0, s0;
	s8 =	rddreg [dreg:$0x7];
	s2 =	sshrl.u32 s5, $0x8  }
0x55: {  	[tilespmem:s7], [sflag:$0x1] =	stream.indirect.gather [hbm4b:s3+s12], $0x20, s8, s12, $0xb8;
	[tilespmem:$0xC850] =	vst v63  }
0x56: {  	s2 =	smul.u32 $0x240, s2  }
0x57: {  	s5 =	simm.s32 @!p0 $0x6  }
0x58: {  	_ =	swait.ge @!p0 [sflag:s5], $0x3000;
	s0 =	sadd.s32 s2, s0  }
0x59: {  	[sflag:s5] =	ssyncset.done @!p0 $0x0;
	s0 =	sshra.s32 s0, $0x2  }
0x5a: {  	[sflag:s5] =	ssyncadd.s32 @!p0 $0xFFFFD000;
	s0 =	sadd.s32 s0, s30  }
0x5b: {  	v27 =	vld [tilespmem:s0+$0xFFFFFFE8]  }
0x5c: {  	s8 =	sadd.s32 $0xFFFFFFFE, s31  }
0x5d: {  	s0 =	smulhi.u32 $0xAAAAAAAB, s8;
	_ =	sdelay $0x1  }
0x5e: {  	s0 =	sshrl.u32 s0, $0x3  }
0x5f: {  	s0 =	smul.u32 $0x1200, s0;
	v54 =	vperm.xlane v27, v0  }
0x60: {  	v55 =	vperm.xlane v27, v2  }
0x61: {  	v27 =	vperm.xlane v27, v4;
	v28 =	vadd.s32 s0, v54  }
0x62: {  	v29 =	vadd.s32 s0, v55;
	v56 =	vadd.s32 v1, v28  }
0x63: {  	v27 =	vadd.s32 s0, v27;
	v57 =	vadd.s32 v3, v29;
	[tilespmem:$0x3D0] =	vst v56  }
0x64: {  	v58 =	vadd.s32 v5, v27;
	[tilespmem:$0x3E0] =	vst v57  }
0x65: {  	v59 =	vadd.s32 v6, v28;
	[tilespmem:$0x3F0] =	vst v58  }
0x66: {  	v60 =	vadd.s32 v7, v29;
	[tilespmem:$0x400] =	vst v59  }
0x67: {  	v61 =	vadd.s32 v8, v27;
	[tilespmem:$0x410] =	vst v60  }
0x68: {  	v62 =	vadd.s32 v9, v28;
	[tilespmem:$0x420] =	vst v61  }
0x69: {  	v63 =	vadd.s32 v10, v29;
	[tilespmem:$0x430] =	vst v62  }
0x6a: {  	v33 =	vadd.s32 v11, v27;
	[tilespmem:$0x440] =	vst v63  }
0x6b: {  	v34 =	vadd.s32 v12, v28;
	[tilespmem:$0x450] =	vst v33  }
0x6c: {  	v35 =	vadd.s32 v13, v29;
	[tilespmem:$0x460] =	vst v34  }
0x6d: {  	v36 =	vadd.s32 v14, v27;
	[tilespmem:$0x470] =	vst v35  }
0x6e: {  	v37 =	vadd.s32 v15, v28;
	[tilespmem:$0x480] =	vst v36  }
0x6f: {  	v38 =	vadd.s32 v16, v29;
	[tilespmem:$0x490] =	vst v37  }
0x70: {  	v39 =	vadd.s32 v17, v27;
	[tilespmem:$0x4A0] =	vst v38  }
0x71: {  	v40 =	vadd.s32 v18, v28;
	[tilespmem:$0x4B0] =	vst v39  }
0x72: {  	v41 =	vadd.s32 v19, v29;
	[tilespmem:$0x4C0] =	vst v40  }
0x73: {  	v42 =	vadd.s32 v20, v27;
	[tilespmem:$0x4D0] =	vst v41  }
0x74: {  	v43 =	vadd.s32 v21, v28;
	[tilespmem:$0x4E0] =	vst v42  }
0x75: {  	v44 =	vadd.s32 v22, v29;
	[tilespmem:$0x4F0] =	vst v43  }
0x76: {  	v45 =	vadd.s32 v24, v27;
	[tilespmem:$0x500] =	vst v44  }
0x77: {  	v28 =	vadd.s32 v23, v28;
	[tilespmem:$0x510] =	vst v45  }
0x78: {  	v46 =	vadd.s32 v25, v29;
	[tilespmem:$0x520] =	vst v28  }
0x79: {  	s7 =	rddreg [dreg:$0xb];
	v27 =	vadd.s32 v26, v27;
	[tilespmem:$0x530] =	vst v46  }
0x7a: {  	s2 =	rddreg [dreg:$0x9];
	[tilespmem:$0x540] =	vst v27  }
0x7b: {  	[tilespmem:s14], [sflag:$0x2] =	stream.indirect.gather [hbm4b:s3+s12], $0x20, s2, s12, $0xb8;
	[tilespmem:$0xC850] =	vst v63  }
0x7c: {  	s5 =	rddreg [dreg:$0xa];
	s8 =	smulhi.u32 $0xAAAAAAAB, s29  }
0x7d: {  	[tilespmem:s7], [sflag:$0x2] =	stream.indirect.gather [hbm4b:s3+s12], $0x20, s5, s12, $0xb8;
	[tilespmem:$0xC850] =	vst v63  }
0x7e: {  	s5 =	smulhi.u32 $0x38E38E39, s29  }
0x7f: {  	s0 =	sshrl.u32 s8, $0x3;
	s8 =	rddreg [dreg:$0xd]  }
0x80: {  	s0 =	smul.u32 $0xFFFFFDC0, s0;
	s7 =	rddreg [dreg:$0xc];
	s2 =	sshrl.u32 s5, $0x8  }
0x81: {  	[tilespmem:s8], [sflag:$0x2] =	stream.indirect.gather [hbm4b:s3+s12], $0x20, s7, s12, $0xb8;
	[tilespmem:$0xC850] =	vst v63  }
0x82: {  	s2 =	smul.u32 $0x240, s2  }
0x83: {  	s5 =	simm.s32 @!p0 $0x7  }
0x84: {  	_ =	swait.ge @!p0 [sflag:s5], $0x3000;
	s0 =	sadd.s32 s2, s0  }
0x85: {  	[sflag:s5] =	ssyncset.done @!p0 $0x0;
	s0 =	sshra.s32 s0, $0x2  }
0x86: {  	[sflag:s5] =	ssyncadd.s32 @!p0 $0xFFFFD000;
	s0 =	sadd.s32 s0, s30  }
0x87: {  	v27 =	vld [tilespmem:s0+$0xFFFFFFF4]  }
0x88: {  	s7 =	sadd.s32 $0xFFFFFFFF, s31  }
0x89: {  	s0 =	smulhi.u32 $0xAAAAAAAB, s7;
	_ =	sdelay $0x1  }
0x8a: {  	s0 =	sshrl.u32 s0, $0x3  }
0x8b: {  	s0 =	smul.u32 $0x1200, s0;
	v47 =	vperm.xlane v27, v0  }
0x8c: {  	v48 =	vperm.xlane v27, v2  }
0x8d: {  	v27 =	vperm.xlane v27, v4;
	v28 =	vadd.s32 s0, v47  }
0x8e: {  	v29 =	vadd.s32 s0, v48;
	v49 =	vadd.s32 v1, v28  }
0x8f: {  	v27 =	vadd.s32 s0, v27;
	v50 =	vadd.s32 v3, v29;
	[tilespmem:$0x550] =	vst v49  }
0x90: {  	v51 =	vadd.s32 v5, v27;
	[tilespmem:$0x560] =	vst v50  }
0x91: {  	v52 =	vadd.s32 v6, v28;
	[tilespmem:$0x570] =	vst v51  }
0x92: {  	v53 =	vadd.s32 v7, v29;
	[tilespmem:$0x580] =	vst v52  }
0x93: {  	v54 =	vadd.s32 v8, v27;
	[tilespmem:$0x590] =	vst v53  }
0x94: {  	v55 =	vadd.s32 v9, v28;
	[tilespmem:$0x5A0] =	vst v54  }
0x95: {  	v56 =	vadd.s32 v10, v29;
	[tilespmem:$0x5B0] =	vst v55  }
0x96: {  	v57 =	vadd.s32 v11, v27;
	[tilespmem:$0x5C0] =	vst v56  }
0x97: {  	v58 =	vadd.s32 v12, v28;
	[tilespmem:$0x5D0] =	vst v57  }
0x98: {  	v59 =	vadd.s32 v13, v29;
	[tilespmem:$0x5E0] =	vst v58  }
0x99: {  	v60 =	vadd.s32 v14, v27;
	[tilespmem:$0x5F0] =	vst v59  }
0x9a: {  	v61 =	vadd.s32 v15, v28;
	[tilespmem:$0x600] =	vst v60  }
0x9b: {  	v62 =	vadd.s32 v16, v29;
	[tilespmem:$0x610] =	vst v61  }
0x9c: {  	v63 =	vadd.s32 v17, v27;
	[tilespmem:$0x620] =	vst v62  }
0x9d: {  	v33 =	vadd.s32 v18, v28;
	[tilespmem:$0x630] =	vst v63  }
0x9e: {  	v34 =	vadd.s32 v19, v29;
	[tilespmem:$0x640] =	vst v33  }
0x9f: {  	v35 =	vadd.s32 v20, v27;
	[tilespmem:$0x650] =	vst v34  }
0xa0: {  	v36 =	vadd.s32 v21, v28;
	[tilespmem:$0x660] =	vst v35  }
0xa1: {  	v37 =	vadd.s32 v22, v29;
	[tilespmem:$0x670] =	vst v36  }
0xa2: {  	v38 =	vadd.s32 v24, v27;
	[tilespmem:$0x680] =	vst v37  }
0xa3: {  	v28 =	vadd.s32 v23, v28;
	[tilespmem:$0x690] =	vst v38  }
0xa4: {  	s8 =	rddreg [dreg:$0xe];
	v39 =	vadd.s32 v25, v29;
	[tilespmem:$0x6A0] =	vst v28  }
0xa5: {  	s2 =	rddreg [dreg:$0xf];
	v27 =	vadd.s32 v26, v27;
	[tilespmem:$0x6B0] =	vst v39  }
0xa6: {  	s5 =	rddreg [dreg:$0x10];
	[tilespmem:$0x6C0] =	vst v27  }
0xa7: {  	[tilespmem:s15], [sflag:$0x3] =	stream.indirect.gather [hbm4b:s3+s12], $0x20, s8, s12, $0xb8;
	[tilespmem:$0xC850] =	vst v63  }
0xa8: {  	s7 =	rddreg [dreg:$0x11]  }
0xa9: {  	[tilespmem:s5], [sflag:$0x3] =	stream.indirect.gather [hbm4b:s3+s12], $0x20, s2, s12, $0xb8;
	[tilespmem:$0xC850] =	vst v63  }
0xaa: {  	s8 =	rddreg [dreg:$0x12]  }
0xab: {  	[tilespmem:s8], [sflag:$0x3] =	stream.indirect.gather [hbm4b:s3+s12], $0x20, s7, s12, $0xb8;
	[tilespmem:$0xC850] =	vst v63  }
0xac: {  	_ =	swait.ge [sflag:s16], $0x1000  }
0xad: {  	[sflag:s16] =	ssyncset.done $0x0  }
0xae: {  	[sflag:s16] =	ssyncadd.s32 $0xFFFFF000  }
0xaf: {  	_ =	swait.ge [sflag:s16], $0x1000  }
0xb0: {  	s7 =	smulhi.u32 $0xAAAAAAAB, s31;
	[sflag:s16] =	ssyncset.done $0x0  }
0xb1: {  	s8 =	smulhi.u32 $0x38E38E39, s31;
	[sflag:s16] =	ssyncadd.s32 $0xFFFFF000  }
0xb2: {  	_ =	swait.ge [sflag:s16], $0x1000  }
0xb3: {  	s5 =	sshrl.u32 s7, $0x3;
	s8 =	sshrl.u32 s8, $0x8;
	[sflag:s16] =	ssyncset.done $0x0  }
0xb4: {  	s7 =	smul.u32 $0xFFFFFDC0, s5;
	s2 =	rddreg [dreg:$0x3];
	[sflag:s16] =	ssyncadd.s32 $0xFFFFF000  }
0xb5: {  	s0 =	sadd.s32 s1, s2;
	s2 =	smul.u32 $0x240, s8;
	s8 =	simm.s32 @!p0 $0x8  }
0xb6: {  	[hbm4b:s0+s4] =	stream.linear.scatter [tilespmem:s13], [sflag:$0x5], $0x3000, $0x38;
	[tilespmem:$0xC850] =	vst v63  }
0xb7: {  	s7 =	sshra.s32 s7, $0x2;
	_ =	swait.ge @!p0 [sflag:s8], $0x3000  }
0xb8: {  	s7 =	sadd.s32 s7, s30;
	s2 =	sshra.s32 s2, $0x2;
	[sflag:s8] =	ssyncset.done @!p0 $0x0  }
0xb9: {  	s2 =	sadd.s32 s2, s7;
	[sflag:s8] =	ssyncadd.s32 @!p0 $0xFFFFD000  }
0xba: {  	v27 =	vld [tilespmem:s2+$0x0];
	_ =	sdelay $0x4  }
0xbb: {  	s8 =	smul.u32 $0x1200, s5;
	v40 =	vperm.xlane v27, v0  }
0xbc: {  	v41 =	vperm.xlane v27, v2  }
0xbd: {  	v27 =	vperm.xlane v27, v4;
	v28 =	vadd.s32 s8, v40  }
0xbe: {  	v29 =	vadd.s32 s8, v41;
	v42 =	vadd.s32 v1, v28  }
0xbf: {  	v27 =	vadd.s32 s8, v27;
	v43 =	vadd.s32 v3, v29;
	[tilespmem:$0x6D0] =	vst v42  }
0xc0: {  	v44 =	vadd.s32 v5, v27;
	[tilespmem:$0x6E0] =	vst v43  }
0xc1: {  	v45 =	vadd.s32 v6, v28;
	[tilespmem:$0x6F0] =	vst v44  }
0xc2: {  	v46 =	vadd.s32 v7, v29;
	[tilespmem:$0x700] =	vst v45  }
0xc3: {  	v47 =	vadd.s32 v8, v27;
	[tilespmem:$0x710] =	vst v46  }
0xc4: {  	v48 =	vadd.s32 v9, v28;
	[tilespmem:$0x720] =	vst v47  }
0xc5: {  	v49 =	vadd.s32 v10, v29;
	[tilespmem:$0x730] =	vst v48  }
0xc6: {  	v50 =	vadd.s32 v11, v27;
	[tilespmem:$0x740] =	vst v49  }
0xc7: {  	v51 =	vadd.s32 v12, v28;
	[tilespmem:$0x750] =	vst v50  }
0xc8: {  	v52 =	vadd.s32 v13, v29;
	[tilespmem:$0x760] =	vst v51  }
0xc9: {  	v53 =	vadd.s32 v14, v27;
	[tilespmem:$0x770] =	vst v52  }
0xca: {  	v54 =	vadd.s32 v15, v28;
	[tilespmem:$0x780] =	vst v53  }
0xcb: {  	v55 =	vadd.s32 v16, v29;
	[tilespmem:$0x790] =	vst v54  }
0xcc: {  	v56 =	vadd.s32 v17, v27;
	[tilespmem:$0x7A0] =	vst v55  }
0xcd: {  	v57 =	vadd.s32 v18, v28;
	[tilespmem:$0x7B0] =	vst v56  }
0xce: {  	v58 =	vadd.s32 v19, v29;
	[tilespmem:$0x7C0] =	vst v57  }
0xcf: {  	v59 =	vadd.s32 v20, v27;
	[tilespmem:$0x7D0] =	vst v58  }
0xd0: {  	v60 =	vadd.s32 v21, v28;
	[tilespmem:$0x7E0] =	vst v59  }
0xd1: {  	v61 =	vadd.s32 v22, v29;
	[tilespmem:$0x7F0] =	vst v60  }
0xd2: {  	v62 =	vadd.s32 v24, v27;
	[tilespmem:$0x800] =	vst v61  }
0xd3: {  	v28 =	vadd.s32 v23, v28;
	[tilespmem:$0x810] =	vst v62  }
0xd4: {  	s7 =	rddreg [dreg:$0x16];
	v63 =	vadd.s32 v25, v29;
	[tilespmem:$0x820] =	vst v28  }
0xd5: {  	s5 =	rddreg [dreg:$0x13];
	v27 =	vadd.s32 v26, v27;
	[tilespmem:$0x830] =	vst v63  }
0xd6: {  	s2 =	rddreg [dreg:$0x14];
	[tilespmem:$0x840] =	vst v27  }
0xd7: {  	[tilespmem:s17], [sflag:$0x4] =	stream.indirect.gather [hbm4b:s3+s12], $0x20, s5, s12, $0xb8;
	[tilespmem:$0xC850] =	vst v63  }
0xd8: {  	s5 =	rddreg [dreg:$0x15]  }
0xd9: {  	[tilespmem:s5], [sflag:$0x4] =	stream.indirect.gather [hbm4b:s3+s12], $0x20, s2, s12, $0xb8;
	[tilespmem:$0xC850] =	vst v63  }
0xda: {  	s8 =	rddreg [dreg:$0x17]  }
0xdb: {  	[tilespmem:s8], [sflag:$0x4] =	stream.indirect.gather [hbm4b:s3+s12], $0x20, s7, s12, $0xb8;
	[tilespmem:$0xC850] =	vst v63  }
0xdc: {  	_ =	swait.ge [sflag:s18], $0x1000  }
0xdd: {  	[sflag:s18] =	ssyncset.done $0x0  }
0xde: {  	[sflag:s18] =	ssyncadd.s32 $0xFFFFF000  }
0xdf: {  	_ =	swait.ge [sflag:s18], $0x1000  }
0xe0: {  	[sflag:s18] =	ssyncset.done $0x0  }
0xe1: {  	[sflag:s18] =	ssyncadd.s32 $0xFFFFF000  }
0xe2: {  	_ =	swait.ge [sflag:s18], $0x1000  }
0xe3: {  	[sflag:s18] =	ssyncset.done $0x0  }
0xe4: {  	s7 =	sadd.s32 $0x600, s0;
	[sflag:s18] =	ssyncadd.s32 $0xFFFFF000  }
0xe5: {  	[hbm4b:s7+s4] =	stream.linear.scatter [tilespmem:s14], [sflag:$0x6], $0x3000, $0x38;
	[tilespmem:$0xC850] =	vst v63  }
0xe6: {  	_ =	swait.ge [sflag:s19], $0x1000  }
0xe7: {  	[sflag:s19] =	ssyncset.done $0x0  }
0xe8: {  	[sflag:s19] =	ssyncadd.s32 $0xFFFFF000  }
0xe9: {  	_ =	swait.ge [sflag:s19], $0x1000  }
0xea: {  	[sflag:s19] =	ssyncset.done $0x0  }
0xeb: {  	[sflag:s19] =	ssyncadd.s32 $0xFFFFF000  }
0xec: {  	_ =	swait.ge [sflag:s19], $0x1000  }
0xed: {  	[sflag:s19] =	ssyncset.done $0x0  }
0xee: {  	s8 =	sadd.s32 $0xC00, s0;
	[sflag:s19] =	ssyncadd.s32 $0xFFFFF000  }
0xef: {  	[hbm4b:s8+s4] =	stream.linear.scatter [tilespmem:s15], [sflag:$0x7], $0x3000, $0x38;
	[tilespmem:$0xC850] =	vst v63  }
0xf0: {  	_ =	swait.ge [sflag:s20], $0x1000  }
0xf1: {  	[sflag:s20] =	ssyncset.done $0x0  }
0xf2: {  	[sflag:s20] =	ssyncadd.s32 $0xFFFFF000  }
0xf3: {  	s1 =	sadd.s32 $0x1800, s1;
	_ =	swait.ge [sflag:s20], $0x1000  }
0xf4: {  	p0 =	sne.s32 s1, $0x36000;
	[sflag:s20] =	ssyncset.done $0x0  }
.Ltmp0:
0xf5: {  	[sflag:s20] =	ssyncadd.s32 $0xFFFFF000;
	(pc) =	sbr.rel @p0 .LBB2_2-.Ltmp0, $4  }
0xf6: {  	s26 =	sadd.s32 $0x4, s26;
	s28 =	sadd.s32 $0x4, s28;
	_ =	swait.ge [sflag:s20], $0x1000  }
0xf7: {  	s29 =	sadd.s32 $0x4, s29;
	s31 =	sadd.s32 $0x4, s31;
	[sflag:s20] =	ssyncset.done $0x0  }
0xf8: {  	s30 =	sadd.s32 $0x30, s30;
	s0 =	sadd.s32 $0x1200, s0;
	[sflag:s20] =	ssyncadd.s32 $0xFFFFF000  }
0xf9: {  	[hbm4b:s0+s4] =	stream.linear.scatter [tilespmem:s17], [sflag:$0x8], $0x3000, $0x38;
	[tilespmem:$0xC850] =	vst v63  }
0xfa: {  	_ =	swait.ge [sflag:s21], $0x3000  }
0xfb: {  	[sflag:s21] =	ssyncset.done $0x0  }
0xfc: {  	[sflag:s21] =	ssyncadd.s32 $0xFFFFD000  }
0xfd: {  	_ =	swait.ge [sflag:s22], $0x3000  }
0xfe: {  	[sflag:s22] =	ssyncset.done $0x0  }
0xff: {  	[sflag:s22] =	ssyncadd.s32 $0xFFFFD000  }
0x100: {  	_ =	swait.ge [sflag:s23], $0x3000  }
0x101: {  	[sflag:s23] =	ssyncset.done $0x0  }
0x102: {  	[sflag:s23] =	ssyncadd.s32 $0xFFFFD000  }
0x103: {  	_ =	swait.ge [sflag:s24], $0x3000  }
0x104: {  	s25 =	sadd.s32 $0x1, s25;
	s0 =	rddreg [dreg:$0x18]  }
0x105: {  	p0 =	sne.s32 s25, s0  }
.Ltmp1:
0x106: {  	_ = 	snop;
	(pc) =	sbr.rel @p0 .LBB2_1-.Ltmp1, $3  }
0x107: {  	_ =	sdelay $0x1  }
0x108: {  	[sflag:s24] =	ssyncset.done $0x0  }
0x109: {  	[sflag:s24] =	ssyncadd.s32 $0xFFFFD000  }
0x10a: {  	_ =	sfence.sel $0x180000  }
0x10b: {  	[bflag:$0x0] =	sbarrier.arrive $0xFFFF  }
0x10c: {  	_ =	strace $0x90000047  }
0x10d: {  	s0 =	stileid.u32;
	[bflag:$0x2] =	sbarrier.arrive $0xFFFF  }
0x10e: {  	p0 =	sne.s32 s0, $0x0;
	s0 =	rddreg [dreg:$0x2]  }
0x10f: {  	s0 =	sadd.s32 @!p0 $0x100000, s0  }
0x110: {  	[sflag:s0] =	ssyncadd.tile.s32 @!p0 $0x1;
	_ =	shalt  }
.Lfunc_end2:
_tile_overlayer_lowered:
.L_overlay_start_2:
0x111: {  	(tag) =	ssettag $0x2  }
0x112: {  	s0 =	rddreg [dreg:$0x0];
	s2 =	stileid.u32  }
0x113: {  	s1 =	rddreg [dreg:$0x1];
	p0 =	sne.s32 s2, $0x0  }
0x114: {  	s3 =	rddreg [dreg:$0x2];
	[bflag:$0x3] =	sbarrier.arrive $0xFFFF;
	s2 =	simm.s32 @!p0 $0x1C09  }
0x115: {  	[timem:s3], [sflag:s2] =	dma.local @!p0 [hbm:s0], s1  }
0x116: {  	s0 =	simm.s32 @!p0 $0x9  }
0x117: {  	_ =	swait.ge @!p0 [sflag:s0], s1  }
0x118: {  	s1 =	ssub.s32 @!p0 $0x0, s1;
	[sflag:s0] =	ssyncset.done @!p0 $0x0  }
0x119: {  	[sflag:s0] =	ssyncadd.s32 @!p0 s1  }
0x11a: {  	[bflag:$0x3] =	sbarrier.arrive $0xFFFF  }
0x11b: {  	_ =	shalt  }

</sc_bundles>
